<compile_context>
chip_gen: v7x
topology: tpu7x:2x2x1
jax: 0.10.2.dev20260603
libtpu: 0.0.44.dev20260713+nightly
codegen_flags: <defaults>
</compile_context>

<pallas_src>
import functools

import jax
import jax.numpy as jnp
from jax import lax
from jax.experimental import pallas as pl
from jax.experimental.pallas import tpu as pltpu
from jax.experimental.pallas import tpu_sc as plsc

MIN_NORM = 1e-15
N = 10000
D = 128
E = 320000
NC = 2
NS = 16
CHUNK = 64
EDGES_PER_TILE = E // (NC * NS)
EPT_PAD = 10240
K = EPT_PAD // CHUNK
NBLK = 4
KB = K // NBLK
NBUF = 4
NPAD = 10240
ROWS_PER_TILE = NPAD // NS
ROW_BLK = 1000


def _artanh(x):
    x = jnp.clip(x, -1.0 + 1e-7, 1.0 - 1e-7)
    return 0.5 * jnp.log((1.0 + x) / (1.0 - x))


def _proj(x):
    norm = jnp.maximum(
        jnp.sqrt(jnp.sum(x * x, axis=-1, keepdims=True)), MIN_NORM)
    maxnorm = 1.0 - 4e-3
    return jnp.where(norm > maxnorm, x / norm * maxnorm, x)


def _dense_body(x_ref, w_ref, b_ref, out_ref):
    x = x_ref[...]
    w = w_ref[...]
    b = b_ref[...]
    x_norm = jnp.maximum(
        jnp.sqrt(jnp.sum(x * x, axis=-1, keepdims=True)), MIN_NORM)
    mx = jnp.dot(x, w, preferred_element_type=jnp.float32)
    mx_norm = jnp.maximum(
        jnp.sqrt(jnp.sum(mx * mx, axis=-1, keepdims=True)), MIN_NORM)
    res = jnp.tanh(mx_norm / x_norm * _artanh(x_norm)) * mx / mx_norm
    support = jnp.where(jnp.all(mx == 0.0, axis=-1, keepdims=True), 0.0, res)
    b_norm = jnp.maximum(
        jnp.sqrt(jnp.sum(b * b, axis=-1, keepdims=True)), MIN_NORM)
    hb = _proj(jnp.tanh(b_norm) * b / b_norm)
    x2 = jnp.sum(support * support, axis=-1, keepdims=True)
    y2 = jnp.sum(hb * hb, axis=-1, keepdims=True)
    xy = jnp.sum(support * hb, axis=-1, keepdims=True)
    num = (1.0 + 2.0 * xy + y2) * support + (1.0 - x2) * hb
    den = 1.0 + 2.0 * xy + x2 * y2
    s = _proj(num / jnp.maximum(den, MIN_NORM))
    p_norm = jnp.maximum(
        jnp.sqrt(jnp.sum(s * s, axis=-1, keepdims=True)), MIN_NORM)
    out_ref[...] = (_artanh(p_norm) / p_norm) * s


_dense = pl.pallas_call(
    _dense_body,
    grid=(N // ROW_BLK,),
    in_specs=[
        pl.BlockSpec((ROW_BLK, D), lambda i: (i, 0)),
        pl.BlockSpec((D, D), lambda i: (0, 0)),
        pl.BlockSpec((1, D), lambda i: (0, 0)),
    ],
    out_specs=pl.BlockSpec((ROW_BLK, D), lambda i: (i, 0)),
    out_shape=jax.ShapeDtypeStruct((N, D), jnp.float32),
)


def _sc_body(st_hbm, src_hbm, dst_hbm, zeros_hbm, out_hbm,
             src_v, dst_v, rows0, rows1, rows2, rows3, acc,
             g0, g1, g2, g3, s0, s1, s2, s3):
    cid = lax.axis_index("c")
    sid = lax.axis_index("s")
    row0 = sid * ROWS_PER_TILE
    pltpu.sync_copy(zeros_hbm, acc.at[pl.ds(row0, ROWS_PER_TILE)])
    plsc.subcore_barrier()

    rows = (rows0, rows1, rows2, rows3)
    gsems = (g0, g1, g2, g3)
    ssems = (s0, s1, s2, s3)

    def gather_start(k, b):
        pltpu.async_copy(st_hbm.at[src_v.at[k]], rows[b], gsems[b])

    def gather_wait(k, b):
        pltpu.make_async_copy(st_hbm.at[src_v.at[k]], rows[b],
                              gsems[b]).wait()

    def scatter_start(k, b):
        pltpu.async_copy(rows[b], acc.at[dst_v.at[k]], ssems[b], add=True)

    def scatter_wait(k, b):
        pltpu.make_async_copy(rows[b], acc.at[dst_v.at[k]], ssems[b]).wait()

    for blk in range(NBLK):
        pltpu.sync_copy(src_hbm.at[cid, sid, blk], src_v)
        pltpu.sync_copy(dst_hbm.at[cid, sid, blk], dst_v)

        gather_start(0, 0)
        gather_start(1, 1)
        gather_wait(0, 0)
        scatter_start(0, 0)
        gather_start(2, 2)
        gather_wait(1, 1)
        scatter_start(1, 1)
        gather_start(3, 3)

        def quad(i, carry):
            for j in range(NBUF):
                k = NBUF * i + j + 2
                b = (j + 2) % NBUF
                gather_wait(k, b)
                scatter_start(k, b)
                scatter_wait(k - 2, (b + 2) % NBUF)
                gather_start(k + 2, (b + 2) % NBUF)
            return carry

        lax.fori_loop(0, (KB - 4) // NBUF, quad, 0)
        for k in (KB - 2, KB - 1):
            b = k % NBUF
            gather_wait(k, b)
            scatter_start(k, b)
            scatter_wait(k - 2, (k - 2) % NBUF)
        scatter_wait(KB - 2, (KB - 2) % NBUF)
        scatter_wait(KB - 1, (KB - 1) % NBUF)

    plsc.subcore_barrier()
    pltpu.sync_copy(acc.at[pl.ds(row0, ROWS_PER_TILE)],
                    out_hbm.at[cid, pl.ds(row0, ROWS_PER_TILE)])


@functools.cache
def _sc_spmm():
    return pl.kernel(
        _sc_body,
        out_type=jax.ShapeDtypeStruct((NC, NPAD, D), jnp.float32),
        mesh=plsc.VectorSubcoreMesh(core_axis_name="c", subcore_axis_name="s",
                                    num_cores=NC, num_subcores=NS),
        scratch_types=(
            [pltpu.VMEM((KB, CHUNK), jnp.int32)] * 2
            + [pltpu.VMEM((CHUNK, D), jnp.float32)] * 4
            + [pltpu.VMEM_SHARED((NPAD, D), jnp.float32)]
            + [pltpu.SemaphoreType.DMA] * 8
        ),
    )


def _add_relu_body(p_ref, out_ref):
    out_ref[...] = jnp.maximum(p_ref[0] + p_ref[1], 0.0)


_add_relu = pl.pallas_call(
    _add_relu_body,
    grid=(N // ROW_BLK,),
    in_specs=[pl.BlockSpec((NC, ROW_BLK, D), lambda i: (0, i, 0))],
    out_specs=pl.BlockSpec((ROW_BLK, D), lambda i: (i, 0)),
    out_shape=jax.ShapeDtypeStruct((N, D), jnp.float32),
)


def kernel(adjacency_edge_index, input_feature, weight, bias):
    st = _dense(input_feature, weight, bias.reshape(1, D))
    ei = adjacency_edge_index.astype(jnp.int32)
    npt = EPT_PAD - EDGES_PER_TILE
    tiles = NC * NS
    pad_d = N + ((jnp.arange(npt, dtype=jnp.int32)[None, :]
                  + 15 * jnp.arange(tiles, dtype=jnp.int32)[:, None]) % npt)
    dst_i = jnp.concatenate(
        [ei[0].reshape(tiles, EDGES_PER_TILE), pad_d], axis=1)
    src_i = jnp.pad(ei[1].reshape(tiles, EDGES_PER_TILE), ((0, 0), (0, npt)))
    dst_i = dst_i.reshape(NC, NS, NBLK, KB, CHUNK)
    src_i = src_i.reshape(NC, NS, NBLK, KB, CHUNK)
    zeros = jnp.zeros((ROWS_PER_TILE, D), jnp.float32)
    partials = _sc_spmm()(st, src_i, dst_i, zeros)
    return _add_relu(partials)

# --- scband reference (transcript-rebuilt; emitter-appended) ---
"""Pipeline reference for scband-graph-convolution-77524159693609 (READ-ONLY COPY).

The authoritative reference and input builder live on the scoring server;
editing this copy changes nothing except your own understanding.
"""

import jax, jax.numpy as jnp
import numpy as np

MIN_NORM = 1e-15
C = 1.0
N_NODES = 10000
IN_DIM = 128
OUT_DIM = 128
N_EDGES = 320000


def artanh(x):
    x = jnp.clip(x, -1.0 + 1e-7, 1.0 - 1e-7)
    return 0.5 * jnp.log((1.0 + x) / (1.0 - x))


def proj(x, c):
    norm = jnp.maximum(jnp.linalg.norm(x, axis=-1, keepdims=True), MIN_NORM)
    eps = 4e-3
    maxnorm = (1.0 - eps) / jnp.sqrt(c)
    cond = norm > maxnorm
    projected = x / norm * maxnorm
    return jnp.where(cond, projected, x)


def expmap0(u, c):
    sqrt_c = jnp.sqrt(c)
    u_norm = jnp.maximum(jnp.linalg.norm(u, axis=-1, keepdims=True), MIN_NORM)
    gamma_1 = jnp.tanh(sqrt_c * u_norm) * u / (sqrt_c * u_norm)
    return gamma_1


def logmap0(p, c):
    sqrt_c = jnp.sqrt(c)
    p_norm = jnp.maximum(jnp.linalg.norm(p, axis=-1, keepdims=True), MIN_NORM)
    scale = (1.0 / sqrt_c) * artanh(sqrt_c * p_norm) / p_norm
    return scale * p


def mobius_add(x, y, c):
    x2 = jnp.sum(x * x, axis=-1, keepdims=True)
    y2 = jnp.sum(y * y, axis=-1, keepdims=True)
    xy = jnp.sum(x * y, axis=-1, keepdims=True)
    num = (1.0 + 2.0 * c * xy + c * y2) * x + (1.0 - c * x2) * y
    denom = 1.0 + 2.0 * c * xy + c * c * x2 * y2
    return num / jnp.maximum(denom, MIN_NORM)


def mobius_matvec_with_weight(x, weight, c):
    # torch: drop_weight = weight.transpose(-1,-2); mobius_matvec computes x @ drop_weight.T = x @ weight
    sqrt_c = jnp.sqrt(c)
    x_norm = jnp.maximum(jnp.linalg.norm(x, axis=-1, keepdims=True), MIN_NORM)
    mx = x @ weight
    mx_norm = jnp.maximum(jnp.linalg.norm(mx, axis=-1, keepdims=True), MIN_NORM)
    res_c = jnp.tanh(mx_norm / x_norm * artanh(sqrt_c * x_norm)) * mx / (mx_norm * sqrt_c)
    cond = jnp.all(mx == 0, axis=-1, keepdims=True)
    return jnp.where(cond, jnp.zeros_like(res_c), res_c)


def setup_inputs(seed: int = 0) -> dict:
    key = jax.random.key(seed)
    k1, k2, k3, k4 = jax.random.split(key, 4)
    # hyperbolic input features: small norm so points lie inside the Poincare ball
    input_feature = 0.01 * jax.random.normal(k1, (N_NODES, IN_DIM), dtype=jnp.float32)
    input_feature = proj(input_feature, C)
    edge_index = jax.random.randint(k2, (2, N_EDGES), 0, N_NODES, dtype=jnp.int64)
    # kaiming-uniform-like weight init
    bound = float(np.sqrt(6.0 / IN_DIM))
    weight = jax.random.uniform(k3, (IN_DIM, OUT_DIM), dtype=jnp.float32, minval=-bound, maxval=bound)
    bias = 0.01 * jax.random.normal(k4, (OUT_DIM,), dtype=jnp.float32)
    return {"adjacency_edge_index": edge_index, "input_feature": input_feature, "weight": weight, "bias": bias}


def reference(adjacency_edge_index, input_feature, weight, bias):
    c = C
    # dropout p=0.0 -> identity on weight
    support = mobius_matvec_with_weight(input_feature, weight, c)
    # bias path: proj_tan0 is identity for PoincareBall
    bias_t = bias.reshape(1, -1)
    hyp_bias = proj(expmap0(bias_t, c), c)
    support = mobius_add(support, hyp_bias, c)
    support = proj(support, c)
    support_tangent = logmap0(support, c)
    # torch.spmm(adjacency, support_tangent) with binary adjacency:
    # out[dst] = sum over edges (dst, src) of support_tangent[src]
    dst = adjacency_edge_index[0]
    src = adjacency_edge_index[1]
    gathered = jnp.take(support_tangent, src, axis=0)
    support_t = jnp.zeros((input_feature.shape[0], support_tangent.shape[-1]), dtype=support_tangent.dtype).at[dst].add(gathered)
    output = jax.nn.relu(support_t)
    return output

if __name__ == "__main__":
    import jax
    _d = setup_inputs()
    print(jax.jit(kernel)(*tuple(_d.values())))

</pallas_src>

<mosaic_0001>
#map = affine_map<(d0, d1) -> (0, 0)>
#map1 = affine_map<(d0, d1) -> (0, 0, 0, 0, 0)>
#map2 = affine_map<(d0, d1) -> (0, 0, 0)>
module attributes {stable_mosaic.version = 14 : i64} {
  func.func @_sc_body(%arg0: i32, %arg1: i32, %arg2: memref<10000x128xf32, #tpu.memory_space<hbm>>, %arg3: memref<2x16x4x40x64xi32, #tpu.memory_space<hbm>>, %arg4: memref<2x16x4x40x64xi32, #tpu.memory_space<hbm>>, %arg5: memref<640x128xf32, #tpu.memory_space<hbm>>, %arg6: memref<2x10240x128xf32, #tpu.memory_space<hbm>>, %arg7: memref<40x64xi32, #tpu.memory_space<vmem>>, %arg8: memref<40x64xi32, #tpu.memory_space<vmem>>, %arg9: memref<64x128xf32, #tpu.memory_space<vmem>>, %arg10: memref<64x128xf32, #tpu.memory_space<vmem>>, %arg11: memref<64x128xf32, #tpu.memory_space<vmem>>, %arg12: memref<64x128xf32, #tpu.memory_space<vmem>>, %arg13: memref<10240x128xf32, #tpu.memory_space<vmem_shared>>, %arg14: memref<!tpu.dma_semaphore, #tpu.memory_space<semaphore_mem>>, %arg15: memref<!tpu.dma_semaphore, #tpu.memory_space<semaphore_mem>>, %arg16: memref<!tpu.dma_semaphore, #tpu.memory_space<semaphore_mem>>, %arg17: memref<!tpu.dma_semaphore, #tpu.memory_space<semaphore_mem>>, %arg18: memref<!tpu.dma_semaphore, #tpu.memory_space<semaphore_mem>>, %arg19: memref<!tpu.dma_semaphore, #tpu.memory_space<semaphore_mem>>, %arg20: memref<!tpu.dma_semaphore, #tpu.memory_space<semaphore_mem>>, %arg21: memref<!tpu.dma_semaphore, #tpu.memory_space<semaphore_mem>>) attributes {dimension_semantics = [#tpu.dimension_semantics<core_parallel>, #tpu.dimension_semantics<subcore_parallel>], iteration_bounds = array<i64: 2, 16>, scalar_prefetch = 0 : i64, scratch_operands = 15 : i64, tpu.core_type = #tpu.core_type<sc_vector_subcore>, window_params = [{transform_indices = #map}, {transform_indices = #map1}, {transform_indices = #map1}, {transform_indices = #map}, {transform_indices = #map2}]} {
    %mul3A = arith.constant 640 : i32
    %mul3A_0 = arith.muli %arg1, %mul3A : i32
    "tpu.region"() ({
      %run_scoped3A_478 = tpu.sem_alloc : memref<!tpu.dma_semaphore, #tpu.memory_space<semaphore_mem>>
      %dma_start3A_479 = arith.constant 0 : i32
      %dma_start3A_480 = tpu.memref_slice %arg13[%mul3A_0, %dma_start3A_479] : memref<10240x128xf32, #tpu.memory_space<vmem_shared>> -> memref<640x128xf32, #tpu.memory_space<vmem_shared>>
      tpu.enqueue_dma source(%arg5 : memref<640x128xf32, #tpu.memory_space<hbm>>) target(%dma_start3A_480 : memref<640x128xf32, #tpu.memory_space<vmem_shared>>) target_semaphore(%run_scoped3A_478 : memref<!tpu.dma_semaphore, #tpu.memory_space<semaphore_mem>>)
      %dma_wait3A_481 = arith.constant 0 : i32
      %dma_wait3A_482 = tpu.memref_slice %arg13[%mul3A_0, %dma_wait3A_481] : memref<10240x128xf32, #tpu.memory_space<vmem_shared>> -> memref<640x128xf32, #tpu.memory_space<vmem_shared>>
      tpu.wait_dma2 semaphore(%run_scoped3A_478 : memref<!tpu.dma_semaphore, #tpu.memory_space<semaphore_mem>>) src(%arg5 : memref<640x128xf32, #tpu.memory_space<hbm>>) dst(%dma_wait3A_482 : memref<640x128xf32, #tpu.memory_space<vmem_shared>>)
      tpu.yield
    }) : () -> ()
    %barrier3A = arith.constant 0 : index
    tpu.barrier barrier_id(%barrier3A)
    %run_scoped3A = arith.constant 0 : i32
    "tpu.region"() ({
      %run_scoped3A_478 = tpu.sem_alloc : memref<!tpu.dma_semaphore, #tpu.memory_space<semaphore_mem>>
      %dma_start3A_479 = arith.constant 0 : i32
      %dma_start3A_480 = arith.constant 0 : i32
      %dma_start3A_481 = tpu.memref_slice %arg3[%arg0, %arg1, %run_scoped3A, %dma_start3A_479, %dma_start3A_480] : memref<2x16x4x40x64xi32, #tpu.memory_space<hbm>> -> memref<1x1x1x40x64xi32, #tpu.memory_space<hbm>>
      %dma_start3A_482 = tpu.memref_squeeze %dma_start3A_481 : memref<1x1x1x40x64xi32, #tpu.memory_space<hbm>> -> memref<40x64xi32, #tpu.memory_space<hbm>>
      %dma_start3A_483 = arith.constant 0 : i32
      %dma_start3A_484 = arith.constant 0 : i32
      %dma_start3A_485 = tpu.memref_slice %arg3[%arg0, %arg1, %run_scoped3A, %dma_start3A_483, %dma_start3A_484] : memref<2x16x4x40x64xi32, #tpu.memory_space<hbm>> -> memref<1x1x1x40x64xi32, #tpu.memory_space<hbm>>
      %dma_start3A_486 = tpu.memref_squeeze %dma_start3A_485 : memref<1x1x1x40x64xi32, #tpu.memory_space<hbm>> -> memref<40x64xi32, #tpu.memory_space<hbm>>
      tpu.enqueue_dma source(%dma_start3A_486 : memref<40x64xi32, #tpu.memory_space<hbm>>) target(%arg7 : memref<40x64xi32, #tpu.memory_space<vmem>>) target_semaphore(%run_scoped3A_478 : memref<!tpu.dma_semaphore, #tpu.memory_space<semaphore_mem>>)
      %dma_wait3A_487 = arith.constant 0 : i32
      %dma_wait3A_488 = arith.constant 0 : i32
      %dma_wait3A_489 = tpu.memref_slice %arg3[%arg0, %arg1, %run_scoped3A, %dma_wait3A_487, %dma_wait3A_488] : memref<2x16x4x40x64xi32, #tpu.memory_space<hbm>> -> memref<1x1x1x40x64xi32, #tpu.memory_space<hbm>>
      %dma_wait3A_490 = tpu.memref_squeeze %dma_wait3A_489 : memref<1x1x1x40x64xi32, #tpu.memory_space<hbm>> -> memref<40x64xi32, #tpu.memory_space<hbm>>
      %dma_wait3A_491 = arith.constant 0 : i32
      %dma_wait3A_492 = arith.constant 0 : i32
      %dma_wait3A_493 = tpu.memref_slice %arg3[%arg0, %arg1, %run_scoped3A, %dma_wait3A_491, %dma_wait3A_492] : memref<2x16x4x40x64xi32, #tpu.memory_space<hbm>> -> memref<1x1x1x40x64xi32, #tpu.memory_space<hbm>>
      %dma_wait3A_494 = tpu.memref_squeeze %dma_wait3A_493 : memref<1x1x1x40x64xi32, #tpu.memory_space<hbm>> -> memref<40x64xi32, #tpu.memory_space<hbm>>
      tpu.wait_dma2 semaphore(%run_scoped3A_478 : memref<!tpu.dma_semaphore, #tpu.memory_space<semaphore_mem>>) src(%dma_wait3A_494 : memref<40x64xi32, #tpu.memory_space<hbm>>) dst(%arg7 : memref<40x64xi32, #tpu.memory_space<vmem>>)
      tpu.yield
    }) : () -> ()
    %run_scoped3A_1 = arith.constant 0 : i32
    "tpu.region"() ({
      %run_scoped3A_478 = tpu.sem_alloc : memref<!tpu.dma_semaphore, #tpu.memory_space<semaphore_mem>>
      %dma_start3A_479 = arith.constant 0 : i32
      %dma_start3A_480 = arith.constant 0 : i32
      %dma_start3A_481 = tpu.memref_slice %arg4[%arg0, %arg1, %run_scoped3A_1, %dma_start3A_479, %dma_start3A_480] : memref<2x16x4x40x64xi32, #tpu.memory_space<hbm>> -> memref<1x1x1x40x64xi32, #tpu.memory_space<hbm>>
      %dma_start3A_482 = tpu.memref_squeeze %dma_start3A_481 : memref<1x1x1x40x64xi32, #tpu.memory_space<hbm>> -> memref<40x64xi32, #tpu.memory_space<hbm>>
      %dma_start3A_483 = arith.constant 0 : i32
      %dma_start3A_484 = arith.constant 0 : i32
      %dma_start3A_485 = tpu.memref_slice %arg4[%arg0, %arg1, %run_scoped3A_1, %dma_start3A_483, %dma_start3A_484] : memref<2x16x4x40x64xi32, #tpu.memory_space<hbm>> -> memref<1x1x1x40x64xi32, #tpu.memory_space<hbm>>
      %dma_start3A_486 = tpu.memref_squeeze %dma_start3A_485 : memref<1x1x1x40x64xi32, #tpu.memory_space<hbm>> -> memref<40x64xi32, #tpu.memory_space<hbm>>
      tpu.enqueue_dma source(%dma_start3A_486 : memref<40x64xi32, #tpu.memory_space<hbm>>) target(%arg8 : memref<40x64xi32, #tpu.memory_space<vmem>>) target_semaphore(%run_scoped3A_478 : memref<!tpu.dma_semaphore, #tpu.memory_space<semaphore_mem>>)
      %dma_wait3A_487 = arith.constant 0 : i32
      %dma_wait3A_488 = arith.constant 0 : i32
      %dma_wait3A_489 = tpu.memref_slice %arg4[%arg0, %arg1, %run_scoped3A_1, %dma_wait3A_487, %dma_wait3A_488] : memref<2x16x4x40x64xi32, #tpu.memory_space<hbm>> -> memref<1x1x1x40x64xi32, #tpu.memory_space<hbm>>
      %dma_wait3A_490 = tpu.memref_squeeze %dma_wait3A_489 : memref<1x1x1x40x64xi32, #tpu.memory_space<hbm>> -> memref<40x64xi32, #tpu.memory_space<hbm>>
      %dma_wait3A_491 = arith.constant 0 : i32
      %dma_wait3A_492 = arith.constant 0 : i32
      %dma_wait3A_493 = tpu.memref_slice %arg4[%arg0, %arg1, %run_scoped3A_1, %dma_wait3A_491, %dma_wait3A_492] : memref<2x16x4x40x64xi32, #tpu.memory_space<hbm>> -> memref<1x1x1x40x64xi32, #tpu.memory_space<hbm>>
      %dma_wait3A_494 = tpu.memref_squeeze %dma_wait3A_493 : memref<1x1x1x40x64xi32, #tpu.memory_space<hbm>> -> memref<40x64xi32, #tpu.memory_space<hbm>>
      tpu.wait_dma2 semaphore(%run_scoped3A_478 : memref<!tpu.dma_semaphore, #tpu.memory_space<semaphore_mem>>) src(%dma_wait3A_494 : memref<40x64xi32, #tpu.memory_space<hbm>>) dst(%arg8 : memref<40x64xi32, #tpu.memory_space<vmem>>)
      tpu.yield
    }) : () -> ()
    %dma_start3A = arith.constant 0 : i32
    %dma_start3A_2 = arith.constant 0 : i32
    %dma_start3A_3 = tpu.memref_slice %arg7[%dma_start3A, %dma_start3A_2] : memref<40x64xi32, #tpu.memory_space<vmem>> -> memref<1x64xi32, #tpu.memory_space<vmem>>
    %dma_start3A_4 = tpu.memref_squeeze %dma_start3A_3 : memref<1x64xi32, #tpu.memory_space<vmem>> -> memref<64xi32, #tpu.memory_space<vmem>>
    %dma_start3A_5 = arith.constant 0 : i32
    %dma_start3A_6 = arith.constant 0 : i32
    %dma_start3A_7 = tpu.memref_slice %arg2[%dma_start3A_5, %dma_start3A_6] : memref<10000x128xf32, #tpu.memory_space<hbm>> -> memref<10000x128xf32, #tpu.memory_space<hbm>>
    tpu.enqueue_indirect_dma source(%dma_start3A_7 : memref<10000x128xf32, #tpu.memory_space<hbm>>) target(%arg9 : memref<64x128xf32, #tpu.memory_space<vmem>>) offsets(%dma_start3A_4 : memref<64xi32, #tpu.memory_space<vmem>>) semaphore(%arg14 : memref<!tpu.dma_semaphore, #tpu.memory_space<semaphore_mem>>)
    %dma_start3A_8 = arith.constant 1 : i32
    %dma_start3A_9 = arith.constant 0 : i32
    %dma_start3A_10 = tpu.memref_slice %arg7[%dma_start3A_8, %dma_start3A_9] : memref<40x64xi32, #tpu.memory_space<vmem>> -> memref<1x64xi32, #tpu.memory_space<vmem>>
    %dma_start3A_11 = tpu.memref_squeeze %dma_start3A_10 : memref<1x64xi32, #tpu.memory_space<vmem>> -> memref<64xi32, #tpu.memory_space<vmem>>
    %dma_start3A_12 = arith.constant 0 : i32
    %dma_start3A_13 = arith.constant 0 : i32
    %dma_start3A_14 = tpu.memref_slice %arg2[%dma_start3A_12, %dma_start3A_13] : memref<10000x128xf32, #tpu.memory_space<hbm>> -> memref<10000x128xf32, #tpu.memory_space<hbm>>
    tpu.enqueue_indirect_dma source(%dma_start3A_14 : memref<10000x128xf32, #tpu.memory_space<hbm>>) target(%arg10 : memref<64x128xf32, #tpu.memory_space<vmem>>) offsets(%dma_start3A_11 : memref<64xi32, #tpu.memory_space<vmem>>) semaphore(%arg15 : memref<!tpu.dma_semaphore, #tpu.memory_space<semaphore_mem>>)
    %dma_wait3A = arith.constant 0 : i32
    %dma_wait3A_15 = arith.constant 0 : i32
    %dma_wait3A_16 = tpu.memref_slice %arg7[%dma_wait3A, %dma_wait3A_15] : memref<40x64xi32, #tpu.memory_space<vmem>> -> memref<1x64xi32, #tpu.memory_space<vmem>>
    %dma_wait3A_17 = tpu.memref_squeeze %dma_wait3A_16 : memref<1x64xi32, #tpu.memory_space<vmem>> -> memref<64xi32, #tpu.memory_space<vmem>>
    %dma_wait3A_18 = arith.constant 0 : i32
    %dma_wait3A_19 = arith.constant 0 : i32
    %dma_wait3A_20 = tpu.memref_slice %arg2[%dma_wait3A_18, %dma_wait3A_19] : memref<10000x128xf32, #tpu.memory_space<hbm>> -> memref<10000x128xf32, #tpu.memory_space<hbm>>
    tpu.wait_indirect_dma semaphore(%arg14 : memref<!tpu.dma_semaphore, #tpu.memory_space<semaphore_mem>>) src(%dma_wait3A_20 : memref<10000x128xf32, #tpu.memory_space<hbm>>) dst(%arg9 : memref<64x128xf32, #tpu.memory_space<vmem>>)
    %dma_start3A_21 = arith.constant 0 : i32
    %dma_start3A_22 = arith.constant 0 : i32
    %dma_start3A_23 = tpu.memref_slice %arg8[%dma_start3A_21, %dma_start3A_22] : memref<40x64xi32, #tpu.memory_space<vmem>> -> memref<1x64xi32, #tpu.memory_space<vmem>>
    %dma_start3A_24 = tpu.memref_squeeze %dma_start3A_23 : memref<1x64xi32, #tpu.memory_space<vmem>> -> memref<64xi32, #tpu.memory_space<vmem>>
    %dma_start3A_25 = arith.constant 0 : i32
    %dma_start3A_26 = arith.constant 0 : i32
    %dma_start3A_27 = tpu.memref_slice %arg13[%dma_start3A_25, %dma_start3A_26] : memref<10240x128xf32, #tpu.memory_space<vmem_shared>> -> memref<10240x128xf32, #tpu.memory_space<vmem_shared>>
    tpu.enqueue_indirect_dma source(%arg9 : memref<64x128xf32, #tpu.memory_space<vmem>>) target(%dma_start3A_27 : memref<10240x128xf32, #tpu.memory_space<vmem_shared>>) offsets(%dma_start3A_24 : memref<64xi32, #tpu.memory_space<vmem>>) semaphore(%arg18 : memref<!tpu.dma_semaphore, #tpu.memory_space<semaphore_mem>>) {add = true}
    %dma_start3A_28 = arith.constant 2 : i32
    %dma_start3A_29 = arith.constant 0 : i32
    %dma_start3A_30 = tpu.memref_slice %arg7[%dma_start3A_28, %dma_start3A_29] : memref<40x64xi32, #tpu.memory_space<vmem>> -> memref<1x64xi32, #tpu.memory_space<vmem>>
    %dma_start3A_31 = tpu.memref_squeeze %dma_start3A_30 : memref<1x64xi32, #tpu.memory_space<vmem>> -> memref<64xi32, #tpu.memory_space<vmem>>
    %dma_start3A_32 = arith.constant 0 : i32
    %dma_start3A_33 = arith.constant 0 : i32
    %dma_start3A_34 = tpu.memref_slice %arg2[%dma_start3A_32, %dma_start3A_33] : memref<10000x128xf32, #tpu.memory_space<hbm>> -> memref<10000x128xf32, #tpu.memory_space<hbm>>
    tpu.enqueue_indirect_dma source(%dma_start3A_34 : memref<10000x128xf32, #tpu.memory_space<hbm>>) target(%arg11 : memref<64x128xf32, #tpu.memory_space<vmem>>) offsets(%dma_start3A_31 : memref<64xi32, #tpu.memory_space<vmem>>) semaphore(%arg16 : memref<!tpu.dma_semaphore, #tpu.memory_space<semaphore_mem>>)
    %dma_wait3A_35 = arith.constant 1 : i32
    %dma_wait3A_36 = arith.constant 0 : i32
    %dma_wait3A_37 = tpu.memref_slice %arg7[%dma_wait3A_35, %dma_wait3A_36] : memref<40x64xi32, #tpu.memory_space<vmem>> -> memref<1x64xi32, #tpu.memory_space<vmem>>
    %dma_wait3A_38 = tpu.memref_squeeze %dma_wait3A_37 : memref<1x64xi32, #tpu.memory_space<vmem>> -> memref<64xi32, #tpu.memory_space<vmem>>
    %dma_wait3A_39 = arith.constant 0 : i32
    %dma_wait3A_40 = arith.constant 0 : i32
    %dma_wait3A_41 = tpu.memref_slice %arg2[%dma_wait3A_39, %dma_wait3A_40] : memref<10000x128xf32, #tpu.memory_space<hbm>> -> memref<10000x128xf32, #tpu.memory_space<hbm>>
    tpu.wait_indirect_dma semaphore(%arg15 : memref<!tpu.dma_semaphore, #tpu.memory_space<semaphore_mem>>) src(%dma_wait3A_41 : memref<10000x128xf32, #tpu.memory_space<hbm>>) dst(%arg10 : memref<64x128xf32, #tpu.memory_space<vmem>>)
    %dma_start3A_42 = arith.constant 1 : i32
    %dma_start3A_43 = arith.constant 0 : i32
    %dma_start3A_44 = tpu.memref_slice %arg8[%dma_start3A_42, %dma_start3A_43] : memref<40x64xi32, #tpu.memory_space<vmem>> -> memref<1x64xi32, #tpu.memory_space<vmem>>
    %dma_start3A_45 = tpu.memref_squeeze %dma_start3A_44 : memref<1x64xi32, #tpu.memory_space<vmem>> -> memref<64xi32, #tpu.memory_space<vmem>>
    %dma_start3A_46 = arith.constant 0 : i32
    %dma_start3A_47 = arith.constant 0 : i32
    %dma_start3A_48 = tpu.memref_slice %arg13[%dma_start3A_46, %dma_start3A_47] : memref<10240x128xf32, #tpu.memory_space<vmem_shared>> -> memref<10240x128xf32, #tpu.memory_space<vmem_shared>>
    tpu.enqueue_indirect_dma source(%arg10 : memref<64x128xf32, #tpu.memory_space<vmem>>) target(%dma_start3A_48 : memref<10240x128xf32, #tpu.memory_space<vmem_shared>>) offsets(%dma_start3A_45 : memref<64xi32, #tpu.memory_space<vmem>>) semaphore(%arg19 : memref<!tpu.dma_semaphore, #tpu.memory_space<semaphore_mem>>) {add = true}
    %dma_start3A_49 = arith.constant 3 : i32
    %dma_start3A_50 = arith.constant 0 : i32
    %dma_start3A_51 = tpu.memref_slice %arg7[%dma_start3A_49, %dma_start3A_50] : memref<40x64xi32, #tpu.memory_space<vmem>> -> memref<1x64xi32, #tpu.memory_space<vmem>>
    %dma_start3A_52 = tpu.memref_squeeze %dma_start3A_51 : memref<1x64xi32, #tpu.memory_space<vmem>> -> memref<64xi32, #tpu.memory_space<vmem>>
    %dma_start3A_53 = arith.constant 0 : i32
    %dma_start3A_54 = arith.constant 0 : i32
    %dma_start3A_55 = tpu.memref_slice %arg2[%dma_start3A_53, %dma_start3A_54] : memref<10000x128xf32, #tpu.memory_space<hbm>> -> memref<10000x128xf32, #tpu.memory_space<hbm>>
    tpu.enqueue_indirect_dma source(%dma_start3A_55 : memref<10000x128xf32, #tpu.memory_space<hbm>>) target(%arg12 : memref<64x128xf32, #tpu.memory_space<vmem>>) offsets(%dma_start3A_52 : memref<64xi32, #tpu.memory_space<vmem>>) semaphore(%arg17 : memref<!tpu.dma_semaphore, #tpu.memory_space<semaphore_mem>>)
    %scan3A = arith.constant 0 : i32
    %scan3A_56 = arith.constant 0 : i32
    %scan3A_57 = arith.constant 9 : i32
    %scan3A_58 = arith.addi %scan3A_56, %scan3A_57 : i32
    %scan3A_59 = arith.constant 1 : i32
    scf.for %scan3A_478 = %scan3A_56 to %scan3A_58 step %scan3A_59  : i32 {
      %mul3A_479 = arith.constant 4 : i32
      %mul3A_480 = arith.muli %mul3A_479, %scan3A_478 : i32
      %add3A = arith.constant 0 : i32
      %add3A_481 = arith.addi %mul3A_480, %add3A : i32
      %add3A_482 = arith.constant 2 : i32
      %add3A_483 = arith.addi %add3A_481, %add3A_482 : i32
      %dma_wait3A_484 = arith.constant 0 : i32
      %dma_wait3A_485 = tpu.memref_slice %arg7[%add3A_483, %dma_wait3A_484] : memref<40x64xi32, #tpu.memory_space<vmem>> -> memref<1x64xi32, #tpu.memory_space<vmem>>
      %dma_wait3A_486 = tpu.memref_squeeze %dma_wait3A_485 : memref<1x64xi32, #tpu.memory_space<vmem>> -> memref<64xi32, #tpu.memory_space<vmem>>
      %dma_wait3A_487 = arith.constant 0 : i32
      %dma_wait3A_488 = arith.constant 0 : i32
      %dma_wait3A_489 = tpu.memref_slice %arg2[%dma_wait3A_487, %dma_wait3A_488] : memref<10000x128xf32, #tpu.memory_space<hbm>> -> memref<10000x128xf32, #tpu.memory_space<hbm>>
      tpu.wait_indirect_dma semaphore(%arg16 : memref<!tpu.dma_semaphore, #tpu.memory_space<semaphore_mem>>) src(%dma_wait3A_489 : memref<10000x128xf32, #tpu.memory_space<hbm>>) dst(%arg11 : memref<64x128xf32, #tpu.memory_space<vmem>>)
      %dma_start3A_490 = arith.constant 0 : i32
      %dma_start3A_491 = tpu.memref_slice %arg8[%add3A_483, %dma_start3A_490] : memref<40x64xi32, #tpu.memory_space<vmem>> -> memref<1x64xi32, #tpu.memory_space<vmem>>
      %dma_start3A_492 = tpu.memref_squeeze %dma_start3A_491 : memref<1x64xi32, #tpu.memory_space<vmem>> -> memref<64xi32, #tpu.memory_space<vmem>>
      %dma_start3A_493 = arith.constant 0 : i32
      %dma_start3A_494 = arith.constant 0 : i32
      %dma_start3A_495 = tpu.memref_slice %arg13[%dma_start3A_493, %dma_start3A_494] : memref<10240x128xf32, #tpu.memory_space<vmem_shared>> -> memref<10240x128xf32, #tpu.memory_space<vmem_shared>>
      tpu.enqueue_indirect_dma source(%arg11 : memref<64x128xf32, #tpu.memory_space<vmem>>) target(%dma_start3A_495 : memref<10240x128xf32, #tpu.memory_space<vmem_shared>>) offsets(%dma_start3A_492 : memref<64xi32, #tpu.memory_space<vmem>>) semaphore(%arg20 : memref<!tpu.dma_semaphore, #tpu.memory_space<semaphore_mem>>) {add = true}
      %sub3A = arith.constant 2 : i32
      %sub3A_496 = arith.subi %add3A_483, %sub3A : i32
      %dma_wait3A_497 = arith.constant 0 : i32
      %dma_wait3A_498 = tpu.memref_slice %arg8[%sub3A_496, %dma_wait3A_497] : memref<40x64xi32, #tpu.memory_space<vmem>> -> memref<1x64xi32, #tpu.memory_space<vmem>>
      %dma_wait3A_499 = tpu.memref_squeeze %dma_wait3A_498 : memref<1x64xi32, #tpu.memory_space<vmem>> -> memref<64xi32, #tpu.memory_space<vmem>>
      %dma_wait3A_500 = arith.constant 0 : i32
      %dma_wait3A_501 = arith.constant 0 : i32
      %dma_wait3A_502 = tpu.memref_slice %arg13[%dma_wait3A_500, %dma_wait3A_501] : memref<10240x128xf32, #tpu.memory_space<vmem_shared>> -> memref<10240x128xf32, #tpu.memory_space<vmem_shared>>
      tpu.wait_indirect_dma semaphore(%arg18 : memref<!tpu.dma_semaphore, #tpu.memory_space<semaphore_mem>>) src(%arg9 : memref<64x128xf32, #tpu.memory_space<vmem>>) dst(%dma_wait3A_502 : memref<10240x128xf32, #tpu.memory_space<vmem_shared>>)
      %add3A_503 = arith.constant 2 : i32
      %add3A_504 = arith.addi %add3A_483, %add3A_503 : i32
      %dma_start3A_505 = arith.constant 0 : i32
      %dma_start3A_506 = tpu.memref_slice %arg7[%add3A_504, %dma_start3A_505] : memref<40x64xi32, #tpu.memory_space<vmem>> -> memref<1x64xi32, #tpu.memory_space<vmem>>
      %dma_start3A_507 = tpu.memref_squeeze %dma_start3A_506 : memref<1x64xi32, #tpu.memory_space<vmem>> -> memref<64xi32, #tpu.memory_space<vmem>>
      %dma_start3A_508 = arith.constant 0 : i32
      %dma_start3A_509 = arith.constant 0 : i32
      %dma_start3A_510 = tpu.memref_slice %arg2[%dma_start3A_508, %dma_start3A_509] : memref<10000x128xf32, #tpu.memory_space<hbm>> -> memref<10000x128xf32, #tpu.memory_space<hbm>>
      tpu.enqueue_indirect_dma source(%dma_start3A_510 : memref<10000x128xf32, #tpu.memory_space<hbm>>) target(%arg9 : memref<64x128xf32, #tpu.memory_space<vmem>>) offsets(%dma_start3A_507 : memref<64xi32, #tpu.memory_space<vmem>>) semaphore(%arg14 : memref<!tpu.dma_semaphore, #tpu.memory_space<semaphore_mem>>)
      %mul3A_511 = arith.constant 4 : i32
      %mul3A_512 = arith.muli %mul3A_511, %scan3A_478 : i32
      %add3A_513 = arith.constant 1 : i32
      %add3A_514 = arith.addi %mul3A_512, %add3A_513 : i32
      %add3A_515 = arith.constant 2 : i32
      %add3A_516 = arith.addi %add3A_514, %add3A_515 : i32
      %dma_wait3A_517 = arith.constant 0 : i32
      %dma_wait3A_518 = tpu.memref_slice %arg7[%add3A_516, %dma_wait3A_517] : memref<40x64xi32, #tpu.memory_space<vmem>> -> memref<1x64xi32, #tpu.memory_space<vmem>>
      %dma_wait3A_519 = tpu.memref_squeeze %dma_wait3A_518 : memref<1x64xi32, #tpu.memory_space<vmem>> -> memref<64xi32, #tpu.memory_space<vmem>>
      %dma_wait3A_520 = arith.constant 0 : i32
      %dma_wait3A_521 = arith.constant 0 : i32
      %dma_wait3A_522 = tpu.memref_slice %arg2[%dma_wait3A_520, %dma_wait3A_521] : memref<10000x128xf32, #tpu.memory_space<hbm>> -> memref<10000x128xf32, #tpu.memory_space<hbm>>
      tpu.wait_indirect_dma semaphore(%arg17 : memref<!tpu.dma_semaphore, #tpu.memory_space<semaphore_mem>>) src(%dma_wait3A_522 : memref<10000x128xf32, #tpu.memory_space<hbm>>) dst(%arg12 : memref<64x128xf32, #tpu.memory_space<vmem>>)
      %dma_start3A_523 = arith.constant 0 : i32
      %dma_start3A_524 = tpu.memref_slice %arg8[%add3A_516, %dma_start3A_523] : memref<40x64xi32, #tpu.memory_space<vmem>> -> memref<1x64xi32, #tpu.memory_space<vmem>>
      %dma_start3A_525 = tpu.memref_squeeze %dma_start3A_524 : memref<1x64xi32, #tpu.memory_space<vmem>> -> memref<64xi32, #tpu.memory_space<vmem>>
      %dma_start3A_526 = arith.constant 0 : i32
      %dma_start3A_527 = arith.constant 0 : i32
      %dma_start3A_528 = tpu.memref_slice %arg13[%dma_start3A_526, %dma_start3A_527] : memref<10240x128xf32, #tpu.memory_space<vmem_shared>> -> memref<10240x128xf32, #tpu.memory_space<vmem_shared>>
      tpu.enqueue_indirect_dma source(%arg12 : memref<64x128xf32, #tpu.memory_space<vmem>>) target(%dma_start3A_528 : memref<10240x128xf32, #tpu.memory_space<vmem_shared>>) offsets(%dma_start3A_525 : memref<64xi32, #tpu.memory_space<vmem>>) semaphore(%arg21 : memref<!tpu.dma_semaphore, #tpu.memory_space<semaphore_mem>>) {add = true}
      %sub3A_529 = arith.constant 2 : i32
      %sub3A_530 = arith.subi %add3A_516, %sub3A_529 : i32
      %dma_wait3A_531 = arith.constant 0 : i32
      %dma_wait3A_532 = tpu.memref_slice %arg8[%sub3A_530, %dma_wait3A_531] : memref<40x64xi32, #tpu.memory_space<vmem>> -> memref<1x64xi32, #tpu.memory_space<vmem>>
      %dma_wait3A_533 = tpu.memref_squeeze %dma_wait3A_532 : memref<1x64xi32, #tpu.memory_space<vmem>> -> memref<64xi32, #tpu.memory_space<vmem>>
      %dma_wait3A_534 = arith.constant 0 : i32
      %dma_wait3A_535 = arith.constant 0 : i32
      %dma_wait3A_536 = tpu.memref_slice %arg13[%dma_wait3A_534, %dma_wait3A_535] : memref<10240x128xf32, #tpu.memory_space<vmem_shared>> -> memref<10240x128xf32, #tpu.memory_space<vmem_shared>>
      tpu.wait_indirect_dma semaphore(%arg19 : memref<!tpu.dma_semaphore, #tpu.memory_space<semaphore_mem>>) src(%arg10 : memref<64x128xf32, #tpu.memory_space<vmem>>) dst(%dma_wait3A_536 : memref<10240x128xf32, #tpu.memory_space<vmem_shared>>)
      %add3A_537 = arith.constant 2 : i32
      %add3A_538 = arith.addi %add3A_516, %add3A_537 : i32
      %dma_start3A_539 = arith.constant 0 : i32
      %dma_start3A_540 = tpu.memref_slice %arg7[%add3A_538, %dma_start3A_539] : memref<40x64xi32, #tpu.memory_space<vmem>> -> memref<1x64xi32, #tpu.memory_space<vmem>>
      %dma_start3A_541 = tpu.memref_squeeze %dma_start3A_540 : memref<1x64xi32, #tpu.memory_space<vmem>> -> memref<64xi32, #tpu.memory_space<vmem>>
      %dma_start3A_542 = arith.constant 0 : i32
      %dma_start3A_543 = arith.constant 0 : i32
      %dma_start3A_544 = tpu.memref_slice %arg2[%dma_start3A_542, %dma_start3A_543] : memref<10000x128xf32, #tpu.memory_space<hbm>> -> memref<10000x128xf32, #tpu.memory_space<hbm>>
      tpu.enqueue_indirect_dma source(%dma_start3A_544 : memref<10000x128xf32, #tpu.memory_space<hbm>>) target(%arg10 : memref<64x128xf32, #tpu.memory_space<vmem>>) offsets(%dma_start3A_541 : memref<64xi32, #tpu.memory_space<vmem>>) semaphore(%arg15 : memref<!tpu.dma_semaphore, #tpu.memory_space<semaphore_mem>>)
      %mul3A_545 = arith.constant 4 : i32
      %mul3A_546 = arith.muli %mul3A_545, %scan3A_478 : i32
      %add3A_547 = arith.constant 2 : i32
      %add3A_548 = arith.addi %mul3A_546, %add3A_547 : i32
      %add3A_549 = arith.constant 2 : i32
      %add3A_550 = arith.addi %add3A_548, %add3A_549 : i32
      %dma_wait3A_551 = arith.constant 0 : i32
      %dma_wait3A_552 = tpu.memref_slice %arg7[%add3A_550, %dma_wait3A_551] : memref<40x64xi32, #tpu.memory_space<vmem>> -> memref<1x64xi32, #tpu.memory_space<vmem>>
      %dma_wait3A_553 = tpu.memref_squeeze %dma_wait3A_552 : memref<1x64xi32, #tpu.memory_space<vmem>> -> memref<64xi32, #tpu.memory_space<vmem>>
      %dma_wait3A_554 = arith.constant 0 : i32
      %dma_wait3A_555 = arith.constant 0 : i32
      %dma_wait3A_556 = tpu.memref_slice %arg2[%dma_wait3A_554, %dma_wait3A_555] : memref<10000x128xf32, #tpu.memory_space<hbm>> -> memref<10000x128xf32, #tpu.memory_space<hbm>>
      tpu.wait_indirect_dma semaphore(%arg14 : memref<!tpu.dma_semaphore, #tpu.memory_space<semaphore_mem>>) src(%dma_wait3A_556 : memref<10000x128xf32, #tpu.memory_space<hbm>>) dst(%arg9 : memref<64x128xf32, #tpu.memory_space<vmem>>)
      %dma_start3A_557 = arith.constant 0 : i32
      %dma_start3A_558 = tpu.memref_slice %arg8[%add3A_550, %dma_start3A_557] : memref<40x64xi32, #tpu.memory_space<vmem>> -> memref<1x64xi32, #tpu.memory_space<vmem>>
      %dma_start3A_559 = tpu.memref_squeeze %dma_start3A_558 : memref<1x64xi32, #tpu.memory_space<vmem>> -> memref<64xi32, #tpu.memory_space<vmem>>
      %dma_start3A_560 = arith.constant 0 : i32
      %dma_start3A_561 = arith.constant 0 : i32
      %dma_start3A_562 = tpu.memref_slice %arg13[%dma_start3A_560, %dma_start3A_561] : memref<10240x128xf32, #tpu.memory_space<vmem_shared>> -> memref<10240x128xf32, #tpu.memory_space<vmem_shared>>
      tpu.enqueue_indirect_dma source(%arg9 : memref<64x128xf32, #tpu.memory_space<vmem>>) target(%dma_start3A_562 : memref<10240x128xf32, #tpu.memory_space<vmem_shared>>) offsets(%dma_start3A_559 : memref<64xi32, #tpu.memory_space<vmem>>) semaphore(%arg18 : memref<!tpu.dma_semaphore, #tpu.memory_space<semaphore_mem>>) {add = true}
      %sub3A_563 = arith.constant 2 : i32
      %sub3A_564 = arith.subi %add3A_550, %sub3A_563 : i32
      %dma_wait3A_565 = arith.constant 0 : i32
      %dma_wait3A_566 = tpu.memref_slice %arg8[%sub3A_564, %dma_wait3A_565] : memref<40x64xi32, #tpu.memory_space<vmem>> -> memref<1x64xi32, #tpu.memory_space<vmem>>
      %dma_wait3A_567 = tpu.memref_squeeze %dma_wait3A_566 : memref<1x64xi32, #tpu.memory_space<vmem>> -> memref<64xi32, #tpu.memory_space<vmem>>
      %dma_wait3A_568 = arith.constant 0 : i32
      %dma_wait3A_569 = arith.constant 0 : i32
      %dma_wait3A_570 = tpu.memref_slice %arg13[%dma_wait3A_568, %dma_wait3A_569] : memref<10240x128xf32, #tpu.memory_space<vmem_shared>> -> memref<10240x128xf32, #tpu.memory_space<vmem_shared>>
      tpu.wait_indirect_dma semaphore(%arg20 : memref<!tpu.dma_semaphore, #tpu.memory_space<semaphore_mem>>) src(%arg11 : memref<64x128xf32, #tpu.memory_space<vmem>>) dst(%dma_wait3A_570 : memref<10240x128xf32, #tpu.memory_space<vmem_shared>>)
      %add3A_571 = arith.constant 2 : i32
      %add3A_572 = arith.addi %add3A_550, %add3A_571 : i32
      %dma_start3A_573 = arith.constant 0 : i32
      %dma_start3A_574 = tpu.memref_slice %arg7[%add3A_572, %dma_start3A_573] : memref<40x64xi32, #tpu.memory_space<vmem>> -> memref<1x64xi32, #tpu.memory_space<vmem>>
      %dma_start3A_575 = tpu.memref_squeeze %dma_start3A_574 : memref<1x64xi32, #tpu.memory_space<vmem>> -> memref<64xi32, #tpu.memory_space<vmem>>
      %dma_start3A_576 = arith.constant 0 : i32
      %dma_start3A_577 = arith.constant 0 : i32
      %dma_start3A_578 = tpu.memref_slice %arg2[%dma_start3A_576, %dma_start3A_577] : memref<10000x128xf32, #tpu.memory_space<hbm>> -> memref<10000x128xf32, #tpu.memory_space<hbm>>
      tpu.enqueue_indirect_dma source(%dma_start3A_578 : memref<10000x128xf32, #tpu.memory_space<hbm>>) target(%arg11 : memref<64x128xf32, #tpu.memory_space<vmem>>) offsets(%dma_start3A_575 : memref<64xi32, #tpu.memory_space<vmem>>) semaphore(%arg16 : memref<!tpu.dma_semaphore, #tpu.memory_space<semaphore_mem>>)
      %mul3A_579 = arith.constant 4 : i32
      %mul3A_580 = arith.muli %mul3A_579, %scan3A_478 : i32
      %add3A_581 = arith.constant 3 : i32
      %add3A_582 = arith.addi %mul3A_580, %add3A_581 : i32
      %add3A_583 = arith.constant 2 : i32
      %add3A_584 = arith.addi %add3A_582, %add3A_583 : i32
      %dma_wait3A_585 = arith.constant 0 : i32
      %dma_wait3A_586 = tpu.memref_slice %arg7[%add3A_584, %dma_wait3A_585] : memref<40x64xi32, #tpu.memory_space<vmem>> -> memref<1x64xi32, #tpu.memory_space<vmem>>
      %dma_wait3A_587 = tpu.memref_squeeze %dma_wait3A_586 : memref<1x64xi32, #tpu.memory_space<vmem>> -> memref<64xi32, #tpu.memory_space<vmem>>
      %dma_wait3A_588 = arith.constant 0 : i32
      %dma_wait3A_589 = arith.constant 0 : i32
      %dma_wait3A_590 = tpu.memref_slice %arg2[%dma_wait3A_588, %dma_wait3A_589] : memref<10000x128xf32, #tpu.memory_space<hbm>> -> memref<10000x128xf32, #tpu.memory_space<hbm>>
      tpu.wait_indirect_dma semaphore(%arg15 : memref<!tpu.dma_semaphore, #tpu.memory_space<semaphore_mem>>) src(%dma_wait3A_590 : memref<10000x128xf32, #tpu.memory_space<hbm>>) dst(%arg10 : memref<64x128xf32, #tpu.memory_space<vmem>>)
      %dma_start3A_591 = arith.constant 0 : i32
      %dma_start3A_592 = tpu.memref_slice %arg8[%add3A_584, %dma_start3A_591] : memref<40x64xi32, #tpu.memory_space<vmem>> -> memref<1x64xi32, #tpu.memory_space<vmem>>
      %dma_start3A_593 = tpu.memref_squeeze %dma_start3A_592 : memref<1x64xi32, #tpu.memory_space<vmem>> -> memref<64xi32, #tpu.memory_space<vmem>>
      %dma_start3A_594 = arith.constant 0 : i32
      %dma_start3A_595 = arith.constant 0 : i32
      %dma_start3A_596 = tpu.memref_slice %arg13[%dma_start3A_594, %dma_start3A_595] : memref<10240x128xf32, #tpu.memory_space<vmem_shared>> -> memref<10240x128xf32, #tpu.memory_space<vmem_shared>>
      tpu.enqueue_indirect_dma source(%arg10 : memref<64x128xf32, #tpu.memory_space<vmem>>) target(%dma_start3A_596 : memref<10240x128xf32, #tpu.memory_space<vmem_shared>>) offsets(%dma_start3A_593 : memref<64xi32, #tpu.memory_space<vmem>>) semaphore(%arg19 : memref<!tpu.dma_semaphore, #tpu.memory_space<semaphore_mem>>) {add = true}
      %sub3A_597 = arith.constant 2 : i32
      %sub3A_598 = arith.subi %add3A_584, %sub3A_597 : i32
      %dma_wait3A_599 = arith.constant 0 : i32
      %dma_wait3A_600 = tpu.memref_slice %arg8[%sub3A_598, %dma_wait3A_599] : memref<40x64xi32, #tpu.memory_space<vmem>> -> memref<1x64xi32, #tpu.memory_space<vmem>>
      %dma_wait3A_601 = tpu.memref_squeeze %dma_wait3A_600 : memref<1x64xi32, #tpu.memory_space<vmem>> -> memref<64xi32, #tpu.memory_space<vmem>>
      %dma_wait3A_602 = arith.constant 0 : i32
      %dma_wait3A_603 = arith.constant 0 : i32
      %dma_wait3A_604 = tpu.memref_slice %arg13[%dma_wait3A_602, %dma_wait3A_603] : memref<10240x128xf32, #tpu.memory_space<vmem_shared>> -> memref<10240x128xf32, #tpu.memory_space<vmem_shared>>
      tpu.wait_indirect_dma semaphore(%arg21 : memref<!tpu.dma_semaphore, #tpu.memory_space<semaphore_mem>>) src(%arg12 : memref<64x128xf32, #tpu.memory_space<vmem>>) dst(%dma_wait3A_604 : memref<10240x128xf32, #tpu.memory_space<vmem_shared>>)
      %add3A_605 = arith.constant 2 : i32
      %add3A_606 = arith.addi %add3A_584, %add3A_605 : i32
      %dma_start3A_607 = arith.constant 0 : i32
      %dma_start3A_608 = tpu.memref_slice %arg7[%add3A_606, %dma_start3A_607] : memref<40x64xi32, #tpu.memory_space<vmem>> -> memref<1x64xi32, #tpu.memory_space<vmem>>
      %dma_start3A_609 = tpu.memref_squeeze %dma_start3A_608 : memref<1x64xi32, #tpu.memory_space<vmem>> -> memref<64xi32, #tpu.memory_space<vmem>>
      %dma_start3A_610 = arith.constant 0 : i32
      %dma_start3A_611 = arith.constant 0 : i32
      %dma_start3A_612 = tpu.memref_slice %arg2[%dma_start3A_610, %dma_start3A_611] : memref<10000x128xf32, #tpu.memory_space<hbm>> -> memref<10000x128xf32, #tpu.memory_space<hbm>>
      tpu.enqueue_indirect_dma source(%dma_start3A_612 : memref<10000x128xf32, #tpu.memory_space<hbm>>) target(%arg12 : memref<64x128xf32, #tpu.memory_space<vmem>>) offsets(%dma_start3A_609 : memref<64xi32, #tpu.memory_space<vmem>>) semaphore(%arg17 : memref<!tpu.dma_semaphore, #tpu.memory_space<semaphore_mem>>)
    }
    %scan3A_60 = arith.constant 9 : i32
    %dma_wait3A_61 = arith.constant 38 : i32
    %dma_wait3A_62 = arith.constant 0 : i32
    %dma_wait3A_63 = tpu.memref_slice %arg7[%dma_wait3A_61, %dma_wait3A_62] : memref<40x64xi32, #tpu.memory_space<vmem>> -> memref<1x64xi32, #tpu.memory_space<vmem>>
    %dma_wait3A_64 = tpu.memref_squeeze %dma_wait3A_63 : memref<1x64xi32, #tpu.memory_space<vmem>> -> memref<64xi32, #tpu.memory_space<vmem>>
    %dma_wait3A_65 = arith.constant 0 : i32
    %dma_wait3A_66 = arith.constant 0 : i32
    %dma_wait3A_67 = tpu.memref_slice %arg2[%dma_wait3A_65, %dma_wait3A_66] : memref<10000x128xf32, #tpu.memory_space<hbm>> -> memref<10000x128xf32, #tpu.memory_space<hbm>>
    tpu.wait_indirect_dma semaphore(%arg16 : memref<!tpu.dma_semaphore, #tpu.memory_space<semaphore_mem>>) src(%dma_wait3A_67 : memref<10000x128xf32, #tpu.memory_space<hbm>>) dst(%arg11 : memref<64x128xf32, #tpu.memory_space<vmem>>)
    %dma_start3A_68 = arith.constant 38 : i32
    %dma_start3A_69 = arith.constant 0 : i32
    %dma_start3A_70 = tpu.memref_slice %arg8[%dma_start3A_68, %dma_start3A_69] : memref<40x64xi32, #tpu.memory_space<vmem>> -> memref<1x64xi32, #tpu.memory_space<vmem>>
    %dma_start3A_71 = tpu.memref_squeeze %dma_start3A_70 : memref<1x64xi32, #tpu.memory_space<vmem>> -> memref<64xi32, #tpu.memory_space<vmem>>
    %dma_start3A_72 = arith.constant 0 : i32
    %dma_start3A_73 = arith.constant 0 : i32
    %dma_start3A_74 = tpu.memref_slice %arg13[%dma_start3A_72, %dma_start3A_73] : memref<10240x128xf32, #tpu.memory_space<vmem_shared>> -> memref<10240x128xf32, #tpu.memory_space<vmem_shared>>
    tpu.enqueue_indirect_dma source(%arg11 : memref<64x128xf32, #tpu.memory_space<vmem>>) target(%dma_start3A_74 : memref<10240x128xf32, #tpu.memory_space<vmem_shared>>) offsets(%dma_start3A_71 : memref<64xi32, #tpu.memory_space<vmem>>) semaphore(%arg20 : memref<!tpu.dma_semaphore, #tpu.memory_space<semaphore_mem>>) {add = true}
    %dma_wait3A_75 = arith.constant 36 : i32
    %dma_wait3A_76 = arith.constant 0 : i32
    %dma_wait3A_77 = tpu.memref_slice %arg8[%dma_wait3A_75, %dma_wait3A_76] : memref<40x64xi32, #tpu.memory_space<vmem>> -> memref<1x64xi32, #tpu.memory_space<vmem>>
    %dma_wait3A_78 = tpu.memref_squeeze %dma_wait3A_77 : memref<1x64xi32, #tpu.memory_space<vmem>> -> memref<64xi32, #tpu.memory_space<vmem>>
    %dma_wait3A_79 = arith.constant 0 : i32
    %dma_wait3A_80 = arith.constant 0 : i32
    %dma_wait3A_81 = tpu.memref_slice %arg13[%dma_wait3A_79, %dma_wait3A_80] : memref<10240x128xf32, #tpu.memory_space<vmem_shared>> -> memref<10240x128xf32, #tpu.memory_space<vmem_shared>>
    tpu.wait_indirect_dma semaphore(%arg18 : memref<!tpu.dma_semaphore, #tpu.memory_space<semaphore_mem>>) src(%arg9 : memref<64x128xf32, #tpu.memory_space<vmem>>) dst(%dma_wait3A_81 : memref<10240x128xf32, #tpu.memory_space<vmem_shared>>)
    %dma_wait3A_82 = arith.constant 39 : i32
    %dma_wait3A_83 = arith.constant 0 : i32
    %dma_wait3A_84 = tpu.memref_slice %arg7[%dma_wait3A_82, %dma_wait3A_83] : memref<40x64xi32, #tpu.memory_space<vmem>> -> memref<1x64xi32, #tpu.memory_space<vmem>>
    %dma_wait3A_85 = tpu.memref_squeeze %dma_wait3A_84 : memref<1x64xi32, #tpu.memory_space<vmem>> -> memref<64xi32, #tpu.memory_space<vmem>>
    %dma_wait3A_86 = arith.constant 0 : i32
    %dma_wait3A_87 = arith.constant 0 : i32
    %dma_wait3A_88 = tpu.memref_slice %arg2[%dma_wait3A_86, %dma_wait3A_87] : memref<10000x128xf32, #tpu.memory_space<hbm>> -> memref<10000x128xf32, #tpu.memory_space<hbm>>
    tpu.wait_indirect_dma semaphore(%arg17 : memref<!tpu.dma_semaphore, #tpu.memory_space<semaphore_mem>>) src(%dma_wait3A_88 : memref<10000x128xf32, #tpu.memory_space<hbm>>) dst(%arg12 : memref<64x128xf32, #tpu.memory_space<vmem>>)
    %dma_start3A_89 = arith.constant 39 : i32
    %dma_start3A_90 = arith.constant 0 : i32
    %dma_start3A_91 = tpu.memref_slice %arg8[%dma_start3A_89, %dma_start3A_90] : memref<40x64xi32, #tpu.memory_space<vmem>> -> memref<1x64xi32, #tpu.memory_space<vmem>>
    %dma_start3A_92 = tpu.memref_squeeze %dma_start3A_91 : memref<1x64xi32, #tpu.memory_space<vmem>> -> memref<64xi32, #tpu.memory_space<vmem>>
    %dma_start3A_93 = arith.constant 0 : i32
    %dma_start3A_94 = arith.constant 0 : i32
    %dma_start3A_95 = tpu.memref_slice %arg13[%dma_start3A_93, %dma_start3A_94] : memref<10240x128xf32, #tpu.memory_space<vmem_shared>> -> memref<10240x128xf32, #tpu.memory_space<vmem_shared>>
    tpu.enqueue_indirect_dma source(%arg12 : memref<64x128xf32, #tpu.memory_space<vmem>>) target(%dma_start3A_95 : memref<10240x128xf32, #tpu.memory_space<vmem_shared>>) offsets(%dma_start3A_92 : memref<64xi32, #tpu.memory_space<vmem>>) semaphore(%arg21 : memref<!tpu.dma_semaphore, #tpu.memory_space<semaphore_mem>>) {add = true}
    %dma_wait3A_96 = arith.constant 37 : i32
    %dma_wait3A_97 = arith.constant 0 : i32
    %dma_wait3A_98 = tpu.memref_slice %arg8[%dma_wait3A_96, %dma_wait3A_97] : memref<40x64xi32, #tpu.memory_space<vmem>> -> memref<1x64xi32, #tpu.memory_space<vmem>>
    %dma_wait3A_99 = tpu.memref_squeeze %dma_wait3A_98 : memref<1x64xi32, #tpu.memory_space<vmem>> -> memref<64xi32, #tpu.memory_space<vmem>>
    %dma_wait3A_100 = arith.constant 0 : i32
    %dma_wait3A_101 = arith.constant 0 : i32
    %dma_wait3A_102 = tpu.memref_slice %arg13[%dma_wait3A_100, %dma_wait3A_101] : memref<10240x128xf32, #tpu.memory_space<vmem_shared>> -> memref<10240x128xf32, #tpu.memory_space<vmem_shared>>
    tpu.wait_indirect_dma semaphore(%arg19 : memref<!tpu.dma_semaphore, #tpu.memory_space<semaphore_mem>>) src(%arg10 : memref<64x128xf32, #tpu.memory_space<vmem>>) dst(%dma_wait3A_102 : memref<10240x128xf32, #tpu.memory_space<vmem_shared>>)
    %dma_wait3A_103 = arith.constant 38 : i32
    %dma_wait3A_104 = arith.constant 0 : i32
    %dma_wait3A_105 = tpu.memref_slice %arg8[%dma_wait3A_103, %dma_wait3A_104] : memref<40x64xi32, #tpu.memory_space<vmem>> -> memref<1x64xi32, #tpu.memory_space<vmem>>
    %dma_wait3A_106 = tpu.memref_squeeze %dma_wait3A_105 : memref<1x64xi32, #tpu.memory_space<vmem>> -> memref<64xi32, #tpu.memory_space<vmem>>
    %dma_wait3A_107 = arith.constant 0 : i32
    %dma_wait3A_108 = arith.constant 0 : i32
    %dma_wait3A_109 = tpu.memref_slice %arg13[%dma_wait3A_107, %dma_wait3A_108] : memref<10240x128xf32, #tpu.memory_space<vmem_shared>> -> memref<10240x128xf32, #tpu.memory_space<vmem_shared>>
    tpu.wait_indirect_dma semaphore(%arg20 : memref<!tpu.dma_semaphore, #tpu.memory_space<semaphore_mem>>) src(%arg11 : memref<64x128xf32, #tpu.memory_space<vmem>>) dst(%dma_wait3A_109 : memref<10240x128xf32, #tpu.memory_space<vmem_shared>>)
    %dma_wait3A_110 = arith.constant 39 : i32
    %dma_wait3A_111 = arith.constant 0 : i32
    %dma_wait3A_112 = tpu.memref_slice %arg8[%dma_wait3A_110, %dma_wait3A_111] : memref<40x64xi32, #tpu.memory_space<vmem>> -> memref<1x64xi32, #tpu.memory_space<vmem>>
    %dma_wait3A_113 = tpu.memref_squeeze %dma_wait3A_112 : memref<1x64xi32, #tpu.memory_space<vmem>> -> memref<64xi32, #tpu.memory_space<vmem>>
    %dma_wait3A_114 = arith.constant 0 : i32
    %dma_wait3A_115 = arith.constant 0 : i32
    %dma_wait3A_116 = tpu.memref_slice %arg13[%dma_wait3A_114, %dma_wait3A_115] : memref<10240x128xf32, #tpu.memory_space<vmem_shared>> -> memref<10240x128xf32, #tpu.memory_space<vmem_shared>>
    tpu.wait_indirect_dma semaphore(%arg21 : memref<!tpu.dma_semaphore, #tpu.memory_space<semaphore_mem>>) src(%arg12 : memref<64x128xf32, #tpu.memory_space<vmem>>) dst(%dma_wait3A_116 : memref<10240x128xf32, #tpu.memory_space<vmem_shared>>)
    %run_scoped3A_117 = arith.constant 1 : i32
    "tpu.region"() ({
      %run_scoped3A_478 = tpu.sem_alloc : memref<!tpu.dma_semaphore, #tpu.memory_space<semaphore_mem>>
      %dma_start3A_479 = arith.constant 0 : i32
      %dma_start3A_480 = arith.constant 0 : i32
      %dma_start3A_481 = tpu.memref_slice %arg3[%arg0, %arg1, %run_scoped3A_117, %dma_start3A_479, %dma_start3A_480] : memref<2x16x4x40x64xi32, #tpu.memory_space<hbm>> -> memref<1x1x1x40x64xi32, #tpu.memory_space<hbm>>
      %dma_start3A_482 = tpu.memref_squeeze %dma_start3A_481 : memref<1x1x1x40x64xi32, #tpu.memory_space<hbm>> -> memref<40x64xi32, #tpu.memory_space<hbm>>
      %dma_start3A_483 = arith.constant 0 : i32
      %dma_start3A_484 = arith.constant 0 : i32
      %dma_start3A_485 = tpu.memref_slice %arg3[%arg0, %arg1, %run_scoped3A_117, %dma_start3A_483, %dma_start3A_484] : memref<2x16x4x40x64xi32, #tpu.memory_space<hbm>> -> memref<1x1x1x40x64xi32, #tpu.memory_space<hbm>>
      %dma_start3A_486 = tpu.memref_squeeze %dma_start3A_485 : memref<1x1x1x40x64xi32, #tpu.memory_space<hbm>> -> memref<40x64xi32, #tpu.memory_space<hbm>>
      tpu.enqueue_dma source(%dma_start3A_486 : memref<40x64xi32, #tpu.memory_space<hbm>>) target(%arg7 : memref<40x64xi32, #tpu.memory_space<vmem>>) target_semaphore(%run_scoped3A_478 : memref<!tpu.dma_semaphore, #tpu.memory_space<semaphore_mem>>)
      %dma_wait3A_487 = arith.constant 0 : i32
      %dma_wait3A_488 = arith.constant 0 : i32
      %dma_wait3A_489 = tpu.memref_slice %arg3[%arg0, %arg1, %run_scoped3A_117, %dma_wait3A_487, %dma_wait3A_488] : memref<2x16x4x40x64xi32, #tpu.memory_space<hbm>> -> memref<1x1x1x40x64xi32, #tpu.memory_space<hbm>>
      %dma_wait3A_490 = tpu.memref_squeeze %dma_wait3A_489 : memref<1x1x1x40x64xi32, #tpu.memory_space<hbm>> -> memref<40x64xi32, #tpu.memory_space<hbm>>
      %dma_wait3A_491 = arith.constant 0 : i32
      %dma_wait3A_492 = arith.constant 0 : i32
      %dma_wait3A_493 = tpu.memref_slice %arg3[%arg0, %arg1, %run_scoped3A_117, %dma_wait3A_491, %dma_wait3A_492] : memref<2x16x4x40x64xi32, #tpu.memory_space<hbm>> -> memref<1x1x1x40x64xi32, #tpu.memory_space<hbm>>
      %dma_wait3A_494 = tpu.memref_squeeze %dma_wait3A_493 : memref<1x1x1x40x64xi32, #tpu.memory_space<hbm>> -> memref<40x64xi32, #tpu.memory_space<hbm>>
      tpu.wait_dma2 semaphore(%run_scoped3A_478 : memref<!tpu.dma_semaphore, #tpu.memory_space<semaphore_mem>>) src(%dma_wait3A_494 : memref<40x64xi32, #tpu.memory_space<hbm>>) dst(%arg7 : memref<40x64xi32, #tpu.memory_space<vmem>>)
      tpu.yield
    }) : () -> ()
    %run_scoped3A_118 = arith.constant 1 : i32
    "tpu.region"() ({
      %run_scoped3A_478 = tpu.sem_alloc : memref<!tpu.dma_semaphore, #tpu.memory_space<semaphore_mem>>
      %dma_start3A_479 = arith.constant 0 : i32
      %dma_start3A_480 = arith.constant 0 : i32
      %dma_start3A_481 = tpu.memref_slice %arg4[%arg0, %arg1, %run_scoped3A_118, %dma_start3A_479, %dma_start3A_480] : memref<2x16x4x40x64xi32, #tpu.memory_space<hbm>> -> memref<1x1x1x40x64xi32, #tpu.memory_space<hbm>>
      %dma_start3A_482 = tpu.memref_squeeze %dma_start3A_481 : memref<1x1x1x40x64xi32, #tpu.memory_space<hbm>> -> memref<40x64xi32, #tpu.memory_space<hbm>>
      %dma_start3A_483 = arith.constant 0 : i32
      %dma_start3A_484 = arith.constant 0 : i32
      %dma_start3A_485 = tpu.memref_slice %arg4[%arg0, %arg1, %run_scoped3A_118, %dma_start3A_483, %dma_start3A_484] : memref<2x16x4x40x64xi32, #tpu.memory_space<hbm>> -> memref<1x1x1x40x64xi32, #tpu.memory_space<hbm>>
      %dma_start3A_486 = tpu.memref_squeeze %dma_start3A_485 : memref<1x1x1x40x64xi32, #tpu.memory_space<hbm>> -> memref<40x64xi32, #tpu.memory_space<hbm>>
      tpu.enqueue_dma source(%dma_start3A_486 : memref<40x64xi32, #tpu.memory_space<hbm>>) target(%arg8 : memref<40x64xi32, #tpu.memory_space<vmem>>) target_semaphore(%run_scoped3A_478 : memref<!tpu.dma_semaphore, #tpu.memory_space<semaphore_mem>>)
      %dma_wait3A_487 = arith.constant 0 : i32
      %dma_wait3A_488 = arith.constant 0 : i32
      %dma_wait3A_489 = tpu.memref_slice %arg4[%arg0, %arg1, %run_scoped3A_118, %dma_wait3A_487, %dma_wait3A_488] : memref<2x16x4x40x64xi32, #tpu.memory_space<hbm>> -> memref<1x1x1x40x64xi32, #tpu.memory_space<hbm>>
      %dma_wait3A_490 = tpu.memref_squeeze %dma_wait3A_489 : memref<1x1x1x40x64xi32, #tpu.memory_space<hbm>> -> memref<40x64xi32, #tpu.memory_space<hbm>>
      %dma_wait3A_491 = arith.constant 0 : i32
      %dma_wait3A_492 = arith.constant 0 : i32
      %dma_wait3A_493 = tpu.memref_slice %arg4[%arg0, %arg1, %run_scoped3A_118, %dma_wait3A_491, %dma_wait3A_492] : memref<2x16x4x40x64xi32, #tpu.memory_space<hbm>> -> memref<1x1x1x40x64xi32, #tpu.memory_space<hbm>>
      %dma_wait3A_494 = tpu.memref_squeeze %dma_wait3A_493 : memref<1x1x1x40x64xi32, #tpu.memory_space<hbm>> -> memref<40x64xi32, #tpu.memory_space<hbm>>
      tpu.wait_dma2 semaphore(%run_scoped3A_478 : memref<!tpu.dma_semaphore, #tpu.memory_space<semaphore_mem>>) src(%dma_wait3A_494 : memref<40x64xi32, #tpu.memory_space<hbm>>) dst(%arg8 : memref<40x64xi32, #tpu.memory_space<vmem>>)
      tpu.yield
    }) : () -> ()
    %dma_start3A_119 = arith.constant 0 : i32
    %dma_start3A_120 = arith.constant 0 : i32
    %dma_start3A_121 = tpu.memref_slice %arg7[%dma_start3A_119, %dma_start3A_120] : memref<40x64xi32, #tpu.memory_space<vmem>> -> memref<1x64xi32, #tpu.memory_space<vmem>>
    %dma_start3A_122 = tpu.memref_squeeze %dma_start3A_121 : memref<1x64xi32, #tpu.memory_space<vmem>> -> memref<64xi32, #tpu.memory_space<vmem>>
    %dma_start3A_123 = arith.constant 0 : i32
    %dma_start3A_124 = arith.constant 0 : i32
    %dma_start3A_125 = tpu.memref_slice %arg2[%dma_start3A_123, %dma_start3A_124] : memref<10000x128xf32, #tpu.memory_space<hbm>> -> memref<10000x128xf32, #tpu.memory_space<hbm>>
    tpu.enqueue_indirect_dma source(%dma_start3A_125 : memref<10000x128xf32, #tpu.memory_space<hbm>>) target(%arg9 : memref<64x128xf32, #tpu.memory_space<vmem>>) offsets(%dma_start3A_122 : memref<64xi32, #tpu.memory_space<vmem>>) semaphore(%arg14 : memref<!tpu.dma_semaphore, #tpu.memory_space<semaphore_mem>>)
    %dma_start3A_126 = arith.constant 1 : i32
    %dma_start3A_127 = arith.constant 0 : i32
    %dma_start3A_128 = tpu.memref_slice %arg7[%dma_start3A_126, %dma_start3A_127] : memref<40x64xi32, #tpu.memory_space<vmem>> -> memref<1x64xi32, #tpu.memory_space<vmem>>
    %dma_start3A_129 = tpu.memref_squeeze %dma_start3A_128 : memref<1x64xi32, #tpu.memory_space<vmem>> -> memref<64xi32, #tpu.memory_space<vmem>>
    %dma_start3A_130 = arith.constant 0 : i32
    %dma_start3A_131 = arith.constant 0 : i32
    %dma_start3A_132 = tpu.memref_slice %arg2[%dma_start3A_130, %dma_start3A_131] : memref<10000x128xf32, #tpu.memory_space<hbm>> -> memref<10000x128xf32, #tpu.memory_space<hbm>>
    tpu.enqueue_indirect_dma source(%dma_start3A_132 : memref<10000x128xf32, #tpu.memory_space<hbm>>) target(%arg10 : memref<64x128xf32, #tpu.memory_space<vmem>>) offsets(%dma_start3A_129 : memref<64xi32, #tpu.memory_space<vmem>>) semaphore(%arg15 : memref<!tpu.dma_semaphore, #tpu.memory_space<semaphore_mem>>)
    %dma_wait3A_133 = arith.constant 0 : i32
    %dma_wait3A_134 = arith.constant 0 : i32
    %dma_wait3A_135 = tpu.memref_slice %arg7[%dma_wait3A_133, %dma_wait3A_134] : memref<40x64xi32, #tpu.memory_space<vmem>> -> memref<1x64xi32, #tpu.memory_space<vmem>>
    %dma_wait3A_136 = tpu.memref_squeeze %dma_wait3A_135 : memref<1x64xi32, #tpu.memory_space<vmem>> -> memref<64xi32, #tpu.memory_space<vmem>>
    %dma_wait3A_137 = arith.constant 0 : i32
    %dma_wait3A_138 = arith.constant 0 : i32
    %dma_wait3A_139 = tpu.memref_slice %arg2[%dma_wait3A_137, %dma_wait3A_138] : memref<10000x128xf32, #tpu.memory_space<hbm>> -> memref<10000x128xf32, #tpu.memory_space<hbm>>
    tpu.wait_indirect_dma semaphore(%arg14 : memref<!tpu.dma_semaphore, #tpu.memory_space<semaphore_mem>>) src(%dma_wait3A_139 : memref<10000x128xf32, #tpu.memory_space<hbm>>) dst(%arg9 : memref<64x128xf32, #tpu.memory_space<vmem>>)
    %dma_start3A_140 = arith.constant 0 : i32
    %dma_start3A_141 = arith.constant 0 : i32
    %dma_start3A_142 = tpu.memref_slice %arg8[%dma_start3A_140, %dma_start3A_141] : memref<40x64xi32, #tpu.memory_space<vmem>> -> memref<1x64xi32, #tpu.memory_space<vmem>>
    %dma_start3A_143 = tpu.memref_squeeze %dma_start3A_142 : memref<1x64xi32, #tpu.memory_space<vmem>> -> memref<64xi32, #tpu.memory_space<vmem>>
    %dma_start3A_144 = arith.constant 0 : i32
    %dma_start3A_145 = arith.constant 0 : i32
    %dma_start3A_146 = tpu.memref_slice %arg13[%dma_start3A_144, %dma_start3A_145] : memref<10240x128xf32, #tpu.memory_space<vmem_shared>> -> memref<10240x128xf32, #tpu.memory_space<vmem_shared>>
    tpu.enqueue_indirect_dma source(%arg9 : memref<64x128xf32, #tpu.memory_space<vmem>>) target(%dma_start3A_146 : memref<10240x128xf32, #tpu.memory_space<vmem_shared>>) offsets(%dma_start3A_143 : memref<64xi32, #tpu.memory_space<vmem>>) semaphore(%arg18 : memref<!tpu.dma_semaphore, #tpu.memory_space<semaphore_mem>>) {add = true}
    %dma_start3A_147 = arith.constant 2 : i32
    %dma_start3A_148 = arith.constant 0 : i32
    %dma_start3A_149 = tpu.memref_slice %arg7[%dma_start3A_147, %dma_start3A_148] : memref<40x64xi32, #tpu.memory_space<vmem>> -> memref<1x64xi32, #tpu.memory_space<vmem>>
    %dma_start3A_150 = tpu.memref_squeeze %dma_start3A_149 : memref<1x64xi32, #tpu.memory_space<vmem>> -> memref<64xi32, #tpu.memory_space<vmem>>
    %dma_start3A_151 = arith.constant 0 : i32
    %dma_start3A_152 = arith.constant 0 : i32
    %dma_start3A_153 = tpu.memref_slice %arg2[%dma_start3A_151, %dma_start3A_152] : memref<10000x128xf32, #tpu.memory_space<hbm>> -> memref<10000x128xf32, #tpu.memory_space<hbm>>
    tpu.enqueue_indirect_dma source(%dma_start3A_153 : memref<10000x128xf32, #tpu.memory_space<hbm>>) target(%arg11 : memref<64x128xf32, #tpu.memory_space<vmem>>) offsets(%dma_start3A_150 : memref<64xi32, #tpu.memory_space<vmem>>) semaphore(%arg16 : memref<!tpu.dma_semaphore, #tpu.memory_space<semaphore_mem>>)
    %dma_wait3A_154 = arith.constant 1 : i32
    %dma_wait3A_155 = arith.constant 0 : i32
    %dma_wait3A_156 = tpu.memref_slice %arg7[%dma_wait3A_154, %dma_wait3A_155] : memref<40x64xi32, #tpu.memory_space<vmem>> -> memref<1x64xi32, #tpu.memory_space<vmem>>
    %dma_wait3A_157 = tpu.memref_squeeze %dma_wait3A_156 : memref<1x64xi32, #tpu.memory_space<vmem>> -> memref<64xi32, #tpu.memory_space<vmem>>
    %dma_wait3A_158 = arith.constant 0 : i32
    %dma_wait3A_159 = arith.constant 0 : i32
    %dma_wait3A_160 = tpu.memref_slice %arg2[%dma_wait3A_158, %dma_wait3A_159] : memref<10000x128xf32, #tpu.memory_space<hbm>> -> memref<10000x128xf32, #tpu.memory_space<hbm>>
    tpu.wait_indirect_dma semaphore(%arg15 : memref<!tpu.dma_semaphore, #tpu.memory_space<semaphore_mem>>) src(%dma_wait3A_160 : memref<10000x128xf32, #tpu.memory_space<hbm>>) dst(%arg10 : memref<64x128xf32, #tpu.memory_space<vmem>>)
    %dma_start3A_161 = arith.constant 1 : i32
    %dma_start3A_162 = arith.constant 0 : i32
    %dma_start3A_163 = tpu.memref_slice %arg8[%dma_start3A_161, %dma_start3A_162] : memref<40x64xi32, #tpu.memory_space<vmem>> -> memref<1x64xi32, #tpu.memory_space<vmem>>
    %dma_start3A_164 = tpu.memref_squeeze %dma_start3A_163 : memref<1x64xi32, #tpu.memory_space<vmem>> -> memref<64xi32, #tpu.memory_space<vmem>>
    %dma_start3A_165 = arith.constant 0 : i32
    %dma_start3A_166 = arith.constant 0 : i32
    %dma_start3A_167 = tpu.memref_slice %arg13[%dma_start3A_165, %dma_start3A_166] : memref<10240x128xf32, #tpu.memory_space<vmem_shared>> -> memref<10240x128xf32, #tpu.memory_space<vmem_shared>>
    tpu.enqueue_indirect_dma source(%arg10 : memref<64x128xf32, #tpu.memory_space<vmem>>) target(%dma_start3A_167 : memref<10240x128xf32, #tpu.memory_space<vmem_shared>>) offsets(%dma_start3A_164 : memref<64xi32, #tpu.memory_space<vmem>>) semaphore(%arg19 : memref<!tpu.dma_semaphore, #tpu.memory_space<semaphore_mem>>) {add = true}
    %dma_start3A_168 = arith.constant 3 : i32
    %dma_start3A_169 = arith.constant 0 : i32
    %dma_start3A_170 = tpu.memref_slice %arg7[%dma_start3A_168, %dma_start3A_169] : memref<40x64xi32, #tpu.memory_space<vmem>> -> memref<1x64xi32, #tpu.memory_space<vmem>>
    %dma_start3A_171 = tpu.memref_squeeze %dma_start3A_170 : memref<1x64xi32, #tpu.memory_space<vmem>> -> memref<64xi32, #tpu.memory_space<vmem>>
    %dma_start3A_172 = arith.constant 0 : i32
    %dma_start3A_173 = arith.constant 0 : i32
    %dma_start3A_174 = tpu.memref_slice %arg2[%dma_start3A_172, %dma_start3A_173] : memref<10000x128xf32, #tpu.memory_space<hbm>> -> memref<10000x128xf32, #tpu.memory_space<hbm>>
    tpu.enqueue_indirect_dma source(%dma_start3A_174 : memref<10000x128xf32, #tpu.memory_space<hbm>>) target(%arg12 : memref<64x128xf32, #tpu.memory_space<vmem>>) offsets(%dma_start3A_171 : memref<64xi32, #tpu.memory_space<vmem>>) semaphore(%arg17 : memref<!tpu.dma_semaphore, #tpu.memory_space<semaphore_mem>>)
    %scan3A_175 = arith.constant 0 : i32
    %scan3A_176 = arith.constant 0 : i32
    %scan3A_177 = arith.constant 9 : i32
    %scan3A_178 = arith.addi %scan3A_176, %scan3A_177 : i32
    %scan3A_179 = arith.constant 1 : i32
    scf.for %scan3A_478 = %scan3A_176 to %scan3A_178 step %scan3A_179  : i32 {
      %mul3A_479 = arith.constant 4 : i32
      %mul3A_480 = arith.muli %mul3A_479, %scan3A_478 : i32
      %add3A = arith.constant 0 : i32
      %add3A_481 = arith.addi %mul3A_480, %add3A : i32
      %add3A_482 = arith.constant 2 : i32
      %add3A_483 = arith.addi %add3A_481, %add3A_482 : i32
      %dma_wait3A_484 = arith.constant 0 : i32
      %dma_wait3A_485 = tpu.memref_slice %arg7[%add3A_483, %dma_wait3A_484] : memref<40x64xi32, #tpu.memory_space<vmem>> -> memref<1x64xi32, #tpu.memory_space<vmem>>
      %dma_wait3A_486 = tpu.memref_squeeze %dma_wait3A_485 : memref<1x64xi32, #tpu.memory_space<vmem>> -> memref<64xi32, #tpu.memory_space<vmem>>
      %dma_wait3A_487 = arith.constant 0 : i32
      %dma_wait3A_488 = arith.constant 0 : i32
      %dma_wait3A_489 = tpu.memref_slice %arg2[%dma_wait3A_487, %dma_wait3A_488] : memref<10000x128xf32, #tpu.memory_space<hbm>> -> memref<10000x128xf32, #tpu.memory_space<hbm>>
      tpu.wait_indirect_dma semaphore(%arg16 : memref<!tpu.dma_semaphore, #tpu.memory_space<semaphore_mem>>) src(%dma_wait3A_489 : memref<10000x128xf32, #tpu.memory_space<hbm>>) dst(%arg11 : memref<64x128xf32, #tpu.memory_space<vmem>>)
      %dma_start3A_490 = arith.constant 0 : i32
      %dma_start3A_491 = tpu.memref_slice %arg8[%add3A_483, %dma_start3A_490] : memref<40x64xi32, #tpu.memory_space<vmem>> -> memref<1x64xi32, #tpu.memory_space<vmem>>
      %dma_start3A_492 = tpu.memref_squeeze %dma_start3A_491 : memref<1x64xi32, #tpu.memory_space<vmem>> -> memref<64xi32, #tpu.memory_space<vmem>>
      %dma_start3A_493 = arith.constant 0 : i32
      %dma_start3A_494 = arith.constant 0 : i32
      %dma_start3A_495 = tpu.memref_slice %arg13[%dma_start3A_493, %dma_start3A_494] : memref<10240x128xf32, #tpu.memory_space<vmem_shared>> -> memref<10240x128xf32, #tpu.memory_space<vmem_shared>>
      tpu.enqueue_indirect_dma source(%arg11 : memref<64x128xf32, #tpu.memory_space<vmem>>) target(%dma_start3A_495 : memref<10240x128xf32, #tpu.memory_space<vmem_shared>>) offsets(%dma_start3A_492 : memref<64xi32, #tpu.memory_space<vmem>>) semaphore(%arg20 : memref<!tpu.dma_semaphore, #tpu.memory_space<semaphore_mem>>) {add = true}
      %sub3A = arith.constant 2 : i32
      %sub3A_496 = arith.subi %add3A_483, %sub3A : i32
      %dma_wait3A_497 = arith.constant 0 : i32
      %dma_wait3A_498 = tpu.memref_slice %arg8[%sub3A_496, %dma_wait3A_497] : memref<40x64xi32, #tpu.memory_space<vmem>> -> memref<1x64xi32, #tpu.memory_space<vmem>>
      %dma_wait3A_499 = tpu.memref_squeeze %dma_wait3A_498 : memref<1x64xi32, #tpu.memory_space<vmem>> -> memref<64xi32, #tpu.memory_space<vmem>>
      %dma_wait3A_500 = arith.constant 0 : i32
      %dma_wait3A_501 = arith.constant 0 : i32
      %dma_wait3A_502 = tpu.memref_slice %arg13[%dma_wait3A_500, %dma_wait3A_501] : memref<10240x128xf32, #tpu.memory_space<vmem_shared>> -> memref<10240x128xf32, #tpu.memory_space<vmem_shared>>
      tpu.wait_indirect_dma semaphore(%arg18 : memref<!tpu.dma_semaphore, #tpu.memory_space<semaphore_mem>>) src(%arg9 : memref<64x128xf32, #tpu.memory_space<vmem>>) dst(%dma_wait3A_502 : memref<10240x128xf32, #tpu.memory_space<vmem_shared>>)
      %add3A_503 = arith.constant 2 : i32
      %add3A_504 = arith.addi %add3A_483, %add3A_503 : i32
      %dma_start3A_505 = arith.constant 0 : i32
      %dma_start3A_506 = tpu.memref_slice %arg7[%add3A_504, %dma_start3A_505] : memref<40x64xi32, #tpu.memory_space<vmem>> -> memref<1x64xi32, #tpu.memory_space<vmem>>
      %dma_start3A_507 = tpu.memref_squeeze %dma_start3A_506 : memref<1x64xi32, #tpu.memory_space<vmem>> -> memref<64xi32, #tpu.memory_space<vmem>>
      %dma_start3A_508 = arith.constant 0 : i32
      %dma_start3A_509 = arith.constant 0 : i32
      %dma_start3A_510 = tpu.memref_slice %arg2[%dma_start3A_508, %dma_start3A_509] : memref<10000x128xf32, #tpu.memory_space<hbm>> -> memref<10000x128xf32, #tpu.memory_space<hbm>>
      tpu.enqueue_indirect_dma source(%dma_start3A_510 : memref<10000x128xf32, #tpu.memory_space<hbm>>) target(%arg9 : memref<64x128xf32, #tpu.memory_space<vmem>>) offsets(%dma_start3A_507 : memref<64xi32, #tpu.memory_space<vmem>>) semaphore(%arg14 : memref<!tpu.dma_semaphore, #tpu.memory_space<semaphore_mem>>)
      %mul3A_511 = arith.constant 4 : i32
      %mul3A_512 = arith.muli %mul3A_511, %scan3A_478 : i32
      %add3A_513 = arith.constant 1 : i32
      %add3A_514 = arith.addi %mul3A_512, %add3A_513 : i32
      %add3A_515 = arith.constant 2 : i32
      %add3A_516 = arith.addi %add3A_514, %add3A_515 : i32
      %dma_wait3A_517 = arith.constant 0 : i32
      %dma_wait3A_518 = tpu.memref_slice %arg7[%add3A_516, %dma_wait3A_517] : memref<40x64xi32, #tpu.memory_space<vmem>> -> memref<1x64xi32, #tpu.memory_space<vmem>>
      %dma_wait3A_519 = tpu.memref_squeeze %dma_wait3A_518 : memref<1x64xi32, #tpu.memory_space<vmem>> -> memref<64xi32, #tpu.memory_space<vmem>>
      %dma_wait3A_520 = arith.constant 0 : i32
      %dma_wait3A_521 = arith.constant 0 : i32
      %dma_wait3A_522 = tpu.memref_slice %arg2[%dma_wait3A_520, %dma_wait3A_521] : memref<10000x128xf32, #tpu.memory_space<hbm>> -> memref<10000x128xf32, #tpu.memory_space<hbm>>
      tpu.wait_indirect_dma semaphore(%arg17 : memref<!tpu.dma_semaphore, #tpu.memory_space<semaphore_mem>>) src(%dma_wait3A_522 : memref<10000x128xf32, #tpu.memory_space<hbm>>) dst(%arg12 : memref<64x128xf32, #tpu.memory_space<vmem>>)
      %dma_start3A_523 = arith.constant 0 : i32
      %dma_start3A_524 = tpu.memref_slice %arg8[%add3A_516, %dma_start3A_523] : memref<40x64xi32, #tpu.memory_space<vmem>> -> memref<1x64xi32, #tpu.memory_space<vmem>>
      %dma_start3A_525 = tpu.memref_squeeze %dma_start3A_524 : memref<1x64xi32, #tpu.memory_space<vmem>> -> memref<64xi32, #tpu.memory_space<vmem>>
      %dma_start3A_526 = arith.constant 0 : i32
      %dma_start3A_527 = arith.constant 0 : i32
      %dma_start3A_528 = tpu.memref_slice %arg13[%dma_start3A_526, %dma_start3A_527] : memref<10240x128xf32, #tpu.memory_space<vmem_shared>> -> memref<10240x128xf32, #tpu.memory_space<vmem_shared>>
      tpu.enqueue_indirect_dma source(%arg12 : memref<64x128xf32, #tpu.memory_space<vmem>>) target(%dma_start3A_528 : memref<10240x128xf32, #tpu.memory_space<vmem_shared>>) offsets(%dma_start3A_525 : memref<64xi32, #tpu.memory_space<vmem>>) semaphore(%arg21 : memref<!tpu.dma_semaphore, #tpu.memory_space<semaphore_mem>>) {add = true}
      %sub3A_529 = arith.constant 2 : i32
      %sub3A_530 = arith.subi %add3A_516, %sub3A_529 : i32
      %dma_wait3A_531 = arith.constant 0 : i32
      %dma_wait3A_532 = tpu.memref_slice %arg8[%sub3A_530, %dma_wait3A_531] : memref<40x64xi32, #tpu.memory_space<vmem>> -> memref<1x64xi32, #tpu.memory_space<vmem>>
      %dma_wait3A_533 = tpu.memref_squeeze %dma_wait3A_532 : memref<1x64xi32, #tpu.memory_space<vmem>> -> memref<64xi32, #tpu.memory_space<vmem>>
      %dma_wait3A_534 = arith.constant 0 : i32
      %dma_wait3A_535 = arith.constant 0 : i32
      %dma_wait3A_536 = tpu.memref_slice %arg13[%dma_wait3A_534, %dma_wait3A_535] : memref<10240x128xf32, #tpu.memory_space<vmem_shared>> -> memref<10240x128xf32, #tpu.memory_space<vmem_shared>>
      tpu.wait_indirect_dma semaphore(%arg19 : memref<!tpu.dma_semaphore, #tpu.memory_space<semaphore_mem>>) src(%arg10 : memref<64x128xf32, #tpu.memory_space<vmem>>) dst(%dma_wait3A_536 : memref<10240x128xf32, #tpu.memory_space<vmem_shared>>)
      %add3A_537 = arith.constant 2 : i32
      %add3A_538 = arith.addi %add3A_516, %add3A_537 : i32
      %dma_start3A_539 = arith.constant 0 : i32
      %dma_start3A_540 = tpu.memref_slice %arg7[%add3A_538, %dma_start3A_539] : memref<40x64xi32, #tpu.memory_space<vmem>> -> memref<1x64xi32, #tpu.memory_space<vmem>>
      %dma_start3A_541 = tpu.memref_squeeze %dma_start3A_540 : memref<1x64xi32, #tpu.memory_space<vmem>> -> memref<64xi32, #tpu.memory_space<vmem>>
      %dma_start3A_542 = arith.constant 0 : i32
      %dma_start3A_543 = arith.constant 0 : i32
      %dma_start3A_544 = tpu.memref_slice %arg2[%dma_start3A_542, %dma_start3A_543] : memref<10000x128xf32, #tpu.memory_space<hbm>> -> memref<10000x128xf32, #tpu.memory_space<hbm>>
      tpu.enqueue_indirect_dma source(%dma_start3A_544 : memref<10000x128xf32, #tpu.memory_space<hbm>>) target(%arg10 : memref<64x128xf32, #tpu.memory_space<vmem>>) offsets(%dma_start3A_541 : memref<64xi32, #tpu.memory_space<vmem>>) semaphore(%arg15 : memref<!tpu.dma_semaphore, #tpu.memory_space<semaphore_mem>>)
      %mul3A_545 = arith.constant 4 : i32
      %mul3A_546 = arith.muli %mul3A_545, %scan3A_478 : i32
      %add3A_547 = arith.constant 2 : i32
      %add3A_548 = arith.addi %mul3A_546, %add3A_547 : i32
      %add3A_549 = arith.constant 2 : i32
      %add3A_550 = arith.addi %add3A_548, %add3A_549 : i32
      %dma_wait3A_551 = arith.constant 0 : i32
      %dma_wait3A_552 = tpu.memref_slice %arg7[%add3A_550, %dma_wait3A_551] : memref<40x64xi32, #tpu.memory_space<vmem>> -> memref<1x64xi32, #tpu.memory_space<vmem>>
      %dma_wait3A_553 = tpu.memref_squeeze %dma_wait3A_552 : memref<1x64xi32, #tpu.memory_space<vmem>> -> memref<64xi32, #tpu.memory_space<vmem>>
      %dma_wait3A_554 = arith.constant 0 : i32
      %dma_wait3A_555 = arith.constant 0 : i32
      %dma_wait3A_556 = tpu.memref_slice %arg2[%dma_wait3A_554, %dma_wait3A_555] : memref<10000x128xf32, #tpu.memory_space<hbm>> -> memref<10000x128xf32, #tpu.memory_space<hbm>>
      tpu.wait_indirect_dma semaphore(%arg14 : memref<!tpu.dma_semaphore, #tpu.memory_space<semaphore_mem>>) src(%dma_wait3A_556 : memref<10000x128xf32, #tpu.memory_space<hbm>>) dst(%arg9 : memref<64x128xf32, #tpu.memory_space<vmem>>)
      %dma_start3A_557 = arith.constant 0 : i32
      %dma_start3A_558 = tpu.memref_slice %arg8[%add3A_550, %dma_start3A_557] : memref<40x64xi32, #tpu.memory_space<vmem>> -> memref<1x64xi32, #tpu.memory_space<vmem>>
      %dma_start3A_559 = tpu.memref_squeeze %dma_start3A_558 : memref<1x64xi32, #tpu.memory_space<vmem>> -> memref<64xi32, #tpu.memory_space<vmem>>
      %dma_start3A_560 = arith.constant 0 : i32
      %dma_start3A_561 = arith.constant 0 : i32
      %dma_start3A_562 = tpu.memref_slice %arg13[%dma_start3A_560, %dma_start3A_561] : memref<10240x128xf32, #tpu.memory_space<vmem_shared>> -> memref<10240x128xf32, #tpu.memory_space<vmem_shared>>
      tpu.enqueue_indirect_dma source(%arg9 : memref<64x128xf32, #tpu.memory_space<vmem>>) target(%dma_start3A_562 : memref<10240x128xf32, #tpu.memory_space<vmem_shared>>) offsets(%dma_start3A_559 : memref<64xi32, #tpu.memory_space<vmem>>) semaphore(%arg18 : memref<!tpu.dma_semaphore, #tpu.memory_space<semaphore_mem>>) {add = true}
      %sub3A_563 = arith.constant 2 : i32
      %sub3A_564 = arith.subi %add3A_550, %sub3A_563 : i32
      %dma_wait3A_565 = arith.constant 0 : i32
      %dma_wait3A_566 = tpu.memref_slice %arg8[%sub3A_564, %dma_wait3A_565] : memref<40x64xi32, #tpu.memory_space<vmem>> -> memref<1x64xi32, #tpu.memory_space<vmem>>
      %dma_wait3A_567 = tpu.memref_squeeze %dma_wait3A_566 : memref<1x64xi32, #tpu.memory_space<vmem>> -> memref<64xi32, #tpu.memory_space<vmem>>
      %dma_wait3A_568 = arith.constant 0 : i32
      %dma_wait3A_569 = arith.constant 0 : i32
      %dma_wait3A_570 = tpu.memref_slice %arg13[%dma_wait3A_568, %dma_wait3A_569] : memref<10240x128xf32, #tpu.memory_space<vmem_shared>> -> memref<10240x128xf32, #tpu.memory_space<vmem_shared>>
      tpu.wait_indirect_dma semaphore(%arg20 : memref<!tpu.dma_semaphore, #tpu.memory_space<semaphore_mem>>) src(%arg11 : memref<64x128xf32, #tpu.memory_space<vmem>>) dst(%dma_wait3A_570 : memref<10240x128xf32, #tpu.memory_space<vmem_shared>>)
      %add3A_571 = arith.constant 2 : i32
      %add3A_572 = arith.addi %add3A_550, %add3A_571 : i32
      %dma_start3A_573 = arith.constant 0 : i32
      %dma_start3A_574 = tpu.memref_slice %arg7[%add3A_572, %dma_start3A_573] : memref<40x64xi32, #tpu.memory_space<vmem>> -> memref<1x64xi32, #tpu.memory_space<vmem>>
      %dma_start3A_575 = tpu.memref_squeeze %dma_start3A_574 : memref<1x64xi32, #tpu.memory_space<vmem>> -> memref<64xi32, #tpu.memory_space<vmem>>
      %dma_start3A_576 = arith.constant 0 : i32
      %dma_start3A_577 = arith.constant 0 : i32
      %dma_start3A_578 = tpu.memref_slice %arg2[%dma_start3A_576, %dma_start3A_577] : memref<10000x128xf32, #tpu.memory_space<hbm>> -> memref<10000x128xf32, #tpu.memory_space<hbm>>
      tpu.enqueue_indirect_dma source(%dma_start3A_578 : memref<10000x128xf32, #tpu.memory_space<hbm>>) target(%arg11 : memref<64x128xf32, #tpu.memory_space<vmem>>) offsets(%dma_start3A_575 : memref<64xi32, #tpu.memory_space<vmem>>) semaphore(%arg16 : memref<!tpu.dma_semaphore, #tpu.memory_space<semaphore_mem>>)
      %mul3A_579 = arith.constant 4 : i32
      %mul3A_580 = arith.muli %mul3A_579, %scan3A_478 : i32
      %add3A_581 = arith.constant 3 : i32
      %add3A_582 = arith.addi %mul3A_580, %add3A_581 : i32
      %add3A_583 = arith.constant 2 : i32
      %add3A_584 = arith.addi %add3A_582, %add3A_583 : i32
      %dma_wait3A_585 = arith.constant 0 : i32
      %dma_wait3A_586 = tpu.memref_slice %arg7[%add3A_584, %dma_wait3A_585] : memref<40x64xi32, #tpu.memory_space<vmem>> -> memref<1x64xi32, #tpu.memory_space<vmem>>
      %dma_wait3A_587 = tpu.memref_squeeze %dma_wait3A_586 : memref<1x64xi32, #tpu.memory_space<vmem>> -> memref<64xi32, #tpu.memory_space<vmem>>
      %dma_wait3A_588 = arith.constant 0 : i32
      %dma_wait3A_589 = arith.constant 0 : i32
      %dma_wait3A_590 = tpu.memref_slice %arg2[%dma_wait3A_588, %dma_wait3A_589] : memref<10000x128xf32, #tpu.memory_space<hbm>> -> memref<10000x128xf32, #tpu.memory_space<hbm>>
      tpu.wait_indirect_dma semaphore(%arg15 : memref<!tpu.dma_semaphore, #tpu.memory_space<semaphore_mem>>) src(%dma_wait3A_590 : memref<10000x128xf32, #tpu.memory_space<hbm>>) dst(%arg10 : memref<64x128xf32, #tpu.memory_space<vmem>>)
      %dma_start3A_591 = arith.constant 0 : i32
      %dma_start3A_592 = tpu.memref_slice %arg8[%add3A_584, %dma_start3A_591] : memref<40x64xi32, #tpu.memory_space<vmem>> -> memref<1x64xi32, #tpu.memory_space<vmem>>
      %dma_start3A_593 = tpu.memref_squeeze %dma_start3A_592 : memref<1x64xi32, #tpu.memory_space<vmem>> -> memref<64xi32, #tpu.memory_space<vmem>>
      %dma_start3A_594 = arith.constant 0 : i32
      %dma_start3A_595 = arith.constant 0 : i32
      %dma_start3A_596 = tpu.memref_slice %arg13[%dma_start3A_594, %dma_start3A_595] : memref<10240x128xf32, #tpu.memory_space<vmem_shared>> -> memref<10240x128xf32, #tpu.memory_space<vmem_shared>>
      tpu.enqueue_indirect_dma source(%arg10 : memref<64x128xf32, #tpu.memory_space<vmem>>) target(%dma_start3A_596 : memref<10240x128xf32, #tpu.memory_space<vmem_shared>>) offsets(%dma_start3A_593 : memref<64xi32, #tpu.memory_space<vmem>>) semaphore(%arg19 : memref<!tpu.dma_semaphore, #tpu.memory_space<semaphore_mem>>) {add = true}
      %sub3A_597 = arith.constant 2 : i32
      %sub3A_598 = arith.subi %add3A_584, %sub3A_597 : i32
      %dma_wait3A_599 = arith.constant 0 : i32
      %dma_wait3A_600 = tpu.memref_slice %arg8[%sub3A_598, %dma_wait3A_599] : memref<40x64xi32, #tpu.memory_space<vmem>> -> memref<1x64xi32, #tpu.memory_space<vmem>>
      %dma_wait3A_601 = tpu.memref_squeeze %dma_wait3A_600 : memref<1x64xi32, #tpu.memory_space<vmem>> -> memref<64xi32, #tpu.memory_space<vmem>>
      %dma_wait3A_602 = arith.constant 0 : i32
      %dma_wait3A_603 = arith.constant 0 : i32
      %dma_wait3A_604 = tpu.memref_slice %arg13[%dma_wait3A_602, %dma_wait3A_603] : memref<10240x128xf32, #tpu.memory_space<vmem_shared>> -> memref<10240x128xf32, #tpu.memory_space<vmem_shared>>
      tpu.wait_indirect_dma semaphore(%arg21 : memref<!tpu.dma_semaphore, #tpu.memory_space<semaphore_mem>>) src(%arg12 : memref<64x128xf32, #tpu.memory_space<vmem>>) dst(%dma_wait3A_604 : memref<10240x128xf32, #tpu.memory_space<vmem_shared>>)
      %add3A_605 = arith.constant 2 : i32
      %add3A_606 = arith.addi %add3A_584, %add3A_605 : i32
      %dma_start3A_607 = arith.constant 0 : i32
      %dma_start3A_608 = tpu.memref_slice %arg7[%add3A_606, %dma_start3A_607] : memref<40x64xi32, #tpu.memory_space<vmem>> -> memref<1x64xi32, #tpu.memory_space<vmem>>
      %dma_start3A_609 = tpu.memref_squeeze %dma_start3A_608 : memref<1x64xi32, #tpu.memory_space<vmem>> -> memref<64xi32, #tpu.memory_space<vmem>>
      %dma_start3A_610 = arith.constant 0 : i32
      %dma_start3A_611 = arith.constant 0 : i32
      %dma_start3A_612 = tpu.memref_slice %arg2[%dma_start3A_610, %dma_start3A_611] : memref<10000x128xf32, #tpu.memory_space<hbm>> -> memref<10000x128xf32, #tpu.memory_space<hbm>>
      tpu.enqueue_indirect_dma source(%dma_start3A_612 : memref<10000x128xf32, #tpu.memory_space<hbm>>) target(%arg12 : memref<64x128xf32, #tpu.memory_space<vmem>>) offsets(%dma_start3A_609 : memref<64xi32, #tpu.memory_space<vmem>>) semaphore(%arg17 : memref<!tpu.dma_semaphore, #tpu.memory_space<semaphore_mem>>)
    }
    %scan3A_180 = arith.constant 9 : i32
    %dma_wait3A_181 = arith.constant 38 : i32
    %dma_wait3A_182 = arith.constant 0 : i32
    %dma_wait3A_183 = tpu.memref_slice %arg7[%dma_wait3A_181, %dma_wait3A_182] : memref<40x64xi32, #tpu.memory_space<vmem>> -> memref<1x64xi32, #tpu.memory_space<vmem>>
    %dma_wait3A_184 = tpu.memref_squeeze %dma_wait3A_183 : memref<1x64xi32, #tpu.memory_space<vmem>> -> memref<64xi32, #tpu.memory_space<vmem>>
    %dma_wait3A_185 = arith.constant 0 : i32
    %dma_wait3A_186 = arith.constant 0 : i32
    %dma_wait3A_187 = tpu.memref_slice %arg2[%dma_wait3A_185, %dma_wait3A_186] : memref<10000x128xf32, #tpu.memory_space<hbm>> -> memref<10000x128xf32, #tpu.memory_space<hbm>>
    tpu.wait_indirect_dma semaphore(%arg16 : memref<!tpu.dma_semaphore, #tpu.memory_space<semaphore_mem>>) src(%dma_wait3A_187 : memref<10000x128xf32, #tpu.memory_space<hbm>>) dst(%arg11 : memref<64x128xf32, #tpu.memory_space<vmem>>)
    %dma_start3A_188 = arith.constant 38 : i32
    %dma_start3A_189 = arith.constant 0 : i32
    %dma_start3A_190 = tpu.memref_slice %arg8[%dma_start3A_188, %dma_start3A_189] : memref<40x64xi32, #tpu.memory_space<vmem>> -> memref<1x64xi32, #tpu.memory_space<vmem>>
    %dma_start3A_191 = tpu.memref_squeeze %dma_start3A_190 : memref<1x64xi32, #tpu.memory_space<vmem>> -> memref<64xi32, #tpu.memory_space<vmem>>
    %dma_start3A_192 = arith.constant 0 : i32
    %dma_start3A_193 = arith.constant 0 : i32
    %dma_start3A_194 = tpu.memref_slice %arg13[%dma_start3A_192, %dma_start3A_193] : memref<10240x128xf32, #tpu.memory_space<vmem_shared>> -> memref<10240x128xf32, #tpu.memory_space<vmem_shared>>
    tpu.enqueue_indirect_dma source(%arg11 : memref<64x128xf32, #tpu.memory_space<vmem>>) target(%dma_start3A_194 : memref<10240x128xf32, #tpu.memory_space<vmem_shared>>) offsets(%dma_start3A_191 : memref<64xi32, #tpu.memory_space<vmem>>) semaphore(%arg20 : memref<!tpu.dma_semaphore, #tpu.memory_space<semaphore_mem>>) {add = true}
    %dma_wait3A_195 = arith.constant 36 : i32
    %dma_wait3A_196 = arith.constant 0 : i32
    %dma_wait3A_197 = tpu.memref_slice %arg8[%dma_wait3A_195, %dma_wait3A_196] : memref<40x64xi32, #tpu.memory_space<vmem>> -> memref<1x64xi32, #tpu.memory_space<vmem>>
    %dma_wait3A_198 = tpu.memref_squeeze %dma_wait3A_197 : memref<1x64xi32, #tpu.memory_space<vmem>> -> memref<64xi32, #tpu.memory_space<vmem>>
    %dma_wait3A_199 = arith.constant 0 : i32
    %dma_wait3A_200 = arith.constant 0 : i32
    %dma_wait3A_201 = tpu.memref_slice %arg13[%dma_wait3A_199, %dma_wait3A_200] : memref<10240x128xf32, #tpu.memory_space<vmem_shared>> -> memref<10240x128xf32, #tpu.memory_space<vmem_shared>>
    tpu.wait_indirect_dma semaphore(%arg18 : memref<!tpu.dma_semaphore, #tpu.memory_space<semaphore_mem>>) src(%arg9 : memref<64x128xf32, #tpu.memory_space<vmem>>) dst(%dma_wait3A_201 : memref<10240x128xf32, #tpu.memory_space<vmem_shared>>)
    %dma_wait3A_202 = arith.constant 39 : i32
    %dma_wait3A_203 = arith.constant 0 : i32
    %dma_wait3A_204 = tpu.memref_slice %arg7[%dma_wait3A_202, %dma_wait3A_203] : memref<40x64xi32, #tpu.memory_space<vmem>> -> memref<1x64xi32, #tpu.memory_space<vmem>>
    %dma_wait3A_205 = tpu.memref_squeeze %dma_wait3A_204 : memref<1x64xi32, #tpu.memory_space<vmem>> -> memref<64xi32, #tpu.memory_space<vmem>>
    %dma_wait3A_206 = arith.constant 0 : i32
    %dma_wait3A_207 = arith.constant 0 : i32
    %dma_wait3A_208 = tpu.memref_slice %arg2[%dma_wait3A_206, %dma_wait3A_207] : memref<10000x128xf32, #tpu.memory_space<hbm>> -> memref<10000x128xf32, #tpu.memory_space<hbm>>
    tpu.wait_indirect_dma semaphore(%arg17 : memref<!tpu.dma_semaphore, #tpu.memory_space<semaphore_mem>>) src(%dma_wait3A_208 : memref<10000x128xf32, #tpu.memory_space<hbm>>) dst(%arg12 : memref<64x128xf32, #tpu.memory_space<vmem>>)
    %dma_start3A_209 = arith.constant 39 : i32
    %dma_start3A_210 = arith.constant 0 : i32
    %dma_start3A_211 = tpu.memref_slice %arg8[%dma_start3A_209, %dma_start3A_210] : memref<40x64xi32, #tpu.memory_space<vmem>> -> memref<1x64xi32, #tpu.memory_space<vmem>>
    %dma_start3A_212 = tpu.memref_squeeze %dma_start3A_211 : memref<1x64xi32, #tpu.memory_space<vmem>> -> memref<64xi32, #tpu.memory_space<vmem>>
    %dma_start3A_213 = arith.constant 0 : i32
    %dma_start3A_214 = arith.constant 0 : i32
    %dma_start3A_215 = tpu.memref_slice %arg13[%dma_start3A_213, %dma_start3A_214] : memref<10240x128xf32, #tpu.memory_space<vmem_shared>> -> memref<10240x128xf32, #tpu.memory_space<vmem_shared>>
    tpu.enqueue_indirect_dma source(%arg12 : memref<64x128xf32, #tpu.memory_space<vmem>>) target(%dma_start3A_215 : memref<10240x128xf32, #tpu.memory_space<vmem_shared>>) offsets(%dma_start3A_212 : memref<64xi32, #tpu.memory_space<vmem>>) semaphore(%arg21 : memref<!tpu.dma_semaphore, #tpu.memory_space<semaphore_mem>>) {add = true}
    %dma_wait3A_216 = arith.constant 37 : i32
    %dma_wait3A_217 = arith.constant 0 : i32
    %dma_wait3A_218 = tpu.memref_slice %arg8[%dma_wait3A_216, %dma_wait3A_217] : memref<40x64xi32, #tpu.memory_space<vmem>> -> memref<1x64xi32, #tpu.memory_space<vmem>>
    %dma_wait3A_219 = tpu.memref_squeeze %dma_wait3A_218 : memref<1x64xi32, #tpu.memory_space<vmem>> -> memref<64xi32, #tpu.memory_space<vmem>>
    %dma_wait3A_220 = arith.constant 0 : i32
    %dma_wait3A_221 = arith.constant 0 : i32
    %dma_wait3A_222 = tpu.memref_slice %arg13[%dma_wait3A_220, %dma_wait3A_221] : memref<10240x128xf32, #tpu.memory_space<vmem_shared>> -> memref<10240x128xf32, #tpu.memory_space<vmem_shared>>
    tpu.wait_indirect_dma semaphore(%arg19 : memref<!tpu.dma_semaphore, #tpu.memory_space<semaphore_mem>>) src(%arg10 : memref<64x128xf32, #tpu.memory_space<vmem>>) dst(%dma_wait3A_222 : memref<10240x128xf32, #tpu.memory_space<vmem_shared>>)
    %dma_wait3A_223 = arith.constant 38 : i32
    %dma_wait3A_224 = arith.constant 0 : i32
    %dma_wait3A_225 = tpu.memref_slice %arg8[%dma_wait3A_223, %dma_wait3A_224] : memref<40x64xi32, #tpu.memory_space<vmem>> -> memref<1x64xi32, #tpu.memory_space<vmem>>
    %dma_wait3A_226 = tpu.memref_squeeze %dma_wait3A_225 : memref<1x64xi32, #tpu.memory_space<vmem>> -> memref<64xi32, #tpu.memory_space<vmem>>
    %dma_wait3A_227 = arith.constant 0 : i32
    %dma_wait3A_228 = arith.constant 0 : i32
    %dma_wait3A_229 = tpu.memref_slice %arg13[%dma_wait3A_227, %dma_wait3A_228] : memref<10240x128xf32, #tpu.memory_space<vmem_shared>> -> memref<10240x128xf32, #tpu.memory_space<vmem_shared>>
    tpu.wait_indirect_dma semaphore(%arg20 : memref<!tpu.dma_semaphore, #tpu.memory_space<semaphore_mem>>) src(%arg11 : memref<64x128xf32, #tpu.memory_space<vmem>>) dst(%dma_wait3A_229 : memref<10240x128xf32, #tpu.memory_space<vmem_shared>>)
    %dma_wait3A_230 = arith.constant 39 : i32
    %dma_wait3A_231 = arith.constant 0 : i32
    %dma_wait3A_232 = tpu.memref_slice %arg8[%dma_wait3A_230, %dma_wait3A_231] : memref<40x64xi32, #tpu.memory_space<vmem>> -> memref<1x64xi32, #tpu.memory_space<vmem>>
    %dma_wait3A_233 = tpu.memref_squeeze %dma_wait3A_232 : memref<1x64xi32, #tpu.memory_space<vmem>> -> memref<64xi32, #tpu.memory_space<vmem>>
    %dma_wait3A_234 = arith.constant 0 : i32
    %dma_wait3A_235 = arith.constant 0 : i32
    %dma_wait3A_236 = tpu.memref_slice %arg13[%dma_wait3A_234, %dma_wait3A_235] : memref<10240x128xf32, #tpu.memory_space<vmem_shared>> -> memref<10240x128xf32, #tpu.memory_space<vmem_shared>>
    tpu.wait_indirect_dma semaphore(%arg21 : memref<!tpu.dma_semaphore, #tpu.memory_space<semaphore_mem>>) src(%arg12 : memref<64x128xf32, #tpu.memory_space<vmem>>) dst(%dma_wait3A_236 : memref<10240x128xf32, #tpu.memory_space<vmem_shared>>)
    %run_scoped3A_237 = arith.constant 2 : i32
    "tpu.region"() ({
      %run_scoped3A_478 = tpu.sem_alloc : memref<!tpu.dma_semaphore, #tpu.memory_space<semaphore_mem>>
      %dma_start3A_479 = arith.constant 0 : i32
      %dma_start3A_480 = arith.constant 0 : i32
      %dma_start3A_481 = tpu.memref_slice %arg3[%arg0, %arg1, %run_scoped3A_237, %dma_start3A_479, %dma_start3A_480] : memref<2x16x4x40x64xi32, #tpu.memory_space<hbm>> -> memref<1x1x1x40x64xi32, #tpu.memory_space<hbm>>
      %dma_start3A_482 = tpu.memref_squeeze %dma_start3A_481 : memref<1x1x1x40x64xi32, #tpu.memory_space<hbm>> -> memref<40x64xi32, #tpu.memory_space<hbm>>
      %dma_start3A_483 = arith.constant 0 : i32
      %dma_start3A_484 = arith.constant 0 : i32
      %dma_start3A_485 = tpu.memref_slice %arg3[%arg0, %arg1, %run_scoped3A_237, %dma_start3A_483, %dma_start3A_484] : memref<2x16x4x40x64xi32, #tpu.memory_space<hbm>> -> memref<1x1x1x40x64xi32, #tpu.memory_space<hbm>>
      %dma_start3A_486 = tpu.memref_squeeze %dma_start3A_485 : memref<1x1x1x40x64xi32, #tpu.memory_space<hbm>> -> memref<40x64xi32, #tpu.memory_space<hbm>>
      tpu.enqueue_dma source(%dma_start3A_486 : memref<40x64xi32, #tpu.memory_space<hbm>>) target(%arg7 : memref<40x64xi32, #tpu.memory_space<vmem>>) target_semaphore(%run_scoped3A_478 : memref<!tpu.dma_semaphore, #tpu.memory_space<semaphore_mem>>)
      %dma_wait3A_487 = arith.constant 0 : i32
      %dma_wait3A_488 = arith.constant 0 : i32
      %dma_wait3A_489 = tpu.memref_slice %arg3[%arg0, %arg1, %run_scoped3A_237, %dma_wait3A_487, %dma_wait3A_488] : memref<2x16x4x40x64xi32, #tpu.memory_space<hbm>> -> memref<1x1x1x40x64xi32, #tpu.memory_space<hbm>>
      %dma_wait3A_490 = tpu.memref_squeeze %dma_wait3A_489 : memref<1x1x1x40x64xi32, #tpu.memory_space<hbm>> -> memref<40x64xi32, #tpu.memory_space<hbm>>
      %dma_wait3A_491 = arith.constant 0 : i32
      %dma_wait3A_492 = arith.constant 0 : i32
      %dma_wait3A_493 = tpu.memref_slice %arg3[%arg0, %arg1, %run_scoped3A_237, %dma_wait3A_491, %dma_wait3A_492] : memref<2x16x4x40x64xi32, #tpu.memory_space<hbm>> -> memref<1x1x1x40x64xi32, #tpu.memory_space<hbm>>
      %dma_wait3A_494 = tpu.memref_squeeze %dma_wait3A_493 : memref<1x1x1x40x64xi32, #tpu.memory_space<hbm>> -> memref<40x64xi32, #tpu.memory_space<hbm>>
      tpu.wait_dma2 semaphore(%run_scoped3A_478 : memref<!tpu.dma_semaphore, #tpu.memory_space<semaphore_mem>>) src(%dma_wait3A_494 : memref<40x64xi32, #tpu.memory_space<hbm>>) dst(%arg7 : memref<40x64xi32, #tpu.memory_space<vmem>>)
      tpu.yield
    }) : () -> ()
    %run_scoped3A_238 = arith.constant 2 : i32
    "tpu.region"() ({
      %run_scoped3A_478 = tpu.sem_alloc : memref<!tpu.dma_semaphore, #tpu.memory_space<semaphore_mem>>
      %dma_start3A_479 = arith.constant 0 : i32
      %dma_start3A_480 = arith.constant 0 : i32
      %dma_start3A_481 = tpu.memref_slice %arg4[%arg0, %arg1, %run_scoped3A_238, %dma_start3A_479, %dma_start3A_480] : memref<2x16x4x40x64xi32, #tpu.memory_space<hbm>> -> memref<1x1x1x40x64xi32, #tpu.memory_space<hbm>>
      %dma_start3A_482 = tpu.memref_squeeze %dma_start3A_481 : memref<1x1x1x40x64xi32, #tpu.memory_space<hbm>> -> memref<40x64xi32, #tpu.memory_space<hbm>>
      %dma_start3A_483 = arith.constant 0 : i32
      %dma_start3A_484 = arith.constant 0 : i32
      %dma_start3A_485 = tpu.memref_slice %arg4[%arg0, %arg1, %run_scoped3A_238, %dma_start3A_483, %dma_start3A_484] : memref<2x16x4x40x64xi32, #tpu.memory_space<hbm>> -> memref<1x1x1x40x64xi32, #tpu.memory_space<hbm>>
      %dma_start3A_486 = tpu.memref_squeeze %dma_start3A_485 : memref<1x1x1x40x64xi32, #tpu.memory_space<hbm>> -> memref<40x64xi32, #tpu.memory_space<hbm>>
      tpu.enqueue_dma source(%dma_start3A_486 : memref<40x64xi32, #tpu.memory_space<hbm>>) target(%arg8 : memref<40x64xi32, #tpu.memory_space<vmem>>) target_semaphore(%run_scoped3A_478 : memref<!tpu.dma_semaphore, #tpu.memory_space<semaphore_mem>>)
      %dma_wait3A_487 = arith.constant 0 : i32
      %dma_wait3A_488 = arith.constant 0 : i32
      %dma_wait3A_489 = tpu.memref_slice %arg4[%arg0, %arg1, %run_scoped3A_238, %dma_wait3A_487, %dma_wait3A_488] : memref<2x16x4x40x64xi32, #tpu.memory_space<hbm>> -> memref<1x1x1x40x64xi32, #tpu.memory_space<hbm>>
      %dma_wait3A_490 = tpu.memref_squeeze %dma_wait3A_489 : memref<1x1x1x40x64xi32, #tpu.memory_space<hbm>> -> memref<40x64xi32, #tpu.memory_space<hbm>>
      %dma_wait3A_491 = arith.constant 0 : i32
      %dma_wait3A_492 = arith.constant 0 : i32
      %dma_wait3A_493 = tpu.memref_slice %arg4[%arg0, %arg1, %run_scoped3A_238, %dma_wait3A_491, %dma_wait3A_492] : memref<2x16x4x40x64xi32, #tpu.memory_space<hbm>> -> memref<1x1x1x40x64xi32, #tpu.memory_space<hbm>>
      %dma_wait3A_494 = tpu.memref_squeeze %dma_wait3A_493 : memref<1x1x1x40x64xi32, #tpu.memory_space<hbm>> -> memref<40x64xi32, #tpu.memory_space<hbm>>
      tpu.wait_dma2 semaphore(%run_scoped3A_478 : memref<!tpu.dma_semaphore, #tpu.memory_space<semaphore_mem>>) src(%dma_wait3A_494 : memref<40x64xi32, #tpu.memory_space<hbm>>) dst(%arg8 : memref<40x64xi32, #tpu.memory_space<vmem>>)
      tpu.yield
    }) : () -> ()
    %dma_start3A_239 = arith.constant 0 : i32
    %dma_start3A_240 = arith.constant 0 : i32
    %dma_start3A_241 = tpu.memref_slice %arg7[%dma_start3A_239, %dma_start3A_240] : memref<40x64xi32, #tpu.memory_space<vmem>> -> memref<1x64xi32, #tpu.memory_space<vmem>>
    %dma_start3A_242 = tpu.memref_squeeze %dma_start3A_241 : memref<1x64xi32, #tpu.memory_space<vmem>> -> memref<64xi32, #tpu.memory_space<vmem>>
    %dma_start3A_243 = arith.constant 0 : i32
    %dma_start3A_244 = arith.constant 0 : i32
    %dma_start3A_245 = tpu.memref_slice %arg2[%dma_start3A_243, %dma_start3A_244] : memref<10000x128xf32, #tpu.memory_space<hbm>> -> memref<10000x128xf32, #tpu.memory_space<hbm>>
    tpu.enqueue_indirect_dma source(%dma_start3A_245 : memref<10000x128xf32, #tpu.memory_space<hbm>>) target(%arg9 : memref<64x128xf32, #tpu.memory_space<vmem>>) offsets(%dma_start3A_242 : memref<64xi32, #tpu.memory_space<vmem>>) semaphore(%arg14 : memref<!tpu.dma_semaphore, #tpu.memory_space<semaphore_mem>>)
    %dma_start3A_246 = arith.constant 1 : i32
    %dma_start3A_247 = arith.constant 0 : i32
    %dma_start3A_248 = tpu.memref_slice %arg7[%dma_start3A_246, %dma_start3A_247] : memref<40x64xi32, #tpu.memory_space<vmem>> -> memref<1x64xi32, #tpu.memory_space<vmem>>
    %dma_start3A_249 = tpu.memref_squeeze %dma_start3A_248 : memref<1x64xi32, #tpu.memory_space<vmem>> -> memref<64xi32, #tpu.memory_space<vmem>>
    %dma_start3A_250 = arith.constant 0 : i32
    %dma_start3A_251 = arith.constant 0 : i32
    %dma_start3A_252 = tpu.memref_slice %arg2[%dma_start3A_250, %dma_start3A_251] : memref<10000x128xf32, #tpu.memory_space<hbm>> -> memref<10000x128xf32, #tpu.memory_space<hbm>>
    tpu.enqueue_indirect_dma source(%dma_start3A_252 : memref<10000x128xf32, #tpu.memory_space<hbm>>) target(%arg10 : memref<64x128xf32, #tpu.memory_space<vmem>>) offsets(%dma_start3A_249 : memref<64xi32, #tpu.memory_space<vmem>>) semaphore(%arg15 : memref<!tpu.dma_semaphore, #tpu.memory_space<semaphore_mem>>)
    %dma_wait3A_253 = arith.constant 0 : i32
    %dma_wait3A_254 = arith.constant 0 : i32
    %dma_wait3A_255 = tpu.memref_slice %arg7[%dma_wait3A_253, %dma_wait3A_254] : memref<40x64xi32, #tpu.memory_space<vmem>> -> memref<1x64xi32, #tpu.memory_space<vmem>>
    %dma_wait3A_256 = tpu.memref_squeeze %dma_wait3A_255 : memref<1x64xi32, #tpu.memory_space<vmem>> -> memref<64xi32, #tpu.memory_space<vmem>>
    %dma_wait3A_257 = arith.constant 0 : i32
    %dma_wait3A_258 = arith.constant 0 : i32
    %dma_wait3A_259 = tpu.memref_slice %arg2[%dma_wait3A_257, %dma_wait3A_258] : memref<10000x128xf32, #tpu.memory_space<hbm>> -> memref<10000x128xf32, #tpu.memory_space<hbm>>
    tpu.wait_indirect_dma semaphore(%arg14 : memref<!tpu.dma_semaphore, #tpu.memory_space<semaphore_mem>>) src(%dma_wait3A_259 : memref<10000x128xf32, #tpu.memory_space<hbm>>) dst(%arg9 : memref<64x128xf32, #tpu.memory_space<vmem>>)
    %dma_start3A_260 = arith.constant 0 : i32
    %dma_start3A_261 = arith.constant 0 : i32
    %dma_start3A_262 = tpu.memref_slice %arg8[%dma_start3A_260, %dma_start3A_261] : memref<40x64xi32, #tpu.memory_space<vmem>> -> memref<1x64xi32, #tpu.memory_space<vmem>>
    %dma_start3A_263 = tpu.memref_squeeze %dma_start3A_262 : memref<1x64xi32, #tpu.memory_space<vmem>> -> memref<64xi32, #tpu.memory_space<vmem>>
    %dma_start3A_264 = arith.constant 0 : i32
    %dma_start3A_265 = arith.constant 0 : i32
    %dma_start3A_266 = tpu.memref_slice %arg13[%dma_start3A_264, %dma_start3A_265] : memref<10240x128xf32, #tpu.memory_space<vmem_shared>> -> memref<10240x128xf32, #tpu.memory_space<vmem_shared>>
    tpu.enqueue_indirect_dma source(%arg9 : memref<64x128xf32, #tpu.memory_space<vmem>>) target(%dma_start3A_266 : memref<10240x128xf32, #tpu.memory_space<vmem_shared>>) offsets(%dma_start3A_263 : memref<64xi32, #tpu.memory_space<vmem>>) semaphore(%arg18 : memref<!tpu.dma_semaphore, #tpu.memory_space<semaphore_mem>>) {add = true}
    %dma_start3A_267 = arith.constant 2 : i32
    %dma_start3A_268 = arith.constant 0 : i32
    %dma_start3A_269 = tpu.memref_slice %arg7[%dma_start3A_267, %dma_start3A_268] : memref<40x64xi32, #tpu.memory_space<vmem>> -> memref<1x64xi32, #tpu.memory_space<vmem>>
    %dma_start3A_270 = tpu.memref_squeeze %dma_start3A_269 : memref<1x64xi32, #tpu.memory_space<vmem>> -> memref<64xi32, #tpu.memory_space<vmem>>
    %dma_start3A_271 = arith.constant 0 : i32
    %dma_start3A_272 = arith.constant 0 : i32
    %dma_start3A_273 = tpu.memref_slice %arg2[%dma_start3A_271, %dma_start3A_272] : memref<10000x128xf32, #tpu.memory_space<hbm>> -> memref<10000x128xf32, #tpu.memory_space<hbm>>
    tpu.enqueue_indirect_dma source(%dma_start3A_273 : memref<10000x128xf32, #tpu.memory_space<hbm>>) target(%arg11 : memref<64x128xf32, #tpu.memory_space<vmem>>) offsets(%dma_start3A_270 : memref<64xi32, #tpu.memory_space<vmem>>) semaphore(%arg16 : memref<!tpu.dma_semaphore, #tpu.memory_space<semaphore_mem>>)
    %dma_wait3A_274 = arith.constant 1 : i32
    %dma_wait3A_275 = arith.constant 0 : i32
    %dma_wait3A_276 = tpu.memref_slice %arg7[%dma_wait3A_274, %dma_wait3A_275] : memref<40x64xi32, #tpu.memory_space<vmem>> -> memref<1x64xi32, #tpu.memory_space<vmem>>
    %dma_wait3A_277 = tpu.memref_squeeze %dma_wait3A_276 : memref<1x64xi32, #tpu.memory_space<vmem>> -> memref<64xi32, #tpu.memory_space<vmem>>
    %dma_wait3A_278 = arith.constant 0 : i32
    %dma_wait3A_279 = arith.constant 0 : i32
    %dma_wait3A_280 = tpu.memref_slice %arg2[%dma_wait3A_278, %dma_wait3A_279] : memref<10000x128xf32, #tpu.memory_space<hbm>> -> memref<10000x128xf32, #tpu.memory_space<hbm>>
    tpu.wait_indirect_dma semaphore(%arg15 : memref<!tpu.dma_semaphore, #tpu.memory_space<semaphore_mem>>) src(%dma_wait3A_280 : memref<10000x128xf32, #tpu.memory_space<hbm>>) dst(%arg10 : memref<64x128xf32, #tpu.memory_space<vmem>>)
    %dma_start3A_281 = arith.constant 1 : i32
    %dma_start3A_282 = arith.constant 0 : i32
    %dma_start3A_283 = tpu.memref_slice %arg8[%dma_start3A_281, %dma_start3A_282] : memref<40x64xi32, #tpu.memory_space<vmem>> -> memref<1x64xi32, #tpu.memory_space<vmem>>
    %dma_start3A_284 = tpu.memref_squeeze %dma_start3A_283 : memref<1x64xi32, #tpu.memory_space<vmem>> -> memref<64xi32, #tpu.memory_space<vmem>>
    %dma_start3A_285 = arith.constant 0 : i32
    %dma_start3A_286 = arith.constant 0 : i32
    %dma_start3A_287 = tpu.memref_slice %arg13[%dma_start3A_285, %dma_start3A_286] : memref<10240x128xf32, #tpu.memory_space<vmem_shared>> -> memref<10240x128xf32, #tpu.memory_space<vmem_shared>>
    tpu.enqueue_indirect_dma source(%arg10 : memref<64x128xf32, #tpu.memory_space<vmem>>) target(%dma_start3A_287 : memref<10240x128xf32, #tpu.memory_space<vmem_shared>>) offsets(%dma_start3A_284 : memref<64xi32, #tpu.memory_space<vmem>>) semaphore(%arg19 : memref<!tpu.dma_semaphore, #tpu.memory_space<semaphore_mem>>) {add = true}
    %dma_start3A_288 = arith.constant 3 : i32
    %dma_start3A_289 = arith.constant 0 : i32
    %dma_start3A_290 = tpu.memref_slice %arg7[%dma_start3A_288, %dma_start3A_289] : memref<40x64xi32, #tpu.memory_space<vmem>> -> memref<1x64xi32, #tpu.memory_space<vmem>>
    %dma_start3A_291 = tpu.memref_squeeze %dma_start3A_290 : memref<1x64xi32, #tpu.memory_space<vmem>> -> memref<64xi32, #tpu.memory_space<vmem>>
    %dma_start3A_292 = arith.constant 0 : i32
    %dma_start3A_293 = arith.constant 0 : i32
    %dma_start3A_294 = tpu.memref_slice %arg2[%dma_start3A_292, %dma_start3A_293] : memref<10000x128xf32, #tpu.memory_space<hbm>> -> memref<10000x128xf32, #tpu.memory_space<hbm>>
    tpu.enqueue_indirect_dma source(%dma_start3A_294 : memref<10000x128xf32, #tpu.memory_space<hbm>>) target(%arg12 : memref<64x128xf32, #tpu.memory_space<vmem>>) offsets(%dma_start3A_291 : memref<64xi32, #tpu.memory_space<vmem>>) semaphore(%arg17 : memref<!tpu.dma_semaphore, #tpu.memory_space<semaphore_mem>>)
    %scan3A_295 = arith.constant 0 : i32
    %scan3A_296 = arith.constant 0 : i32
    %scan3A_297 = arith.constant 9 : i32
    %scan3A_298 = arith.addi %scan3A_296, %scan3A_297 : i32
    %scan3A_299 = arith.constant 1 : i32
    scf.for %scan3A_478 = %scan3A_296 to %scan3A_298 step %scan3A_299  : i32 {
      %mul3A_479 = arith.constant 4 : i32
      %mul3A_480 = arith.muli %mul3A_479, %scan3A_478 : i32
      %add3A = arith.constant 0 : i32
      %add3A_481 = arith.addi %mul3A_480, %add3A : i32
      %add3A_482 = arith.constant 2 : i32
      %add3A_483 = arith.addi %add3A_481, %add3A_482 : i32
      %dma_wait3A_484 = arith.constant 0 : i32
      %dma_wait3A_485 = tpu.memref_slice %arg7[%add3A_483, %dma_wait3A_484] : memref<40x64xi32, #tpu.memory_space<vmem>> -> memref<1x64xi32, #tpu.memory_space<vmem>>
      %dma_wait3A_486 = tpu.memref_squeeze %dma_wait3A_485 : memref<1x64xi32, #tpu.memory_space<vmem>> -> memref<64xi32, #tpu.memory_space<vmem>>
      %dma_wait3A_487 = arith.constant 0 : i32
      %dma_wait3A_488 = arith.constant 0 : i32
      %dma_wait3A_489 = tpu.memref_slice %arg2[%dma_wait3A_487, %dma_wait3A_488] : memref<10000x128xf32, #tpu.memory_space<hbm>> -> memref<10000x128xf32, #tpu.memory_space<hbm>>
      tpu.wait_indirect_dma semaphore(%arg16 : memref<!tpu.dma_semaphore, #tpu.memory_space<semaphore_mem>>) src(%dma_wait3A_489 : memref<10000x128xf32, #tpu.memory_space<hbm>>) dst(%arg11 : memref<64x128xf32, #tpu.memory_space<vmem>>)
      %dma_start3A_490 = arith.constant 0 : i32
      %dma_start3A_491 = tpu.memref_slice %arg8[%add3A_483, %dma_start3A_490] : memref<40x64xi32, #tpu.memory_space<vmem>> -> memref<1x64xi32, #tpu.memory_space<vmem>>
      %dma_start3A_492 = tpu.memref_squeeze %dma_start3A_491 : memref<1x64xi32, #tpu.memory_space<vmem>> -> memref<64xi32, #tpu.memory_space<vmem>>
      %dma_start3A_493 = arith.constant 0 : i32
      %dma_start3A_494 = arith.constant 0 : i32
      %dma_start3A_495 = tpu.memref_slice %arg13[%dma_start3A_493, %dma_start3A_494] : memref<10240x128xf32, #tpu.memory_space<vmem_shared>> -> memref<10240x128xf32, #tpu.memory_space<vmem_shared>>
      tpu.enqueue_indirect_dma source(%arg11 : memref<64x128xf32, #tpu.memory_space<vmem>>) target(%dma_start3A_495 : memref<10240x128xf32, #tpu.memory_space<vmem_shared>>) offsets(%dma_start3A_492 : memref<64xi32, #tpu.memory_space<vmem>>) semaphore(%arg20 : memref<!tpu.dma_semaphore, #tpu.memory_space<semaphore_mem>>) {add = true}
      %sub3A = arith.constant 2 : i32
      %sub3A_496 = arith.subi %add3A_483, %sub3A : i32
      %dma_wait3A_497 = arith.constant 0 : i32
      %dma_wait3A_498 = tpu.memref_slice %arg8[%sub3A_496, %dma_wait3A_497] : memref<40x64xi32, #tpu.memory_space<vmem>> -> memref<1x64xi32, #tpu.memory_space<vmem>>
      %dma_wait3A_499 = tpu.memref_squeeze %dma_wait3A_498 : memref<1x64xi32, #tpu.memory_space<vmem>> -> memref<64xi32, #tpu.memory_space<vmem>>
      %dma_wait3A_500 = arith.constant 0 : i32
      %dma_wait3A_501 = arith.constant 0 : i32
      %dma_wait3A_502 = tpu.memref_slice %arg13[%dma_wait3A_500, %dma_wait3A_501] : memref<10240x128xf32, #tpu.memory_space<vmem_shared>> -> memref<10240x128xf32, #tpu.memory_space<vmem_shared>>
      tpu.wait_indirect_dma semaphore(%arg18 : memref<!tpu.dma_semaphore, #tpu.memory_space<semaphore_mem>>) src(%arg9 : memref<64x128xf32, #tpu.memory_space<vmem>>) dst(%dma_wait3A_502 : memref<10240x128xf32, #tpu.memory_space<vmem_shared>>)
      %add3A_503 = arith.constant 2 : i32
      %add3A_504 = arith.addi %add3A_483, %add3A_503 : i32
      %dma_start3A_505 = arith.constant 0 : i32
      %dma_start3A_506 = tpu.memref_slice %arg7[%add3A_504, %dma_start3A_505] : memref<40x64xi32, #tpu.memory_space<vmem>> -> memref<1x64xi32, #tpu.memory_space<vmem>>
      %dma_start3A_507 = tpu.memref_squeeze %dma_start3A_506 : memref<1x64xi32, #tpu.memory_space<vmem>> -> memref<64xi32, #tpu.memory_space<vmem>>
      %dma_start3A_508 = arith.constant 0 : i32
      %dma_start3A_509 = arith.constant 0 : i32
      %dma_start3A_510 = tpu.memref_slice %arg2[%dma_start3A_508, %dma_start3A_509] : memref<10000x128xf32, #tpu.memory_space<hbm>> -> memref<10000x128xf32, #tpu.memory_space<hbm>>
      tpu.enqueue_indirect_dma source(%dma_start3A_510 : memref<10000x128xf32, #tpu.memory_space<hbm>>) target(%arg9 : memref<64x128xf32, #tpu.memory_space<vmem>>) offsets(%dma_start3A_507 : memref<64xi32, #tpu.memory_space<vmem>>) semaphore(%arg14 : memref<!tpu.dma_semaphore, #tpu.memory_space<semaphore_mem>>)
      %mul3A_511 = arith.constant 4 : i32
      %mul3A_512 = arith.muli %mul3A_511, %scan3A_478 : i32
      %add3A_513 = arith.constant 1 : i32
      %add3A_514 = arith.addi %mul3A_512, %add3A_513 : i32
      %add3A_515 = arith.constant 2 : i32
      %add3A_516 = arith.addi %add3A_514, %add3A_515 : i32
      %dma_wait3A_517 = arith.constant 0 : i32
      %dma_wait3A_518 = tpu.memref_slice %arg7[%add3A_516, %dma_wait3A_517] : memref<40x64xi32, #tpu.memory_space<vmem>> -> memref<1x64xi32, #tpu.memory_space<vmem>>
      %dma_wait3A_519 = tpu.memref_squeeze %dma_wait3A_518 : memref<1x64xi32, #tpu.memory_space<vmem>> -> memref<64xi32, #tpu.memory_space<vmem>>
      %dma_wait3A_520 = arith.constant 0 : i32
      %dma_wait3A_521 = arith.constant 0 : i32
      %dma_wait3A_522 = tpu.memref_slice %arg2[%dma_wait3A_520, %dma_wait3A_521] : memref<10000x128xf32, #tpu.memory_space<hbm>> -> memref<10000x128xf32, #tpu.memory_space<hbm>>
      tpu.wait_indirect_dma semaphore(%arg17 : memref<!tpu.dma_semaphore, #tpu.memory_space<semaphore_mem>>) src(%dma_wait3A_522 : memref<10000x128xf32, #tpu.memory_space<hbm>>) dst(%arg12 : memref<64x128xf32, #tpu.memory_space<vmem>>)
      %dma_start3A_523 = arith.constant 0 : i32
      %dma_start3A_524 = tpu.memref_slice %arg8[%add3A_516, %dma_start3A_523] : memref<40x64xi32, #tpu.memory_space<vmem>> -> memref<1x64xi32, #tpu.memory_space<vmem>>
      %dma_start3A_525 = tpu.memref_squeeze %dma_start3A_524 : memref<1x64xi32, #tpu.memory_space<vmem>> -> memref<64xi32, #tpu.memory_space<vmem>>
      %dma_start3A_526 = arith.constant 0 : i32
      %dma_start3A_527 = arith.constant 0 : i32
      %dma_start3A_528 = tpu.memref_slice %arg13[%dma_start3A_526, %dma_start3A_527] : memref<10240x128xf32, #tpu.memory_space<vmem_shared>> -> memref<10240x128xf32, #tpu.memory_space<vmem_shared>>
      tpu.enqueue_indirect_dma source(%arg12 : memref<64x128xf32, #tpu.memory_space<vmem>>) target(%dma_start3A_528 : memref<10240x128xf32, #tpu.memory_space<vmem_shared>>) offsets(%dma_start3A_525 : memref<64xi32, #tpu.memory_space<vmem>>) semaphore(%arg21 : memref<!tpu.dma_semaphore, #tpu.memory_space<semaphore_mem>>) {add = true}
      %sub3A_529 = arith.constant 2 : i32
      %sub3A_530 = arith.subi %add3A_516, %sub3A_529 : i32
      %dma_wait3A_531 = arith.constant 0 : i32
      %dma_wait3A_532 = tpu.memref_slice %arg8[%sub3A_530, %dma_wait3A_531] : memref<40x64xi32, #tpu.memory_space<vmem>> -> memref<1x64xi32, #tpu.memory_space<vmem>>
      %dma_wait3A_533 = tpu.memref_squeeze %dma_wait3A_532 : memref<1x64xi32, #tpu.memory_space<vmem>> -> memref<64xi32, #tpu.memory_space<vmem>>
      %dma_wait3A_534 = arith.constant 0 : i32
      %dma_wait3A_535 = arith.constant 0 : i32
      %dma_wait3A_536 = tpu.memref_slice %arg13[%dma_wait3A_534, %dma_wait3A_535] : memref<10240x128xf32, #tpu.memory_space<vmem_shared>> -> memref<10240x128xf32, #tpu.memory_space<vmem_shared>>
      tpu.wait_indirect_dma semaphore(%arg19 : memref<!tpu.dma_semaphore, #tpu.memory_space<semaphore_mem>>) src(%arg10 : memref<64x128xf32, #tpu.memory_space<vmem>>) dst(%dma_wait3A_536 : memref<10240x128xf32, #tpu.memory_space<vmem_shared>>)
      %add3A_537 = arith.constant 2 : i32
      %add3A_538 = arith.addi %add3A_516, %add3A_537 : i32
      %dma_start3A_539 = arith.constant 0 : i32
      %dma_start3A_540 = tpu.memref_slice %arg7[%add3A_538, %dma_start3A_539] : memref<40x64xi32, #tpu.memory_space<vmem>> -> memref<1x64xi32, #tpu.memory_space<vmem>>
      %dma_start3A_541 = tpu.memref_squeeze %dma_start3A_540 : memref<1x64xi32, #tpu.memory_space<vmem>> -> memref<64xi32, #tpu.memory_space<vmem>>
      %dma_start3A_542 = arith.constant 0 : i32
      %dma_start3A_543 = arith.constant 0 : i32
      %dma_start3A_544 = tpu.memref_slice %arg2[%dma_start3A_542, %dma_start3A_543] : memref<10000x128xf32, #tpu.memory_space<hbm>> -> memref<10000x128xf32, #tpu.memory_space<hbm>>
      tpu.enqueue_indirect_dma source(%dma_start3A_544 : memref<10000x128xf32, #tpu.memory_space<hbm>>) target(%arg10 : memref<64x128xf32, #tpu.memory_space<vmem>>) offsets(%dma_start3A_541 : memref<64xi32, #tpu.memory_space<vmem>>) semaphore(%arg15 : memref<!tpu.dma_semaphore, #tpu.memory_space<semaphore_mem>>)
      %mul3A_545 = arith.constant 4 : i32
      %mul3A_546 = arith.muli %mul3A_545, %scan3A_478 : i32
      %add3A_547 = arith.constant 2 : i32
      %add3A_548 = arith.addi %mul3A_546, %add3A_547 : i32
      %add3A_549 = arith.constant 2 : i32
      %add3A_550 = arith.addi %add3A_548, %add3A_549 : i32
      %dma_wait3A_551 = arith.constant 0 : i32
      %dma_wait3A_552 = tpu.memref_slice %arg7[%add3A_550, %dma_wait3A_551] : memref<40x64xi32, #tpu.memory_space<vmem>> -> memref<1x64xi32, #tpu.memory_space<vmem>>
      %dma_wait3A_553 = tpu.memref_squeeze %dma_wait3A_552 : memref<1x64xi32, #tpu.memory_space<vmem>> -> memref<64xi32, #tpu.memory_space<vmem>>
      %dma_wait3A_554 = arith.constant 0 : i32
      %dma_wait3A_555 = arith.constant 0 : i32
      %dma_wait3A_556 = tpu.memref_slice %arg2[%dma_wait3A_554, %dma_wait3A_555] : memref<10000x128xf32, #tpu.memory_space<hbm>> -> memref<10000x128xf32, #tpu.memory_space<hbm>>
      tpu.wait_indirect_dma semaphore(%arg14 : memref<!tpu.dma_semaphore, #tpu.memory_space<semaphore_mem>>) src(%dma_wait3A_556 : memref<10000x128xf32, #tpu.memory_space<hbm>>) dst(%arg9 : memref<64x128xf32, #tpu.memory_space<vmem>>)
      %dma_start3A_557 = arith.constant 0 : i32
      %dma_start3A_558 = tpu.memref_slice %arg8[%add3A_550, %dma_start3A_557] : memref<40x64xi32, #tpu.memory_space<vmem>> -> memref<1x64xi32, #tpu.memory_space<vmem>>
      %dma_start3A_559 = tpu.memref_squeeze %dma_start3A_558 : memref<1x64xi32, #tpu.memory_space<vmem>> -> memref<64xi32, #tpu.memory_space<vmem>>
      %dma_start3A_560 = arith.constant 0 : i32
      %dma_start3A_561 = arith.constant 0 : i32
      %dma_start3A_562 = tpu.memref_slice %arg13[%dma_start3A_560, %dma_start3A_561] : memref<10240x128xf32, #tpu.memory_space<vmem_shared>> -> memref<10240x128xf32, #tpu.memory_space<vmem_shared>>
      tpu.enqueue_indirect_dma source(%arg9 : memref<64x128xf32, #tpu.memory_space<vmem>>) target(%dma_start3A_562 : memref<10240x128xf32, #tpu.memory_space<vmem_shared>>) offsets(%dma_start3A_559 : memref<64xi32, #tpu.memory_space<vmem>>) semaphore(%arg18 : memref<!tpu.dma_semaphore, #tpu.memory_space<semaphore_mem>>) {add = true}
      %sub3A_563 = arith.constant 2 : i32
      %sub3A_564 = arith.subi %add3A_550, %sub3A_563 : i32
      %dma_wait3A_565 = arith.constant 0 : i32
      %dma_wait3A_566 = tpu.memref_slice %arg8[%sub3A_564, %dma_wait3A_565] : memref<40x64xi32, #tpu.memory_space<vmem>> -> memref<1x64xi32, #tpu.memory_space<vmem>>
      %dma_wait3A_567 = tpu.memref_squeeze %dma_wait3A_566 : memref<1x64xi32, #tpu.memory_space<vmem>> -> memref<64xi32, #tpu.memory_space<vmem>>
      %dma_wait3A_568 = arith.constant 0 : i32
      %dma_wait3A_569 = arith.constant 0 : i32
      %dma_wait3A_570 = tpu.memref_slice %arg13[%dma_wait3A_568, %dma_wait3A_569] : memref<10240x128xf32, #tpu.memory_space<vmem_shared>> -> memref<10240x128xf32, #tpu.memory_space<vmem_shared>>
      tpu.wait_indirect_dma semaphore(%arg20 : memref<!tpu.dma_semaphore, #tpu.memory_space<semaphore_mem>>) src(%arg11 : memref<64x128xf32, #tpu.memory_space<vmem>>) dst(%dma_wait3A_570 : memref<10240x128xf32, #tpu.memory_space<vmem_shared>>)
      %add3A_571 = arith.constant 2 : i32
      %add3A_572 = arith.addi %add3A_550, %add3A_571 : i32
      %dma_start3A_573 = arith.constant 0 : i32
      %dma_start3A_574 = tpu.memref_slice %arg7[%add3A_572, %dma_start3A_573] : memref<40x64xi32, #tpu.memory_space<vmem>> -> memref<1x64xi32, #tpu.memory_space<vmem>>
      %dma_start3A_575 = tpu.memref_squeeze %dma_start3A_574 : memref<1x64xi32, #tpu.memory_space<vmem>> -> memref<64xi32, #tpu.memory_space<vmem>>
      %dma_start3A_576 = arith.constant 0 : i32
      %dma_start3A_577 = arith.constant 0 : i32
      %dma_start3A_578 = tpu.memref_slice %arg2[%dma_start3A_576, %dma_start3A_577] : memref<10000x128xf32, #tpu.memory_space<hbm>> -> memref<10000x128xf32, #tpu.memory_space<hbm>>
      tpu.enqueue_indirect_dma source(%dma_start3A_578 : memref<10000x128xf32, #tpu.memory_space<hbm>>) target(%arg11 : memref<64x128xf32, #tpu.memory_space<vmem>>) offsets(%dma_start3A_575 : memref<64xi32, #tpu.memory_space<vmem>>) semaphore(%arg16 : memref<!tpu.dma_semaphore, #tpu.memory_space<semaphore_mem>>)
      %mul3A_579 = arith.constant 4 : i32
      %mul3A_580 = arith.muli %mul3A_579, %scan3A_478 : i32
      %add3A_581 = arith.constant 3 : i32
      %add3A_582 = arith.addi %mul3A_580, %add3A_581 : i32
      %add3A_583 = arith.constant 2 : i32
      %add3A_584 = arith.addi %add3A_582, %add3A_583 : i32
      %dma_wait3A_585 = arith.constant 0 : i32
      %dma_wait3A_586 = tpu.memref_slice %arg7[%add3A_584, %dma_wait3A_585] : memref<40x64xi32, #tpu.memory_space<vmem>> -> memref<1x64xi32, #tpu.memory_space<vmem>>
      %dma_wait3A_587 = tpu.memref_squeeze %dma_wait3A_586 : memref<1x64xi32, #tpu.memory_space<vmem>> -> memref<64xi32, #tpu.memory_space<vmem>>
      %dma_wait3A_588 = arith.constant 0 : i32
      %dma_wait3A_589 = arith.constant 0 : i32
      %dma_wait3A_590 = tpu.memref_slice %arg2[%dma_wait3A_588, %dma_wait3A_589] : memref<10000x128xf32, #tpu.memory_space<hbm>> -> memref<10000x128xf32, #tpu.memory_space<hbm>>
      tpu.wait_indirect_dma semaphore(%arg15 : memref<!tpu.dma_semaphore, #tpu.memory_space<semaphore_mem>>) src(%dma_wait3A_590 : memref<10000x128xf32, #tpu.memory_space<hbm>>) dst(%arg10 : memref<64x128xf32, #tpu.memory_space<vmem>>)
      %dma_start3A_591 = arith.constant 0 : i32
      %dma_start3A_592 = tpu.memref_slice %arg8[%add3A_584, %dma_start3A_591] : memref<40x64xi32, #tpu.memory_space<vmem>> -> memref<1x64xi32, #tpu.memory_space<vmem>>
      %dma_start3A_593 = tpu.memref_squeeze %dma_start3A_592 : memref<1x64xi32, #tpu.memory_space<vmem>> -> memref<64xi32, #tpu.memory_space<vmem>>
      %dma_start3A_594 = arith.constant 0 : i32
      %dma_start3A_595 = arith.constant 0 : i32
      %dma_start3A_596 = tpu.memref_slice %arg13[%dma_start3A_594, %dma_start3A_595] : memref<10240x128xf32, #tpu.memory_space<vmem_shared>> -> memref<10240x128xf32, #tpu.memory_space<vmem_shared>>
      tpu.enqueue_indirect_dma source(%arg10 : memref<64x128xf32, #tpu.memory_space<vmem>>) target(%dma_start3A_596 : memref<10240x128xf32, #tpu.memory_space<vmem_shared>>) offsets(%dma_start3A_593 : memref<64xi32, #tpu.memory_space<vmem>>) semaphore(%arg19 : memref<!tpu.dma_semaphore, #tpu.memory_space<semaphore_mem>>) {add = true}
      %sub3A_597 = arith.constant 2 : i32
      %sub3A_598 = arith.subi %add3A_584, %sub3A_597 : i32
      %dma_wait3A_599 = arith.constant 0 : i32
      %dma_wait3A_600 = tpu.memref_slice %arg8[%sub3A_598, %dma_wait3A_599] : memref<40x64xi32, #tpu.memory_space<vmem>> -> memref<1x64xi32, #tpu.memory_space<vmem>>
      %dma_wait3A_601 = tpu.memref_squeeze %dma_wait3A_600 : memref<1x64xi32, #tpu.memory_space<vmem>> -> memref<64xi32, #tpu.memory_space<vmem>>
      %dma_wait3A_602 = arith.constant 0 : i32
      %dma_wait3A_603 = arith.constant 0 : i32
      %dma_wait3A_604 = tpu.memref_slice %arg13[%dma_wait3A_602, %dma_wait3A_603] : memref<10240x128xf32, #tpu.memory_space<vmem_shared>> -> memref<10240x128xf32, #tpu.memory_space<vmem_shared>>
      tpu.wait_indirect_dma semaphore(%arg21 : memref<!tpu.dma_semaphore, #tpu.memory_space<semaphore_mem>>) src(%arg12 : memref<64x128xf32, #tpu.memory_space<vmem>>) dst(%dma_wait3A_604 : memref<10240x128xf32, #tpu.memory_space<vmem_shared>>)
      %add3A_605 = arith.constant 2 : i32
      %add3A_606 = arith.addi %add3A_584, %add3A_605 : i32
      %dma_start3A_607 = arith.constant 0 : i32
      %dma_start3A_608 = tpu.memref_slice %arg7[%add3A_606, %dma_start3A_607] : memref<40x64xi32, #tpu.memory_space<vmem>> -> memref<1x64xi32, #tpu.memory_space<vmem>>
      %dma_start3A_609 = tpu.memref_squeeze %dma_start3A_608 : memref<1x64xi32, #tpu.memory_space<vmem>> -> memref<64xi32, #tpu.memory_space<vmem>>
      %dma_start3A_610 = arith.constant 0 : i32
      %dma_start3A_611 = arith.constant 0 : i32
      %dma_start3A_612 = tpu.memref_slice %arg2[%dma_start3A_610, %dma_start3A_611] : memref<10000x128xf32, #tpu.memory_space<hbm>> -> memref<10000x128xf32, #tpu.memory_space<hbm>>
      tpu.enqueue_indirect_dma source(%dma_start3A_612 : memref<10000x128xf32, #tpu.memory_space<hbm>>) target(%arg12 : memref<64x128xf32, #tpu.memory_space<vmem>>) offsets(%dma_start3A_609 : memref<64xi32, #tpu.memory_space<vmem>>) semaphore(%arg17 : memref<!tpu.dma_semaphore, #tpu.memory_space<semaphore_mem>>)
    }
    %scan3A_300 = arith.constant 9 : i32
    %dma_wait3A_301 = arith.constant 38 : i32
    %dma_wait3A_302 = arith.constant 0 : i32
    %dma_wait3A_303 = tpu.memref_slice %arg7[%dma_wait3A_301, %dma_wait3A_302] : memref<40x64xi32, #tpu.memory_space<vmem>> -> memref<1x64xi32, #tpu.memory_space<vmem>>
    %dma_wait3A_304 = tpu.memref_squeeze %dma_wait3A_303 : memref<1x64xi32, #tpu.memory_space<vmem>> -> memref<64xi32, #tpu.memory_space<vmem>>
    %dma_wait3A_305 = arith.constant 0 : i32
    %dma_wait3A_306 = arith.constant 0 : i32
    %dma_wait3A_307 = tpu.memref_slice %arg2[%dma_wait3A_305, %dma_wait3A_306] : memref<10000x128xf32, #tpu.memory_space<hbm>> -> memref<10000x128xf32, #tpu.memory_space<hbm>>
    tpu.wait_indirect_dma semaphore(%arg16 : memref<!tpu.dma_semaphore, #tpu.memory_space<semaphore_mem>>) src(%dma_wait3A_307 : memref<10000x128xf32, #tpu.memory_space<hbm>>) dst(%arg11 : memref<64x128xf32, #tpu.memory_space<vmem>>)
    %dma_start3A_308 = arith.constant 38 : i32
    %dma_start3A_309 = arith.constant 0 : i32
    %dma_start3A_310 = tpu.memref_slice %arg8[%dma_start3A_308, %dma_start3A_309] : memref<40x64xi32, #tpu.memory_space<vmem>> -> memref<1x64xi32, #tpu.memory_space<vmem>>
    %dma_start3A_311 = tpu.memref_squeeze %dma_start3A_310 : memref<1x64xi32, #tpu.memory_space<vmem>> -> memref<64xi32, #tpu.memory_space<vmem>>
    %dma_start3A_312 = arith.constant 0 : i32
    %dma_start3A_313 = arith.constant 0 : i32
    %dma_start3A_314 = tpu.memref_slice %arg13[%dma_start3A_312, %dma_start3A_313] : memref<10240x128xf32, #tpu.memory_space<vmem_shared>> -> memref<10240x128xf32, #tpu.memory_space<vmem_shared>>
    tpu.enqueue_indirect_dma source(%arg11 : memref<64x128xf32, #tpu.memory_space<vmem>>) target(%dma_start3A_314 : memref<10240x128xf32, #tpu.memory_space<vmem_shared>>) offsets(%dma_start3A_311 : memref<64xi32, #tpu.memory_space<vmem>>) semaphore(%arg20 : memref<!tpu.dma_semaphore, #tpu.memory_space<semaphore_mem>>) {add = true}
    %dma_wait3A_315 = arith.constant 36 : i32
    %dma_wait3A_316 = arith.constant 0 : i32
    %dma_wait3A_317 = tpu.memref_slice %arg8[%dma_wait3A_315, %dma_wait3A_316] : memref<40x64xi32, #tpu.memory_space<vmem>> -> memref<1x64xi32, #tpu.memory_space<vmem>>
    %dma_wait3A_318 = tpu.memref_squeeze %dma_wait3A_317 : memref<1x64xi32, #tpu.memory_space<vmem>> -> memref<64xi32, #tpu.memory_space<vmem>>
    %dma_wait3A_319 = arith.constant 0 : i32
    %dma_wait3A_320 = arith.constant 0 : i32
    %dma_wait3A_321 = tpu.memref_slice %arg13[%dma_wait3A_319, %dma_wait3A_320] : memref<10240x128xf32, #tpu.memory_space<vmem_shared>> -> memref<10240x128xf32, #tpu.memory_space<vmem_shared>>
    tpu.wait_indirect_dma semaphore(%arg18 : memref<!tpu.dma_semaphore, #tpu.memory_space<semaphore_mem>>) src(%arg9 : memref<64x128xf32, #tpu.memory_space<vmem>>) dst(%dma_wait3A_321 : memref<10240x128xf32, #tpu.memory_space<vmem_shared>>)
    %dma_wait3A_322 = arith.constant 39 : i32
    %dma_wait3A_323 = arith.constant 0 : i32
    %dma_wait3A_324 = tpu.memref_slice %arg7[%dma_wait3A_322, %dma_wait3A_323] : memref<40x64xi32, #tpu.memory_space<vmem>> -> memref<1x64xi32, #tpu.memory_space<vmem>>
    %dma_wait3A_325 = tpu.memref_squeeze %dma_wait3A_324 : memref<1x64xi32, #tpu.memory_space<vmem>> -> memref<64xi32, #tpu.memory_space<vmem>>
    %dma_wait3A_326 = arith.constant 0 : i32
    %dma_wait3A_327 = arith.constant 0 : i32
    %dma_wait3A_328 = tpu.memref_slice %arg2[%dma_wait3A_326, %dma_wait3A_327] : memref<10000x128xf32, #tpu.memory_space<hbm>> -> memref<10000x128xf32, #tpu.memory_space<hbm>>
    tpu.wait_indirect_dma semaphore(%arg17 : memref<!tpu.dma_semaphore, #tpu.memory_space<semaphore_mem>>) src(%dma_wait3A_328 : memref<10000x128xf32, #tpu.memory_space<hbm>>) dst(%arg12 : memref<64x128xf32, #tpu.memory_space<vmem>>)
    %dma_start3A_329 = arith.constant 39 : i32
    %dma_start3A_330 = arith.constant 0 : i32
    %dma_start3A_331 = tpu.memref_slice %arg8[%dma_start3A_329, %dma_start3A_330] : memref<40x64xi32, #tpu.memory_space<vmem>> -> memref<1x64xi32, #tpu.memory_space<vmem>>
    %dma_start3A_332 = tpu.memref_squeeze %dma_start3A_331 : memref<1x64xi32, #tpu.memory_space<vmem>> -> memref<64xi32, #tpu.memory_space<vmem>>
    %dma_start3A_333 = arith.constant 0 : i32
    %dma_start3A_334 = arith.constant 0 : i32
    %dma_start3A_335 = tpu.memref_slice %arg13[%dma_start3A_333, %dma_start3A_334] : memref<10240x128xf32, #tpu.memory_space<vmem_shared>> -> memref<10240x128xf32, #tpu.memory_space<vmem_shared>>
    tpu.enqueue_indirect_dma source(%arg12 : memref<64x128xf32, #tpu.memory_space<vmem>>) target(%dma_start3A_335 : memref<10240x128xf32, #tpu.memory_space<vmem_shared>>) offsets(%dma_start3A_332 : memref<64xi32, #tpu.memory_space<vmem>>) semaphore(%arg21 : memref<!tpu.dma_semaphore, #tpu.memory_space<semaphore_mem>>) {add = true}
    %dma_wait3A_336 = arith.constant 37 : i32
    %dma_wait3A_337 = arith.constant 0 : i32
    %dma_wait3A_338 = tpu.memref_slice %arg8[%dma_wait3A_336, %dma_wait3A_337] : memref<40x64xi32, #tpu.memory_space<vmem>> -> memref<1x64xi32, #tpu.memory_space<vmem>>
    %dma_wait3A_339 = tpu.memref_squeeze %dma_wait3A_338 : memref<1x64xi32, #tpu.memory_space<vmem>> -> memref<64xi32, #tpu.memory_space<vmem>>
    %dma_wait3A_340 = arith.constant 0 : i32
    %dma_wait3A_341 = arith.constant 0 : i32
    %dma_wait3A_342 = tpu.memref_slice %arg13[%dma_wait3A_340, %dma_wait3A_341] : memref<10240x128xf32, #tpu.memory_space<vmem_shared>> -> memref<10240x128xf32, #tpu.memory_space<vmem_shared>>
    tpu.wait_indirect_dma semaphore(%arg19 : memref<!tpu.dma_semaphore, #tpu.memory_space<semaphore_mem>>) src(%arg10 : memref<64x128xf32, #tpu.memory_space<vmem>>) dst(%dma_wait3A_342 : memref<10240x128xf32, #tpu.memory_space<vmem_shared>>)
    %dma_wait3A_343 = arith.constant 38 : i32
    %dma_wait3A_344 = arith.constant 0 : i32
    %dma_wait3A_345 = tpu.memref_slice %arg8[%dma_wait3A_343, %dma_wait3A_344] : memref<40x64xi32, #tpu.memory_space<vmem>> -> memref<1x64xi32, #tpu.memory_space<vmem>>
    %dma_wait3A_346 = tpu.memref_squeeze %dma_wait3A_345 : memref<1x64xi32, #tpu.memory_space<vmem>> -> memref<64xi32, #tpu.memory_space<vmem>>
    %dma_wait3A_347 = arith.constant 0 : i32
    %dma_wait3A_348 = arith.constant 0 : i32
    %dma_wait3A_349 = tpu.memref_slice %arg13[%dma_wait3A_347, %dma_wait3A_348] : memref<10240x128xf32, #tpu.memory_space<vmem_shared>> -> memref<10240x128xf32, #tpu.memory_space<vmem_shared>>
    tpu.wait_indirect_dma semaphore(%arg20 : memref<!tpu.dma_semaphore, #tpu.memory_space<semaphore_mem>>) src(%arg11 : memref<64x128xf32, #tpu.memory_space<vmem>>) dst(%dma_wait3A_349 : memref<10240x128xf32, #tpu.memory_space<vmem_shared>>)
    %dma_wait3A_350 = arith.constant 39 : i32
    %dma_wait3A_351 = arith.constant 0 : i32
    %dma_wait3A_352 = tpu.memref_slice %arg8[%dma_wait3A_350, %dma_wait3A_351] : memref<40x64xi32, #tpu.memory_space<vmem>> -> memref<1x64xi32, #tpu.memory_space<vmem>>
    %dma_wait3A_353 = tpu.memref_squeeze %dma_wait3A_352 : memref<1x64xi32, #tpu.memory_space<vmem>> -> memref<64xi32, #tpu.memory_space<vmem>>
    %dma_wait3A_354 = arith.constant 0 : i32
    %dma_wait3A_355 = arith.constant 0 : i32
    %dma_wait3A_356 = tpu.memref_slice %arg13[%dma_wait3A_354, %dma_wait3A_355] : memref<10240x128xf32, #tpu.memory_space<vmem_shared>> -> memref<10240x128xf32, #tpu.memory_space<vmem_shared>>
    tpu.wait_indirect_dma semaphore(%arg21 : memref<!tpu.dma_semaphore, #tpu.memory_space<semaphore_mem>>) src(%arg12 : memref<64x128xf32, #tpu.memory_space<vmem>>) dst(%dma_wait3A_356 : memref<10240x128xf32, #tpu.memory_space<vmem_shared>>)
    %run_scoped3A_357 = arith.constant 3 : i32
    "tpu.region"() ({
      %run_scoped3A_478 = tpu.sem_alloc : memref<!tpu.dma_semaphore, #tpu.memory_space<semaphore_mem>>
      %dma_start3A_479 = arith.constant 0 : i32
      %dma_start3A_480 = arith.constant 0 : i32
      %dma_start3A_481 = tpu.memref_slice %arg3[%arg0, %arg1, %run_scoped3A_357, %dma_start3A_479, %dma_start3A_480] : memref<2x16x4x40x64xi32, #tpu.memory_space<hbm>> -> memref<1x1x1x40x64xi32, #tpu.memory_space<hbm>>
      %dma_start3A_482 = tpu.memref_squeeze %dma_start3A_481 : memref<1x1x1x40x64xi32, #tpu.memory_space<hbm>> -> memref<40x64xi32, #tpu.memory_space<hbm>>
      %dma_start3A_483 = arith.constant 0 : i32
      %dma_start3A_484 = arith.constant 0 : i32
      %dma_start3A_485 = tpu.memref_slice %arg3[%arg0, %arg1, %run_scoped3A_357, %dma_start3A_483, %dma_start3A_484] : memref<2x16x4x40x64xi32, #tpu.memory_space<hbm>> -> memref<1x1x1x40x64xi32, #tpu.memory_space<hbm>>
      %dma_start3A_486 = tpu.memref_squeeze %dma_start3A_485 : memref<1x1x1x40x64xi32, #tpu.memory_space<hbm>> -> memref<40x64xi32, #tpu.memory_space<hbm>>
      tpu.enqueue_dma source(%dma_start3A_486 : memref<40x64xi32, #tpu.memory_space<hbm>>) target(%arg7 : memref<40x64xi32, #tpu.memory_space<vmem>>) target_semaphore(%run_scoped3A_478 : memref<!tpu.dma_semaphore, #tpu.memory_space<semaphore_mem>>)
      %dma_wait3A_487 = arith.constant 0 : i32
      %dma_wait3A_488 = arith.constant 0 : i32
      %dma_wait3A_489 = tpu.memref_slice %arg3[%arg0, %arg1, %run_scoped3A_357, %dma_wait3A_487, %dma_wait3A_488] : memref<2x16x4x40x64xi32, #tpu.memory_space<hbm>> -> memref<1x1x1x40x64xi32, #tpu.memory_space<hbm>>
      %dma_wait3A_490 = tpu.memref_squeeze %dma_wait3A_489 : memref<1x1x1x40x64xi32, #tpu.memory_space<hbm>> -> memref<40x64xi32, #tpu.memory_space<hbm>>
      %dma_wait3A_491 = arith.constant 0 : i32
      %dma_wait3A_492 = arith.constant 0 : i32
      %dma_wait3A_493 = tpu.memref_slice %arg3[%arg0, %arg1, %run_scoped3A_357, %dma_wait3A_491, %dma_wait3A_492] : memref<2x16x4x40x64xi32, #tpu.memory_space<hbm>> -> memref<1x1x1x40x64xi32, #tpu.memory_space<hbm>>
      %dma_wait3A_494 = tpu.memref_squeeze %dma_wait3A_493 : memref<1x1x1x40x64xi32, #tpu.memory_space<hbm>> -> memref<40x64xi32, #tpu.memory_space<hbm>>
      tpu.wait_dma2 semaphore(%run_scoped3A_478 : memref<!tpu.dma_semaphore, #tpu.memory_space<semaphore_mem>>) src(%dma_wait3A_494 : memref<40x64xi32, #tpu.memory_space<hbm>>) dst(%arg7 : memref<40x64xi32, #tpu.memory_space<vmem>>)
      tpu.yield
    }) : () -> ()
    %run_scoped3A_358 = arith.constant 3 : i32
    "tpu.region"() ({
      %run_scoped3A_478 = tpu.sem_alloc : memref<!tpu.dma_semaphore, #tpu.memory_space<semaphore_mem>>
      %dma_start3A_479 = arith.constant 0 : i32
      %dma_start3A_480 = arith.constant 0 : i32
      %dma_start3A_481 = tpu.memref_slice %arg4[%arg0, %arg1, %run_scoped3A_358, %dma_start3A_479, %dma_start3A_480] : memref<2x16x4x40x64xi32, #tpu.memory_space<hbm>> -> memref<1x1x1x40x64xi32, #tpu.memory_space<hbm>>
      %dma_start3A_482 = tpu.memref_squeeze %dma_start3A_481 : memref<1x1x1x40x64xi32, #tpu.memory_space<hbm>> -> memref<40x64xi32, #tpu.memory_space<hbm>>
      %dma_start3A_483 = arith.constant 0 : i32
      %dma_start3A_484 = arith.constant 0 : i32
      %dma_start3A_485 = tpu.memref_slice %arg4[%arg0, %arg1, %run_scoped3A_358, %dma_start3A_483, %dma_start3A_484] : memref<2x16x4x40x64xi32, #tpu.memory_space<hbm>> -> memref<1x1x1x40x64xi32, #tpu.memory_space<hbm>>
      %dma_start3A_486 = tpu.memref_squeeze %dma_start3A_485 : memref<1x1x1x40x64xi32, #tpu.memory_space<hbm>> -> memref<40x64xi32, #tpu.memory_space<hbm>>
      tpu.enqueue_dma source(%dma_start3A_486 : memref<40x64xi32, #tpu.memory_space<hbm>>) target(%arg8 : memref<40x64xi32, #tpu.memory_space<vmem>>) target_semaphore(%run_scoped3A_478 : memref<!tpu.dma_semaphore, #tpu.memory_space<semaphore_mem>>)
      %dma_wait3A_487 = arith.constant 0 : i32
      %dma_wait3A_488 = arith.constant 0 : i32
      %dma_wait3A_489 = tpu.memref_slice %arg4[%arg0, %arg1, %run_scoped3A_358, %dma_wait3A_487, %dma_wait3A_488] : memref<2x16x4x40x64xi32, #tpu.memory_space<hbm>> -> memref<1x1x1x40x64xi32, #tpu.memory_space<hbm>>
      %dma_wait3A_490 = tpu.memref_squeeze %dma_wait3A_489 : memref<1x1x1x40x64xi32, #tpu.memory_space<hbm>> -> memref<40x64xi32, #tpu.memory_space<hbm>>
      %dma_wait3A_491 = arith.constant 0 : i32
      %dma_wait3A_492 = arith.constant 0 : i32
      %dma_wait3A_493 = tpu.memref_slice %arg4[%arg0, %arg1, %run_scoped3A_358, %dma_wait3A_491, %dma_wait3A_492] : memref<2x16x4x40x64xi32, #tpu.memory_space<hbm>> -> memref<1x1x1x40x64xi32, #tpu.memory_space<hbm>>
      %dma_wait3A_494 = tpu.memref_squeeze %dma_wait3A_493 : memref<1x1x1x40x64xi32, #tpu.memory_space<hbm>> -> memref<40x64xi32, #tpu.memory_space<hbm>>
      tpu.wait_dma2 semaphore(%run_scoped3A_478 : memref<!tpu.dma_semaphore, #tpu.memory_space<semaphore_mem>>) src(%dma_wait3A_494 : memref<40x64xi32, #tpu.memory_space<hbm>>) dst(%arg8 : memref<40x64xi32, #tpu.memory_space<vmem>>)
      tpu.yield
    }) : () -> ()
    %dma_start3A_359 = arith.constant 0 : i32
    %dma_start3A_360 = arith.constant 0 : i32
    %dma_start3A_361 = tpu.memref_slice %arg7[%dma_start3A_359, %dma_start3A_360] : memref<40x64xi32, #tpu.memory_space<vmem>> -> memref<1x64xi32, #tpu.memory_space<vmem>>
    %dma_start3A_362 = tpu.memref_squeeze %dma_start3A_361 : memref<1x64xi32, #tpu.memory_space<vmem>> -> memref<64xi32, #tpu.memory_space<vmem>>
    %dma_start3A_363 = arith.constant 0 : i32
    %dma_start3A_364 = arith.constant 0 : i32
    %dma_start3A_365 = tpu.memref_slice %arg2[%dma_start3A_363, %dma_start3A_364] : memref<10000x128xf32, #tpu.memory_space<hbm>> -> memref<10000x128xf32, #tpu.memory_space<hbm>>
    tpu.enqueue_indirect_dma source(%dma_start3A_365 : memref<10000x128xf32, #tpu.memory_space<hbm>>) target(%arg9 : memref<64x128xf32, #tpu.memory_space<vmem>>) offsets(%dma_start3A_362 : memref<64xi32, #tpu.memory_space<vmem>>) semaphore(%arg14 : memref<!tpu.dma_semaphore, #tpu.memory_space<semaphore_mem>>)
    %dma_start3A_366 = arith.constant 1 : i32
    %dma_start3A_367 = arith.constant 0 : i32
    %dma_start3A_368 = tpu.memref_slice %arg7[%dma_start3A_366, %dma_start3A_367] : memref<40x64xi32, #tpu.memory_space<vmem>> -> memref<1x64xi32, #tpu.memory_space<vmem>>
    %dma_start3A_369 = tpu.memref_squeeze %dma_start3A_368 : memref<1x64xi32, #tpu.memory_space<vmem>> -> memref<64xi32, #tpu.memory_space<vmem>>
    %dma_start3A_370 = arith.constant 0 : i32
    %dma_start3A_371 = arith.constant 0 : i32
    %dma_start3A_372 = tpu.memref_slice %arg2[%dma_start3A_370, %dma_start3A_371] : memref<10000x128xf32, #tpu.memory_space<hbm>> -> memref<10000x128xf32, #tpu.memory_space<hbm>>
    tpu.enqueue_indirect_dma source(%dma_start3A_372 : memref<10000x128xf32, #tpu.memory_space<hbm>>) target(%arg10 : memref<64x128xf32, #tpu.memory_space<vmem>>) offsets(%dma_start3A_369 : memref<64xi32, #tpu.memory_space<vmem>>) semaphore(%arg15 : memref<!tpu.dma_semaphore, #tpu.memory_space<semaphore_mem>>)
    %dma_wait3A_373 = arith.constant 0 : i32
    %dma_wait3A_374 = arith.constant 0 : i32
    %dma_wait3A_375 = tpu.memref_slice %arg7[%dma_wait3A_373, %dma_wait3A_374] : memref<40x64xi32, #tpu.memory_space<vmem>> -> memref<1x64xi32, #tpu.memory_space<vmem>>
    %dma_wait3A_376 = tpu.memref_squeeze %dma_wait3A_375 : memref<1x64xi32, #tpu.memory_space<vmem>> -> memref<64xi32, #tpu.memory_space<vmem>>
    %dma_wait3A_377 = arith.constant 0 : i32
    %dma_wait3A_378 = arith.constant 0 : i32
    %dma_wait3A_379 = tpu.memref_slice %arg2[%dma_wait3A_377, %dma_wait3A_378] : memref<10000x128xf32, #tpu.memory_space<hbm>> -> memref<10000x128xf32, #tpu.memory_space<hbm>>
    tpu.wait_indirect_dma semaphore(%arg14 : memref<!tpu.dma_semaphore, #tpu.memory_space<semaphore_mem>>) src(%dma_wait3A_379 : memref<10000x128xf32, #tpu.memory_space<hbm>>) dst(%arg9 : memref<64x128xf32, #tpu.memory_space<vmem>>)
    %dma_start3A_380 = arith.constant 0 : i32
    %dma_start3A_381 = arith.constant 0 : i32
    %dma_start3A_382 = tpu.memref_slice %arg8[%dma_start3A_380, %dma_start3A_381] : memref<40x64xi32, #tpu.memory_space<vmem>> -> memref<1x64xi32, #tpu.memory_space<vmem>>
    %dma_start3A_383 = tpu.memref_squeeze %dma_start3A_382 : memref<1x64xi32, #tpu.memory_space<vmem>> -> memref<64xi32, #tpu.memory_space<vmem>>
    %dma_start3A_384 = arith.constant 0 : i32
    %dma_start3A_385 = arith.constant 0 : i32
    %dma_start3A_386 = tpu.memref_slice %arg13[%dma_start3A_384, %dma_start3A_385] : memref<10240x128xf32, #tpu.memory_space<vmem_shared>> -> memref<10240x128xf32, #tpu.memory_space<vmem_shared>>
    tpu.enqueue_indirect_dma source(%arg9 : memref<64x128xf32, #tpu.memory_space<vmem>>) target(%dma_start3A_386 : memref<10240x128xf32, #tpu.memory_space<vmem_shared>>) offsets(%dma_start3A_383 : memref<64xi32, #tpu.memory_space<vmem>>) semaphore(%arg18 : memref<!tpu.dma_semaphore, #tpu.memory_space<semaphore_mem>>) {add = true}
    %dma_start3A_387 = arith.constant 2 : i32
    %dma_start3A_388 = arith.constant 0 : i32
    %dma_start3A_389 = tpu.memref_slice %arg7[%dma_start3A_387, %dma_start3A_388] : memref<40x64xi32, #tpu.memory_space<vmem>> -> memref<1x64xi32, #tpu.memory_space<vmem>>
    %dma_start3A_390 = tpu.memref_squeeze %dma_start3A_389 : memref<1x64xi32, #tpu.memory_space<vmem>> -> memref<64xi32, #tpu.memory_space<vmem>>
    %dma_start3A_391 = arith.constant 0 : i32
    %dma_start3A_392 = arith.constant 0 : i32
    %dma_start3A_393 = tpu.memref_slice %arg2[%dma_start3A_391, %dma_start3A_392] : memref<10000x128xf32, #tpu.memory_space<hbm>> -> memref<10000x128xf32, #tpu.memory_space<hbm>>
    tpu.enqueue_indirect_dma source(%dma_start3A_393 : memref<10000x128xf32, #tpu.memory_space<hbm>>) target(%arg11 : memref<64x128xf32, #tpu.memory_space<vmem>>) offsets(%dma_start3A_390 : memref<64xi32, #tpu.memory_space<vmem>>) semaphore(%arg16 : memref<!tpu.dma_semaphore, #tpu.memory_space<semaphore_mem>>)
    %dma_wait3A_394 = arith.constant 1 : i32
    %dma_wait3A_395 = arith.constant 0 : i32
    %dma_wait3A_396 = tpu.memref_slice %arg7[%dma_wait3A_394, %dma_wait3A_395] : memref<40x64xi32, #tpu.memory_space<vmem>> -> memref<1x64xi32, #tpu.memory_space<vmem>>
    %dma_wait3A_397 = tpu.memref_squeeze %dma_wait3A_396 : memref<1x64xi32, #tpu.memory_space<vmem>> -> memref<64xi32, #tpu.memory_space<vmem>>
    %dma_wait3A_398 = arith.constant 0 : i32
    %dma_wait3A_399 = arith.constant 0 : i32
    %dma_wait3A_400 = tpu.memref_slice %arg2[%dma_wait3A_398, %dma_wait3A_399] : memref<10000x128xf32, #tpu.memory_space<hbm>> -> memref<10000x128xf32, #tpu.memory_space<hbm>>
    tpu.wait_indirect_dma semaphore(%arg15 : memref<!tpu.dma_semaphore, #tpu.memory_space<semaphore_mem>>) src(%dma_wait3A_400 : memref<10000x128xf32, #tpu.memory_space<hbm>>) dst(%arg10 : memref<64x128xf32, #tpu.memory_space<vmem>>)
    %dma_start3A_401 = arith.constant 1 : i32
    %dma_start3A_402 = arith.constant 0 : i32
    %dma_start3A_403 = tpu.memref_slice %arg8[%dma_start3A_401, %dma_start3A_402] : memref<40x64xi32, #tpu.memory_space<vmem>> -> memref<1x64xi32, #tpu.memory_space<vmem>>
    %dma_start3A_404 = tpu.memref_squeeze %dma_start3A_403 : memref<1x64xi32, #tpu.memory_space<vmem>> -> memref<64xi32, #tpu.memory_space<vmem>>
    %dma_start3A_405 = arith.constant 0 : i32
    %dma_start3A_406 = arith.constant 0 : i32
    %dma_start3A_407 = tpu.memref_slice %arg13[%dma_start3A_405, %dma_start3A_406] : memref<10240x128xf32, #tpu.memory_space<vmem_shared>> -> memref<10240x128xf32, #tpu.memory_space<vmem_shared>>
    tpu.enqueue_indirect_dma source(%arg10 : memref<64x128xf32, #tpu.memory_space<vmem>>) target(%dma_start3A_407 : memref<10240x128xf32, #tpu.memory_space<vmem_shared>>) offsets(%dma_start3A_404 : memref<64xi32, #tpu.memory_space<vmem>>) semaphore(%arg19 : memref<!tpu.dma_semaphore, #tpu.memory_space<semaphore_mem>>) {add = true}
    %dma_start3A_408 = arith.constant 3 : i32
    %dma_start3A_409 = arith.constant 0 : i32
    %dma_start3A_410 = tpu.memref_slice %arg7[%dma_start3A_408, %dma_start3A_409] : memref<40x64xi32, #tpu.memory_space<vmem>> -> memref<1x64xi32, #tpu.memory_space<vmem>>
    %dma_start3A_411 = tpu.memref_squeeze %dma_start3A_410 : memref<1x64xi32, #tpu.memory_space<vmem>> -> memref<64xi32, #tpu.memory_space<vmem>>
    %dma_start3A_412 = arith.constant 0 : i32
    %dma_start3A_413 = arith.constant 0 : i32
    %dma_start3A_414 = tpu.memref_slice %arg2[%dma_start3A_412, %dma_start3A_413] : memref<10000x128xf32, #tpu.memory_space<hbm>> -> memref<10000x128xf32, #tpu.memory_space<hbm>>
    tpu.enqueue_indirect_dma source(%dma_start3A_414 : memref<10000x128xf32, #tpu.memory_space<hbm>>) target(%arg12 : memref<64x128xf32, #tpu.memory_space<vmem>>) offsets(%dma_start3A_411 : memref<64xi32, #tpu.memory_space<vmem>>) semaphore(%arg17 : memref<!tpu.dma_semaphore, #tpu.memory_space<semaphore_mem>>)
    %scan3A_415 = arith.constant 0 : i32
    %scan3A_416 = arith.constant 0 : i32
    %scan3A_417 = arith.constant 9 : i32
    %scan3A_418 = arith.addi %scan3A_416, %scan3A_417 : i32
    %scan3A_419 = arith.constant 1 : i32
    scf.for %scan3A_478 = %scan3A_416 to %scan3A_418 step %scan3A_419  : i32 {
      %mul3A_479 = arith.constant 4 : i32
      %mul3A_480 = arith.muli %mul3A_479, %scan3A_478 : i32
      %add3A = arith.constant 0 : i32
      %add3A_481 = arith.addi %mul3A_480, %add3A : i32
      %add3A_482 = arith.constant 2 : i32
      %add3A_483 = arith.addi %add3A_481, %add3A_482 : i32
      %dma_wait3A_484 = arith.constant 0 : i32
      %dma_wait3A_485 = tpu.memref_slice %arg7[%add3A_483, %dma_wait3A_484] : memref<40x64xi32, #tpu.memory_space<vmem>> -> memref<1x64xi32, #tpu.memory_space<vmem>>
      %dma_wait3A_486 = tpu.memref_squeeze %dma_wait3A_485 : memref<1x64xi32, #tpu.memory_space<vmem>> -> memref<64xi32, #tpu.memory_space<vmem>>
      %dma_wait3A_487 = arith.constant 0 : i32
      %dma_wait3A_488 = arith.constant 0 : i32
      %dma_wait3A_489 = tpu.memref_slice %arg2[%dma_wait3A_487, %dma_wait3A_488] : memref<10000x128xf32, #tpu.memory_space<hbm>> -> memref<10000x128xf32, #tpu.memory_space<hbm>>
      tpu.wait_indirect_dma semaphore(%arg16 : memref<!tpu.dma_semaphore, #tpu.memory_space<semaphore_mem>>) src(%dma_wait3A_489 : memref<10000x128xf32, #tpu.memory_space<hbm>>) dst(%arg11 : memref<64x128xf32, #tpu.memory_space<vmem>>)
      %dma_start3A_490 = arith.constant 0 : i32
      %dma_start3A_491 = tpu.memref_slice %arg8[%add3A_483, %dma_start3A_490] : memref<40x64xi32, #tpu.memory_space<vmem>> -> memref<1x64xi32, #tpu.memory_space<vmem>>
      %dma_start3A_492 = tpu.memref_squeeze %dma_start3A_491 : memref<1x64xi32, #tpu.memory_space<vmem>> -> memref<64xi32, #tpu.memory_space<vmem>>
      %dma_start3A_493 = arith.constant 0 : i32
      %dma_start3A_494 = arith.constant 0 : i32
      %dma_start3A_495 = tpu.memref_slice %arg13[%dma_start3A_493, %dma_start3A_494] : memref<10240x128xf32, #tpu.memory_space<vmem_shared>> -> memref<10240x128xf32, #tpu.memory_space<vmem_shared>>
      tpu.enqueue_indirect_dma source(%arg11 : memref<64x128xf32, #tpu.memory_space<vmem>>) target(%dma_start3A_495 : memref<10240x128xf32, #tpu.memory_space<vmem_shared>>) offsets(%dma_start3A_492 : memref<64xi32, #tpu.memory_space<vmem>>) semaphore(%arg20 : memref<!tpu.dma_semaphore, #tpu.memory_space<semaphore_mem>>) {add = true}
      %sub3A = arith.constant 2 : i32
      %sub3A_496 = arith.subi %add3A_483, %sub3A : i32
      %dma_wait3A_497 = arith.constant 0 : i32
      %dma_wait3A_498 = tpu.memref_slice %arg8[%sub3A_496, %dma_wait3A_497] : memref<40x64xi32, #tpu.memory_space<vmem>> -> memref<1x64xi32, #tpu.memory_space<vmem>>
      %dma_wait3A_499 = tpu.memref_squeeze %dma_wait3A_498 : memref<1x64xi32, #tpu.memory_space<vmem>> -> memref<64xi32, #tpu.memory_space<vmem>>
      %dma_wait3A_500 = arith.constant 0 : i32
      %dma_wait3A_501 = arith.constant 0 : i32
      %dma_wait3A_502 = tpu.memref_slice %arg13[%dma_wait3A_500, %dma_wait3A_501] : memref<10240x128xf32, #tpu.memory_space<vmem_shared>> -> memref<10240x128xf32, #tpu.memory_space<vmem_shared>>
      tpu.wait_indirect_dma semaphore(%arg18 : memref<!tpu.dma_semaphore, #tpu.memory_space<semaphore_mem>>) src(%arg9 : memref<64x128xf32, #tpu.memory_space<vmem>>) dst(%dma_wait3A_502 : memref<10240x128xf32, #tpu.memory_space<vmem_shared>>)
      %add3A_503 = arith.constant 2 : i32
      %add3A_504 = arith.addi %add3A_483, %add3A_503 : i32
      %dma_start3A_505 = arith.constant 0 : i32
      %dma_start3A_506 = tpu.memref_slice %arg7[%add3A_504, %dma_start3A_505] : memref<40x64xi32, #tpu.memory_space<vmem>> -> memref<1x64xi32, #tpu.memory_space<vmem>>
      %dma_start3A_507 = tpu.memref_squeeze %dma_start3A_506 : memref<1x64xi32, #tpu.memory_space<vmem>> -> memref<64xi32, #tpu.memory_space<vmem>>
      %dma_start3A_508 = arith.constant 0 : i32
      %dma_start3A_509 = arith.constant 0 : i32
      %dma_start3A_510 = tpu.memref_slice %arg2[%dma_start3A_508, %dma_start3A_509] : memref<10000x128xf32, #tpu.memory_space<hbm>> -> memref<10000x128xf32, #tpu.memory_space<hbm>>
      tpu.enqueue_indirect_dma source(%dma_start3A_510 : memref<10000x128xf32, #tpu.memory_space<hbm>>) target(%arg9 : memref<64x128xf32, #tpu.memory_space<vmem>>) offsets(%dma_start3A_507 : memref<64xi32, #tpu.memory_space<vmem>>) semaphore(%arg14 : memref<!tpu.dma_semaphore, #tpu.memory_space<semaphore_mem>>)
      %mul3A_511 = arith.constant 4 : i32
      %mul3A_512 = arith.muli %mul3A_511, %scan3A_478 : i32
      %add3A_513 = arith.constant 1 : i32
      %add3A_514 = arith.addi %mul3A_512, %add3A_513 : i32
      %add3A_515 = arith.constant 2 : i32
      %add3A_516 = arith.addi %add3A_514, %add3A_515 : i32
      %dma_wait3A_517 = arith.constant 0 : i32
      %dma_wait3A_518 = tpu.memref_slice %arg7[%add3A_516, %dma_wait3A_517] : memref<40x64xi32, #tpu.memory_space<vmem>> -> memref<1x64xi32, #tpu.memory_space<vmem>>
      %dma_wait3A_519 = tpu.memref_squeeze %dma_wait3A_518 : memref<1x64xi32, #tpu.memory_space<vmem>> -> memref<64xi32, #tpu.memory_space<vmem>>
      %dma_wait3A_520 = arith.constant 0 : i32
      %dma_wait3A_521 = arith.constant 0 : i32
      %dma_wait3A_522 = tpu.memref_slice %arg2[%dma_wait3A_520, %dma_wait3A_521] : memref<10000x128xf32, #tpu.memory_space<hbm>> -> memref<10000x128xf32, #tpu.memory_space<hbm>>
      tpu.wait_indirect_dma semaphore(%arg17 : memref<!tpu.dma_semaphore, #tpu.memory_space<semaphore_mem>>) src(%dma_wait3A_522 : memref<10000x128xf32, #tpu.memory_space<hbm>>) dst(%arg12 : memref<64x128xf32, #tpu.memory_space<vmem>>)
      %dma_start3A_523 = arith.constant 0 : i32
      %dma_start3A_524 = tpu.memref_slice %arg8[%add3A_516, %dma_start3A_523] : memref<40x64xi32, #tpu.memory_space<vmem>> -> memref<1x64xi32, #tpu.memory_space<vmem>>
      %dma_start3A_525 = tpu.memref_squeeze %dma_start3A_524 : memref<1x64xi32, #tpu.memory_space<vmem>> -> memref<64xi32, #tpu.memory_space<vmem>>
      %dma_start3A_526 = arith.constant 0 : i32
      %dma_start3A_527 = arith.constant 0 : i32
      %dma_start3A_528 = tpu.memref_slice %arg13[%dma_start3A_526, %dma_start3A_527] : memref<10240x128xf32, #tpu.memory_space<vmem_shared>> -> memref<10240x128xf32, #tpu.memory_space<vmem_shared>>
      tpu.enqueue_indirect_dma source(%arg12 : memref<64x128xf32, #tpu.memory_space<vmem>>) target(%dma_start3A_528 : memref<10240x128xf32, #tpu.memory_space<vmem_shared>>) offsets(%dma_start3A_525 : memref<64xi32, #tpu.memory_space<vmem>>) semaphore(%arg21 : memref<!tpu.dma_semaphore, #tpu.memory_space<semaphore_mem>>) {add = true}
      %sub3A_529 = arith.constant 2 : i32
      %sub3A_530 = arith.subi %add3A_516, %sub3A_529 : i32
      %dma_wait3A_531 = arith.constant 0 : i32
      %dma_wait3A_532 = tpu.memref_slice %arg8[%sub3A_530, %dma_wait3A_531] : memref<40x64xi32, #tpu.memory_space<vmem>> -> memref<1x64xi32, #tpu.memory_space<vmem>>
      %dma_wait3A_533 = tpu.memref_squeeze %dma_wait3A_532 : memref<1x64xi32, #tpu.memory_space<vmem>> -> memref<64xi32, #tpu.memory_space<vmem>>
      %dma_wait3A_534 = arith.constant 0 : i32
      %dma_wait3A_535 = arith.constant 0 : i32
      %dma_wait3A_536 = tpu.memref_slice %arg13[%dma_wait3A_534, %dma_wait3A_535] : memref<10240x128xf32, #tpu.memory_space<vmem_shared>> -> memref<10240x128xf32, #tpu.memory_space<vmem_shared>>
      tpu.wait_indirect_dma semaphore(%arg19 : memref<!tpu.dma_semaphore, #tpu.memory_space<semaphore_mem>>) src(%arg10 : memref<64x128xf32, #tpu.memory_space<vmem>>) dst(%dma_wait3A_536 : memref<10240x128xf32, #tpu.memory_space<vmem_shared>>)
      %add3A_537 = arith.constant 2 : i32
      %add3A_538 = arith.addi %add3A_516, %add3A_537 : i32
      %dma_start3A_539 = arith.constant 0 : i32
      %dma_start3A_540 = tpu.memref_slice %arg7[%add3A_538, %dma_start3A_539] : memref<40x64xi32, #tpu.memory_space<vmem>> -> memref<1x64xi32, #tpu.memory_space<vmem>>
      %dma_start3A_541 = tpu.memref_squeeze %dma_start3A_540 : memref<1x64xi32, #tpu.memory_space<vmem>> -> memref<64xi32, #tpu.memory_space<vmem>>
      %dma_start3A_542 = arith.constant 0 : i32
      %dma_start3A_543 = arith.constant 0 : i32
      %dma_start3A_544 = tpu.memref_slice %arg2[%dma_start3A_542, %dma_start3A_543] : memref<10000x128xf32, #tpu.memory_space<hbm>> -> memref<10000x128xf32, #tpu.memory_space<hbm>>
      tpu.enqueue_indirect_dma source(%dma_start3A_544 : memref<10000x128xf32, #tpu.memory_space<hbm>>) target(%arg10 : memref<64x128xf32, #tpu.memory_space<vmem>>) offsets(%dma_start3A_541 : memref<64xi32, #tpu.memory_space<vmem>>) semaphore(%arg15 : memref<!tpu.dma_semaphore, #tpu.memory_space<semaphore_mem>>)
      %mul3A_545 = arith.constant 4 : i32
      %mul3A_546 = arith.muli %mul3A_545, %scan3A_478 : i32
      %add3A_547 = arith.constant 2 : i32
      %add3A_548 = arith.addi %mul3A_546, %add3A_547 : i32
      %add3A_549 = arith.constant 2 : i32
      %add3A_550 = arith.addi %add3A_548, %add3A_549 : i32
      %dma_wait3A_551 = arith.constant 0 : i32
      %dma_wait3A_552 = tpu.memref_slice %arg7[%add3A_550, %dma_wait3A_551] : memref<40x64xi32, #tpu.memory_space<vmem>> -> memref<1x64xi32, #tpu.memory_space<vmem>>
      %dma_wait3A_553 = tpu.memref_squeeze %dma_wait3A_552 : memref<1x64xi32, #tpu.memory_space<vmem>> -> memref<64xi32, #tpu.memory_space<vmem>>
      %dma_wait3A_554 = arith.constant 0 : i32
      %dma_wait3A_555 = arith.constant 0 : i32
      %dma_wait3A_556 = tpu.memref_slice %arg2[%dma_wait3A_554, %dma_wait3A_555] : memref<10000x128xf32, #tpu.memory_space<hbm>> -> memref<10000x128xf32, #tpu.memory_space<hbm>>
      tpu.wait_indirect_dma semaphore(%arg14 : memref<!tpu.dma_semaphore, #tpu.memory_space<semaphore_mem>>) src(%dma_wait3A_556 : memref<10000x128xf32, #tpu.memory_space<hbm>>) dst(%arg9 : memref<64x128xf32, #tpu.memory_space<vmem>>)
      %dma_start3A_557 = arith.constant 0 : i32
      %dma_start3A_558 = tpu.memref_slice %arg8[%add3A_550, %dma_start3A_557] : memref<40x64xi32, #tpu.memory_space<vmem>> -> memref<1x64xi32, #tpu.memory_space<vmem>>
      %dma_start3A_559 = tpu.memref_squeeze %dma_start3A_558 : memref<1x64xi32, #tpu.memory_space<vmem>> -> memref<64xi32, #tpu.memory_space<vmem>>
      %dma_start3A_560 = arith.constant 0 : i32
      %dma_start3A_561 = arith.constant 0 : i32
      %dma_start3A_562 = tpu.memref_slice %arg13[%dma_start3A_560, %dma_start3A_561] : memref<10240x128xf32, #tpu.memory_space<vmem_shared>> -> memref<10240x128xf32, #tpu.memory_space<vmem_shared>>
      tpu.enqueue_indirect_dma source(%arg9 : memref<64x128xf32, #tpu.memory_space<vmem>>) target(%dma_start3A_562 : memref<10240x128xf32, #tpu.memory_space<vmem_shared>>) offsets(%dma_start3A_559 : memref<64xi32, #tpu.memory_space<vmem>>) semaphore(%arg18 : memref<!tpu.dma_semaphore, #tpu.memory_space<semaphore_mem>>) {add = true}
      %sub3A_563 = arith.constant 2 : i32
      %sub3A_564 = arith.subi %add3A_550, %sub3A_563 : i32
      %dma_wait3A_565 = arith.constant 0 : i32
      %dma_wait3A_566 = tpu.memref_slice %arg8[%sub3A_564, %dma_wait3A_565] : memref<40x64xi32, #tpu.memory_space<vmem>> -> memref<1x64xi32, #tpu.memory_space<vmem>>
      %dma_wait3A_567 = tpu.memref_squeeze %dma_wait3A_566 : memref<1x64xi32, #tpu.memory_space<vmem>> -> memref<64xi32, #tpu.memory_space<vmem>>
      %dma_wait3A_568 = arith.constant 0 : i32
      %dma_wait3A_569 = arith.constant 0 : i32
      %dma_wait3A_570 = tpu.memref_slice %arg13[%dma_wait3A_568, %dma_wait3A_569] : memref<10240x128xf32, #tpu.memory_space<vmem_shared>> -> memref<10240x128xf32, #tpu.memory_space<vmem_shared>>
      tpu.wait_indirect_dma semaphore(%arg20 : memref<!tpu.dma_semaphore, #tpu.memory_space<semaphore_mem>>) src(%arg11 : memref<64x128xf32, #tpu.memory_space<vmem>>) dst(%dma_wait3A_570 : memref<10240x128xf32, #tpu.memory_space<vmem_shared>>)
      %add3A_571 = arith.constant 2 : i32
      %add3A_572 = arith.addi %add3A_550, %add3A_571 : i32
      %dma_start3A_573 = arith.constant 0 : i32
      %dma_start3A_574 = tpu.memref_slice %arg7[%add3A_572, %dma_start3A_573] : memref<40x64xi32, #tpu.memory_space<vmem>> -> memref<1x64xi32, #tpu.memory_space<vmem>>
      %dma_start3A_575 = tpu.memref_squeeze %dma_start3A_574 : memref<1x64xi32, #tpu.memory_space<vmem>> -> memref<64xi32, #tpu.memory_space<vmem>>
      %dma_start3A_576 = arith.constant 0 : i32
      %dma_start3A_577 = arith.constant 0 : i32
      %dma_start3A_578 = tpu.memref_slice %arg2[%dma_start3A_576, %dma_start3A_577] : memref<10000x128xf32, #tpu.memory_space<hbm>> -> memref<10000x128xf32, #tpu.memory_space<hbm>>
      tpu.enqueue_indirect_dma source(%dma_start3A_578 : memref<10000x128xf32, #tpu.memory_space<hbm>>) target(%arg11 : memref<64x128xf32, #tpu.memory_space<vmem>>) offsets(%dma_start3A_575 : memref<64xi32, #tpu.memory_space<vmem>>) semaphore(%arg16 : memref<!tpu.dma_semaphore, #tpu.memory_space<semaphore_mem>>)
      %mul3A_579 = arith.constant 4 : i32
      %mul3A_580 = arith.muli %mul3A_579, %scan3A_478 : i32
      %add3A_581 = arith.constant 3 : i32
      %add3A_582 = arith.addi %mul3A_580, %add3A_581 : i32
      %add3A_583 = arith.constant 2 : i32
      %add3A_584 = arith.addi %add3A_582, %add3A_583 : i32
      %dma_wait3A_585 = arith.constant 0 : i32
      %dma_wait3A_586 = tpu.memref_slice %arg7[%add3A_584, %dma_wait3A_585] : memref<40x64xi32, #tpu.memory_space<vmem>> -> memref<1x64xi32, #tpu.memory_space<vmem>>
      %dma_wait3A_587 = tpu.memref_squeeze %dma_wait3A_586 : memref<1x64xi32, #tpu.memory_space<vmem>> -> memref<64xi32, #tpu.memory_space<vmem>>
      %dma_wait3A_588 = arith.constant 0 : i32
      %dma_wait3A_589 = arith.constant 0 : i32
      %dma_wait3A_590 = tpu.memref_slice %arg2[%dma_wait3A_588, %dma_wait3A_589] : memref<10000x128xf32, #tpu.memory_space<hbm>> -> memref<10000x128xf32, #tpu.memory_space<hbm>>
      tpu.wait_indirect_dma semaphore(%arg15 : memref<!tpu.dma_semaphore, #tpu.memory_space<semaphore_mem>>) src(%dma_wait3A_590 : memref<10000x128xf32, #tpu.memory_space<hbm>>) dst(%arg10 : memref<64x128xf32, #tpu.memory_space<vmem>>)
      %dma_start3A_591 = arith.constant 0 : i32
      %dma_start3A_592 = tpu.memref_slice %arg8[%add3A_584, %dma_start3A_591] : memref<40x64xi32, #tpu.memory_space<vmem>> -> memref<1x64xi32, #tpu.memory_space<vmem>>
      %dma_start3A_593 = tpu.memref_squeeze %dma_start3A_592 : memref<1x64xi32, #tpu.memory_space<vmem>> -> memref<64xi32, #tpu.memory_space<vmem>>
      %dma_start3A_594 = arith.constant 0 : i32
      %dma_start3A_595 = arith.constant 0 : i32
      %dma_start3A_596 = tpu.memref_slice %arg13[%dma_start3A_594, %dma_start3A_595] : memref<10240x128xf32, #tpu.memory_space<vmem_shared>> -> memref<10240x128xf32, #tpu.memory_space<vmem_shared>>
      tpu.enqueue_indirect_dma source(%arg10 : memref<64x128xf32, #tpu.memory_space<vmem>>) target(%dma_start3A_596 : memref<10240x128xf32, #tpu.memory_space<vmem_shared>>) offsets(%dma_start3A_593 : memref<64xi32, #tpu.memory_space<vmem>>) semaphore(%arg19 : memref<!tpu.dma_semaphore, #tpu.memory_space<semaphore_mem>>) {add = true}
      %sub3A_597 = arith.constant 2 : i32
      %sub3A_598 = arith.subi %add3A_584, %sub3A_597 : i32
      %dma_wait3A_599 = arith.constant 0 : i32
      %dma_wait3A_600 = tpu.memref_slice %arg8[%sub3A_598, %dma_wait3A_599] : memref<40x64xi32, #tpu.memory_space<vmem>> -> memref<1x64xi32, #tpu.memory_space<vmem>>
      %dma_wait3A_601 = tpu.memref_squeeze %dma_wait3A_600 : memref<1x64xi32, #tpu.memory_space<vmem>> -> memref<64xi32, #tpu.memory_space<vmem>>
      %dma_wait3A_602 = arith.constant 0 : i32
      %dma_wait3A_603 = arith.constant 0 : i32
      %dma_wait3A_604 = tpu.memref_slice %arg13[%dma_wait3A_602, %dma_wait3A_603] : memref<10240x128xf32, #tpu.memory_space<vmem_shared>> -> memref<10240x128xf32, #tpu.memory_space<vmem_shared>>
      tpu.wait_indirect_dma semaphore(%arg21 : memref<!tpu.dma_semaphore, #tpu.memory_space<semaphore_mem>>) src(%arg12 : memref<64x128xf32, #tpu.memory_space<vmem>>) dst(%dma_wait3A_604 : memref<10240x128xf32, #tpu.memory_space<vmem_shared>>)
      %add3A_605 = arith.constant 2 : i32
      %add3A_606 = arith.addi %add3A_584, %add3A_605 : i32
      %dma_start3A_607 = arith.constant 0 : i32
      %dma_start3A_608 = tpu.memref_slice %arg7[%add3A_606, %dma_start3A_607] : memref<40x64xi32, #tpu.memory_space<vmem>> -> memref<1x64xi32, #tpu.memory_space<vmem>>
      %dma_start3A_609 = tpu.memref_squeeze %dma_start3A_608 : memref<1x64xi32, #tpu.memory_space<vmem>> -> memref<64xi32, #tpu.memory_space<vmem>>
      %dma_start3A_610 = arith.constant 0 : i32
      %dma_start3A_611 = arith.constant 0 : i32
      %dma_start3A_612 = tpu.memref_slice %arg2[%dma_start3A_610, %dma_start3A_611] : memref<10000x128xf32, #tpu.memory_space<hbm>> -> memref<10000x128xf32, #tpu.memory_space<hbm>>
      tpu.enqueue_indirect_dma source(%dma_start3A_612 : memref<10000x128xf32, #tpu.memory_space<hbm>>) target(%arg12 : memref<64x128xf32, #tpu.memory_space<vmem>>) offsets(%dma_start3A_609 : memref<64xi32, #tpu.memory_space<vmem>>) semaphore(%arg17 : memref<!tpu.dma_semaphore, #tpu.memory_space<semaphore_mem>>)
    }
    %scan3A_420 = arith.constant 9 : i32
    %dma_wait3A_421 = arith.constant 38 : i32
    %dma_wait3A_422 = arith.constant 0 : i32
    %dma_wait3A_423 = tpu.memref_slice %arg7[%dma_wait3A_421, %dma_wait3A_422] : memref<40x64xi32, #tpu.memory_space<vmem>> -> memref<1x64xi32, #tpu.memory_space<vmem>>
    %dma_wait3A_424 = tpu.memref_squeeze %dma_wait3A_423 : memref<1x64xi32, #tpu.memory_space<vmem>> -> memref<64xi32, #tpu.memory_space<vmem>>
    %dma_wait3A_425 = arith.constant 0 : i32
    %dma_wait3A_426 = arith.constant 0 : i32
    %dma_wait3A_427 = tpu.memref_slice %arg2[%dma_wait3A_425, %dma_wait3A_426] : memref<10000x128xf32, #tpu.memory_space<hbm>> -> memref<10000x128xf32, #tpu.memory_space<hbm>>
    tpu.wait_indirect_dma semaphore(%arg16 : memref<!tpu.dma_semaphore, #tpu.memory_space<semaphore_mem>>) src(%dma_wait3A_427 : memref<10000x128xf32, #tpu.memory_space<hbm>>) dst(%arg11 : memref<64x128xf32, #tpu.memory_space<vmem>>)
    %dma_start3A_428 = arith.constant 38 : i32
    %dma_start3A_429 = arith.constant 0 : i32
    %dma_start3A_430 = tpu.memref_slice %arg8[%dma_start3A_428, %dma_start3A_429] : memref<40x64xi32, #tpu.memory_space<vmem>> -> memref<1x64xi32, #tpu.memory_space<vmem>>
    %dma_start3A_431 = tpu.memref_squeeze %dma_start3A_430 : memref<1x64xi32, #tpu.memory_space<vmem>> -> memref<64xi32, #tpu.memory_space<vmem>>
    %dma_start3A_432 = arith.constant 0 : i32
    %dma_start3A_433 = arith.constant 0 : i32
    %dma_start3A_434 = tpu.memref_slice %arg13[%dma_start3A_432, %dma_start3A_433] : memref<10240x128xf32, #tpu.memory_space<vmem_shared>> -> memref<10240x128xf32, #tpu.memory_space<vmem_shared>>
    tpu.enqueue_indirect_dma source(%arg11 : memref<64x128xf32, #tpu.memory_space<vmem>>) target(%dma_start3A_434 : memref<10240x128xf32, #tpu.memory_space<vmem_shared>>) offsets(%dma_start3A_431 : memref<64xi32, #tpu.memory_space<vmem>>) semaphore(%arg20 : memref<!tpu.dma_semaphore, #tpu.memory_space<semaphore_mem>>) {add = true}
    %dma_wait3A_435 = arith.constant 36 : i32
    %dma_wait3A_436 = arith.constant 0 : i32
    %dma_wait3A_437 = tpu.memref_slice %arg8[%dma_wait3A_435, %dma_wait3A_436] : memref<40x64xi32, #tpu.memory_space<vmem>> -> memref<1x64xi32, #tpu.memory_space<vmem>>
    %dma_wait3A_438 = tpu.memref_squeeze %dma_wait3A_437 : memref<1x64xi32, #tpu.memory_space<vmem>> -> memref<64xi32, #tpu.memory_space<vmem>>
    %dma_wait3A_439 = arith.constant 0 : i32
    %dma_wait3A_440 = arith.constant 0 : i32
    %dma_wait3A_441 = tpu.memref_slice %arg13[%dma_wait3A_439, %dma_wait3A_440] : memref<10240x128xf32, #tpu.memory_space<vmem_shared>> -> memref<10240x128xf32, #tpu.memory_space<vmem_shared>>
    tpu.wait_indirect_dma semaphore(%arg18 : memref<!tpu.dma_semaphore, #tpu.memory_space<semaphore_mem>>) src(%arg9 : memref<64x128xf32, #tpu.memory_space<vmem>>) dst(%dma_wait3A_441 : memref<10240x128xf32, #tpu.memory_space<vmem_shared>>)
    %dma_wait3A_442 = arith.constant 39 : i32
    %dma_wait3A_443 = arith.constant 0 : i32
    %dma_wait3A_444 = tpu.memref_slice %arg7[%dma_wait3A_442, %dma_wait3A_443] : memref<40x64xi32, #tpu.memory_space<vmem>> -> memref<1x64xi32, #tpu.memory_space<vmem>>
    %dma_wait3A_445 = tpu.memref_squeeze %dma_wait3A_444 : memref<1x64xi32, #tpu.memory_space<vmem>> -> memref<64xi32, #tpu.memory_space<vmem>>
    %dma_wait3A_446 = arith.constant 0 : i32
    %dma_wait3A_447 = arith.constant 0 : i32
    %dma_wait3A_448 = tpu.memref_slice %arg2[%dma_wait3A_446, %dma_wait3A_447] : memref<10000x128xf32, #tpu.memory_space<hbm>> -> memref<10000x128xf32, #tpu.memory_space<hbm>>
    tpu.wait_indirect_dma semaphore(%arg17 : memref<!tpu.dma_semaphore, #tpu.memory_space<semaphore_mem>>) src(%dma_wait3A_448 : memref<10000x128xf32, #tpu.memory_space<hbm>>) dst(%arg12 : memref<64x128xf32, #tpu.memory_space<vmem>>)
    %dma_start3A_449 = arith.constant 39 : i32
    %dma_start3A_450 = arith.constant 0 : i32
    %dma_start3A_451 = tpu.memref_slice %arg8[%dma_start3A_449, %dma_start3A_450] : memref<40x64xi32, #tpu.memory_space<vmem>> -> memref<1x64xi32, #tpu.memory_space<vmem>>
    %dma_start3A_452 = tpu.memref_squeeze %dma_start3A_451 : memref<1x64xi32, #tpu.memory_space<vmem>> -> memref<64xi32, #tpu.memory_space<vmem>>
    %dma_start3A_453 = arith.constant 0 : i32
    %dma_start3A_454 = arith.constant 0 : i32
    %dma_start3A_455 = tpu.memref_slice %arg13[%dma_start3A_453, %dma_start3A_454] : memref<10240x128xf32, #tpu.memory_space<vmem_shared>> -> memref<10240x128xf32, #tpu.memory_space<vmem_shared>>
    tpu.enqueue_indirect_dma source(%arg12 : memref<64x128xf32, #tpu.memory_space<vmem>>) target(%dma_start3A_455 : memref<10240x128xf32, #tpu.memory_space<vmem_shared>>) offsets(%dma_start3A_452 : memref<64xi32, #tpu.memory_space<vmem>>) semaphore(%arg21 : memref<!tpu.dma_semaphore, #tpu.memory_space<semaphore_mem>>) {add = true}
    %dma_wait3A_456 = arith.constant 37 : i32
    %dma_wait3A_457 = arith.constant 0 : i32
    %dma_wait3A_458 = tpu.memref_slice %arg8[%dma_wait3A_456, %dma_wait3A_457] : memref<40x64xi32, #tpu.memory_space<vmem>> -> memref<1x64xi32, #tpu.memory_space<vmem>>
    %dma_wait3A_459 = tpu.memref_squeeze %dma_wait3A_458 : memref<1x64xi32, #tpu.memory_space<vmem>> -> memref<64xi32, #tpu.memory_space<vmem>>
    %dma_wait3A_460 = arith.constant 0 : i32
    %dma_wait3A_461 = arith.constant 0 : i32
    %dma_wait3A_462 = tpu.memref_slice %arg13[%dma_wait3A_460, %dma_wait3A_461] : memref<10240x128xf32, #tpu.memory_space<vmem_shared>> -> memref<10240x128xf32, #tpu.memory_space<vmem_shared>>
    tpu.wait_indirect_dma semaphore(%arg19 : memref<!tpu.dma_semaphore, #tpu.memory_space<semaphore_mem>>) src(%arg10 : memref<64x128xf32, #tpu.memory_space<vmem>>) dst(%dma_wait3A_462 : memref<10240x128xf32, #tpu.memory_space<vmem_shared>>)
    %dma_wait3A_463 = arith.constant 38 : i32
    %dma_wait3A_464 = arith.constant 0 : i32
    %dma_wait3A_465 = tpu.memref_slice %arg8[%dma_wait3A_463, %dma_wait3A_464] : memref<40x64xi32, #tpu.memory_space<vmem>> -> memref<1x64xi32, #tpu.memory_space<vmem>>
    %dma_wait3A_466 = tpu.memref_squeeze %dma_wait3A_465 : memref<1x64xi32, #tpu.memory_space<vmem>> -> memref<64xi32, #tpu.memory_space<vmem>>
    %dma_wait3A_467 = arith.constant 0 : i32
    %dma_wait3A_468 = arith.constant 0 : i32
    %dma_wait3A_469 = tpu.memref_slice %arg13[%dma_wait3A_467, %dma_wait3A_468] : memref<10240x128xf32, #tpu.memory_space<vmem_shared>> -> memref<10240x128xf32, #tpu.memory_space<vmem_shared>>
    tpu.wait_indirect_dma semaphore(%arg20 : memref<!tpu.dma_semaphore, #tpu.memory_space<semaphore_mem>>) src(%arg11 : memref<64x128xf32, #tpu.memory_space<vmem>>) dst(%dma_wait3A_469 : memref<10240x128xf32, #tpu.memory_space<vmem_shared>>)
    %dma_wait3A_470 = arith.constant 39 : i32
    %dma_wait3A_471 = arith.constant 0 : i32
    %dma_wait3A_472 = tpu.memref_slice %arg8[%dma_wait3A_470, %dma_wait3A_471] : memref<40x64xi32, #tpu.memory_space<vmem>> -> memref<1x64xi32, #tpu.memory_space<vmem>>
    %dma_wait3A_473 = tpu.memref_squeeze %dma_wait3A_472 : memref<1x64xi32, #tpu.memory_space<vmem>> -> memref<64xi32, #tpu.memory_space<vmem>>
    %dma_wait3A_474 = arith.constant 0 : i32
    %dma_wait3A_475 = arith.constant 0 : i32
    %dma_wait3A_476 = tpu.memref_slice %arg13[%dma_wait3A_474, %dma_wait3A_475] : memref<10240x128xf32, #tpu.memory_space<vmem_shared>> -> memref<10240x128xf32, #tpu.memory_space<vmem_shared>>
    tpu.wait_indirect_dma semaphore(%arg21 : memref<!tpu.dma_semaphore, #tpu.memory_space<semaphore_mem>>) src(%arg12 : memref<64x128xf32, #tpu.memory_space<vmem>>) dst(%dma_wait3A_476 : memref<10240x128xf32, #tpu.memory_space<vmem_shared>>)
    %barrier3A_477 = arith.constant 0 : index
    tpu.barrier barrier_id(%barrier3A_477)
    "tpu.region"() ({
      %run_scoped3A_478 = tpu.sem_alloc : memref<!tpu.dma_semaphore, #tpu.memory_space<semaphore_mem>>
      %dma_start3A_479 = arith.constant 0 : i32
      %dma_start3A_480 = tpu.memref_slice %arg6[%arg0, %mul3A_0, %dma_start3A_479] : memref<2x10240x128xf32, #tpu.memory_space<hbm>> -> memref<1x640x128xf32, #tpu.memory_space<hbm>>
      %dma_start3A_481 = tpu.memref_squeeze %dma_start3A_480 : memref<1x640x128xf32, #tpu.memory_space<hbm>> -> memref<640x128xf32, #tpu.memory_space<hbm>>
      %dma_start3A_482 = arith.constant 0 : i32
      %dma_start3A_483 = tpu.memref_slice %arg13[%mul3A_0, %dma_start3A_482] : memref<10240x128xf32, #tpu.memory_space<vmem_shared>> -> memref<640x128xf32, #tpu.memory_space<vmem_shared>>
      tpu.enqueue_dma source(%dma_start3A_483 : memref<640x128xf32, #tpu.memory_space<vmem_shared>>) target(%dma_start3A_481 : memref<640x128xf32, #tpu.memory_space<hbm>>) target_semaphore(%run_scoped3A_478 : memref<!tpu.dma_semaphore, #tpu.memory_space<semaphore_mem>>)
      %dma_wait3A_484 = arith.constant 0 : i32
      %dma_wait3A_485 = tpu.memref_slice %arg6[%arg0, %mul3A_0, %dma_wait3A_484] : memref<2x10240x128xf32, #tpu.memory_space<hbm>> -> memref<1x640x128xf32, #tpu.memory_space<hbm>>
      %dma_wait3A_486 = tpu.memref_squeeze %dma_wait3A_485 : memref<1x640x128xf32, #tpu.memory_space<hbm>> -> memref<640x128xf32, #tpu.memory_space<hbm>>
      %dma_wait3A_487 = arith.constant 0 : i32
      %dma_wait3A_488 = tpu.memref_slice %arg13[%mul3A_0, %dma_wait3A_487] : memref<10240x128xf32, #tpu.memory_space<vmem_shared>> -> memref<640x128xf32, #tpu.memory_space<vmem_shared>>
      tpu.wait_dma2 semaphore(%run_scoped3A_478 : memref<!tpu.dma_semaphore, #tpu.memory_space<semaphore_mem>>) src(%dma_wait3A_488 : memref<640x128xf32, #tpu.memory_space<vmem_shared>>) dst(%dma_wait3A_486 : memref<640x128xf32, #tpu.memory_space<hbm>>)
      tpu.yield
    }) : () -> ()
    return
  }
}

module attributes {stable_mosaic.version = 14 : i64} {
  func.func @_dense_body(%arg0: i32, %arg1: memref<1000x128xf32, #tpu.memory_space<vmem>>, %arg2: memref<128x128xf32, #tpu.memory_space<vmem>>, %arg3: memref<1x128xf32, #tpu.memory_space<vmem>>, %arg4: memref<1000x128xf32, #tpu.memory_space<vmem>>) attributes {dimension_semantics = [#tpu.dimension_semantics<arbitrary>], iteration_bounds = array<i64: 10>, scalar_prefetch = 0 : i64, scratch_operands = 0 : i64, tpu.core_type = #tpu.core_type<tc>, window_params = [{transform_indices = @transform_0, window_bounds = array<i64: 1000, 128>}, {pipeline_mode = #tpu.pipeline_mode<synchronous>, transform_indices = @transform_1, window_bounds = array<i64: 128, 128>}, {pipeline_mode = #tpu.pipeline_mode<synchronous>, transform_indices = @transform_2, window_bounds = array<i64: 1, 128>}, {transform_indices = @transform_3, window_bounds = array<i64: 1000, 128>}]} {
    %get3A = arith.constant 0 : index
    %get3A_0 = arith.constant 0 : index
    %get3A_1 = vector.load %arg1[%get3A, %get3A_0] : memref<1000x128xf32, #tpu.memory_space<vmem>>, vector<1000x128xf32>
    %get3A_2 = arith.constant 0 : index
    %get3A_3 = arith.constant 0 : index
    %get3A_4 = vector.load %arg2[%get3A_2, %get3A_3] : memref<128x128xf32, #tpu.memory_space<vmem>>, vector<128x128xf32>
    %get3A_5 = arith.constant 0 : index
    %get3A_6 = arith.constant 0 : index
    %get3A_7 = vector.load %arg3[%get3A_5, %get3A_6] : memref<1x128xf32, #tpu.memory_space<vmem>>, vector<1x128xf32>
    %mul3A = arith.mulf %get3A_1, %get3A_1 : vector<1000x128xf32>
    %reduce_sum3A = arith.constant dense<0.000000e+00> : vector<1000xf32>
    %reduce_sum3A_8 = vector.multi_reduction <add>, %mul3A, %reduce_sum3A [1] : vector<1000x128xf32> to vector<1000xf32>
    %broadcast_in_dim3A = vector.shape_cast %reduce_sum3A_8 : vector<1000xf32> to vector<1000x1xf32>
    %sqrt3A = math.sqrt %broadcast_in_dim3A : vector<1000x1xf32>
    %max3A = arith.constant 1.000000e-15 : f32
    %max3A_9 = vector.broadcast %max3A : f32 to vector<1000x1xf32>
    %max3A_10 = arith.maximumf %sqrt3A, %max3A_9 : vector<1000x1xf32>
    %dot_general3A = arith.constant dense<0.000000e+00> : vector<1000x128xf32>
    %dot_general3A_11 = tpu.matmul %get3A_1, %get3A_4, %dot_general3A {dimension_numbers = #tpu.dot_dimension_numbers<[1], [0], [0], [1], [0, 0, 1, 1], [], []>, transpose_lhs_hint = false} : vector<1000x128xf32>, vector<128x128xf32>, vector<1000x128xf32> -> vector<1000x128xf32>
    %mul3A_12 = arith.mulf %dot_general3A_11, %dot_general3A_11 : vector<1000x128xf32>
    %reduce_sum3A_13 = arith.constant dense<0.000000e+00> : vector<1000xf32>
    %reduce_sum3A_14 = vector.multi_reduction <add>, %mul3A_12, %reduce_sum3A_13 [1] : vector<1000x128xf32> to vector<1000xf32>
    %broadcast_in_dim3A_15 = vector.shape_cast %reduce_sum3A_14 : vector<1000xf32> to vector<1000x1xf32>
    %sqrt3A_16 = math.sqrt %broadcast_in_dim3A_15 : vector<1000x1xf32>
    %max3A_17 = arith.constant 1.000000e-15 : f32
    %max3A_18 = vector.broadcast %max3A_17 : f32 to vector<1000x1xf32>
    %max3A_19 = arith.maximumf %sqrt3A_16, %max3A_18 : vector<1000x1xf32>
    %div3A = arith.divf %max3A_19, %max3A_10 : vector<1000x1xf32>
    %jit3A = arith.constant -0.99999988 : f32
    %jit3A_20 = arith.constant 0.99999988 : f32
    %max3A_21 = vector.broadcast %jit3A : f32 to vector<1000x1xf32>
    %max3A_22 = arith.maximumf %max3A_21, %max3A_10 : vector<1000x1xf32>
    %min3A = vector.broadcast %jit3A_20 : f32 to vector<1000x1xf32>
    %min3A_23 = arith.minimumf %min3A, %max3A_22 : vector<1000x1xf32>
    %add3A = arith.constant 1.000000e+00 : f32
    %add3A_24 = vector.broadcast %add3A : f32 to vector<1000x1xf32>
    %add3A_25 = arith.addf %add3A_24, %min3A_23 : vector<1000x1xf32>
    %sub3A = arith.constant 1.000000e+00 : f32
    %sub3A_26 = vector.broadcast %sub3A : f32 to vector<1000x1xf32>
    %sub3A_27 = arith.subf %sub3A_26, %min3A_23 : vector<1000x1xf32>
    %div3A_28 = arith.divf %add3A_25, %sub3A_27 : vector<1000x1xf32>
    %log3A = math.log %div3A_28 : vector<1000x1xf32>
    %mul3A_29 = arith.constant 5.000000e-01 : f32
    %mul3A_30 = vector.broadcast %mul3A_29 : f32 to vector<1000x1xf32>
    %mul3A_31 = arith.mulf %mul3A_30, %log3A : vector<1000x1xf32>
    %mul3A_32 = arith.mulf %div3A, %mul3A_31 : vector<1000x1xf32>
    %tanh3A = math.tanh %mul3A_32 : vector<1000x1xf32>
    %mul3A_33 = vector.broadcast %tanh3A : vector<1000x1xf32> to vector<1000x128xf32>
    %mul3A_34 = arith.mulf %mul3A_33, %dot_general3A_11 : vector<1000x128xf32>
    %div3A_35 = vector.broadcast %max3A_19 : vector<1000x1xf32> to vector<1000x128xf32>
    %div3A_36 = arith.divf %mul3A_34, %div3A_35 : vector<1000x128xf32>
    %eq3A = arith.constant 0.000000e+00 : f32
    %eq3A_37 = vector.broadcast %eq3A : f32 to vector<1000x128xf32>
    %eq3A_38 = arith.cmpf oeq, %dot_general3A_11, %eq3A_37 : vector<1000x128xf32>
    %reduce_and3A = arith.constant 1.000000e+00 : f32
    %reduce_and3A_39 = arith.constant 0.000000e+00 : f32
    %reduce_and3A_40 = vector.broadcast %reduce_and3A : f32 to vector<1000x128xf32>
    %reduce_and3A_41 = vector.broadcast %reduce_and3A_39 : f32 to vector<1000x128xf32>
    %reduce_and3A_42 = arith.select %eq3A_38, %reduce_and3A_40, %reduce_and3A_41 : vector<1000x128xi1>, vector<1000x128xf32>
    %reduce_and3A_43 = arith.constant dense<0x7F800000> : vector<1000xf32>
    %reduce_and3A_44 = vector.multi_reduction <minimumf>, %reduce_and3A_42, %reduce_and3A_43 [1] : vector<1000x128xf32> to vector<1000xf32>
    %reduce_and3A_45 = arith.constant 0.000000e+00 : f32
    %reduce_and3A_46 = vector.broadcast %reduce_and3A_45 : f32 to vector<1000xf32>
    %reduce_and3A_47 = arith.cmpf ogt, %reduce_and3A_44, %reduce_and3A_46 : vector<1000xf32>
    %broadcast_in_dim3A_48 = vector.shape_cast %reduce_and3A_47 : vector<1000xi1> to vector<1000x1xi1>
    %jit3A_49 = arith.constant 0.000000e+00 : f32
    %broadcast_in_dim3A_50 = vector.shape_cast %broadcast_in_dim3A_48 : vector<1000x1xi1> to vector<1000x1xi1>
    %broadcast_in_dim3A_51 = vector.broadcast %broadcast_in_dim3A_50 : vector<1000x1xi1> to vector<1000x128xi1>
    %broadcast_in_dim3A_52 = vector.broadcast %jit3A_49 : f32 to vector<1000x128xf32>
    %select_n3A = arith.select %broadcast_in_dim3A_51, %broadcast_in_dim3A_52, %div3A_36 : vector<1000x128xi1>, vector<1000x128xf32>
    %mul3A_53 = arith.mulf %get3A_7, %get3A_7 : vector<1x128xf32>
    %reduce_sum3A_54 = arith.constant dense<0.000000e+00> : vector<1xf32>
    %reduce_sum3A_55 = vector.multi_reduction <add>, %mul3A_53, %reduce_sum3A_54 [1] : vector<1x128xf32> to vector<1xf32>
    %broadcast_in_dim3A_56 = vector.shape_cast %reduce_sum3A_55 : vector<1xf32> to vector<1x1xf32>
    %sqrt3A_57 = math.sqrt %broadcast_in_dim3A_56 : vector<1x1xf32>
    %max3A_58 = arith.constant 1.000000e-15 : f32
    %max3A_59 = vector.broadcast %max3A_58 : f32 to vector<1x1xf32>
    %max3A_60 = arith.maximumf %sqrt3A_57, %max3A_59 : vector<1x1xf32>
    %tanh3A_61 = math.tanh %max3A_60 : vector<1x1xf32>
    %mul3A_62 = vector.broadcast %tanh3A_61 : vector<1x1xf32> to vector<1x128xf32>
    %mul3A_63 = arith.mulf %mul3A_62, %get3A_7 : vector<1x128xf32>
    %div3A_64 = vector.broadcast %max3A_60 : vector<1x1xf32> to vector<1x128xf32>
    %div3A_65 = arith.divf %mul3A_63, %div3A_64 : vector<1x128xf32>
    %mul3A_66 = arith.mulf %div3A_65, %div3A_65 : vector<1x128xf32>
    %reduce_sum3A_67 = arith.constant dense<0.000000e+00> : vector<1xf32>
    %reduce_sum3A_68 = vector.multi_reduction <add>, %mul3A_66, %reduce_sum3A_67 [1] : vector<1x128xf32> to vector<1xf32>
    %broadcast_in_dim3A_69 = vector.shape_cast %reduce_sum3A_68 : vector<1xf32> to vector<1x1xf32>
    %sqrt3A_70 = math.sqrt %broadcast_in_dim3A_69 : vector<1x1xf32>
    %max3A_71 = arith.constant 1.000000e-15 : f32
    %max3A_72 = vector.broadcast %max3A_71 : f32 to vector<1x1xf32>
    %max3A_73 = arith.maximumf %sqrt3A_70, %max3A_72 : vector<1x1xf32>
    %gt3A = arith.constant 0.995999991 : f32
    %gt3A_74 = vector.broadcast %gt3A : f32 to vector<1x1xf32>
    %gt3A_75 = arith.cmpf ogt, %max3A_73, %gt3A_74 : vector<1x1xf32>
    %div3A_76 = vector.broadcast %max3A_73 : vector<1x1xf32> to vector<1x128xf32>
    %div3A_77 = arith.divf %div3A_65, %div3A_76 : vector<1x128xf32>
    %mul3A_78 = arith.constant 0.995999991 : f32
    %mul3A_79 = vector.broadcast %mul3A_78 : f32 to vector<1x128xf32>
    %mul3A_80 = arith.mulf %div3A_77, %mul3A_79 : vector<1x128xf32>
    %broadcast_in_dim3A_81 = vector.shape_cast %gt3A_75 : vector<1x1xi1> to vector<1x1xi1>
    %broadcast_in_dim3A_82 = vector.broadcast %broadcast_in_dim3A_81 : vector<1x1xi1> to vector<1x128xi1>
    %select_n3A_83 = arith.select %broadcast_in_dim3A_82, %mul3A_80, %div3A_65 : vector<1x128xi1>, vector<1x128xf32>
    %mul3A_84 = arith.mulf %select_n3A, %select_n3A : vector<1000x128xf32>
    %reduce_sum3A_85 = arith.constant dense<0.000000e+00> : vector<1000xf32>
    %reduce_sum3A_86 = vector.multi_reduction <add>, %mul3A_84, %reduce_sum3A_85 [1] : vector<1000x128xf32> to vector<1000xf32>
    %broadcast_in_dim3A_87 = vector.shape_cast %reduce_sum3A_86 : vector<1000xf32> to vector<1000x1xf32>
    %mul3A_88 = arith.mulf %select_n3A_83, %select_n3A_83 : vector<1x128xf32>
    %reduce_sum3A_89 = arith.constant dense<0.000000e+00> : vector<1xf32>
    %reduce_sum3A_90 = vector.multi_reduction <add>, %mul3A_88, %reduce_sum3A_89 [1] : vector<1x128xf32> to vector<1xf32>
    %broadcast_in_dim3A_91 = vector.shape_cast %reduce_sum3A_90 : vector<1xf32> to vector<1x1xf32>
    %mul3A_92 = vector.broadcast %select_n3A_83 : vector<1x128xf32> to vector<1000x128xf32>
    %mul3A_93 = arith.mulf %select_n3A, %mul3A_92 : vector<1000x128xf32>
    %reduce_sum3A_94 = arith.constant dense<0.000000e+00> : vector<1000xf32>
    %reduce_sum3A_95 = vector.multi_reduction <add>, %mul3A_93, %reduce_sum3A_94 [1] : vector<1000x128xf32> to vector<1000xf32>
    %broadcast_in_dim3A_96 = vector.shape_cast %reduce_sum3A_95 : vector<1000xf32> to vector<1000x1xf32>
    %mul3A_97 = arith.constant 2.000000e+00 : f32
    %mul3A_98 = vector.broadcast %mul3A_97 : f32 to vector<1000x1xf32>
    %mul3A_99 = arith.mulf %mul3A_98, %broadcast_in_dim3A_96 : vector<1000x1xf32>
    %add3A_100 = arith.constant 1.000000e+00 : f32
    %add3A_101 = vector.broadcast %add3A_100 : f32 to vector<1000x1xf32>
    %add3A_102 = arith.addf %add3A_101, %mul3A_99 : vector<1000x1xf32>
    %add3A_103 = vector.broadcast %broadcast_in_dim3A_91 : vector<1x1xf32> to vector<1000x1xf32>
    %add3A_104 = arith.addf %add3A_102, %add3A_103 : vector<1000x1xf32>
    %mul3A_105 = vector.broadcast %add3A_104 : vector<1000x1xf32> to vector<1000x128xf32>
    %mul3A_106 = arith.mulf %mul3A_105, %select_n3A : vector<1000x128xf32>
    %sub3A_107 = arith.constant 1.000000e+00 : f32
    %sub3A_108 = vector.broadcast %sub3A_107 : f32 to vector<1000x1xf32>
    %sub3A_109 = arith.subf %sub3A_108, %broadcast_in_dim3A_87 : vector<1000x1xf32>
    %mul3A_110 = vector.broadcast %sub3A_109 : vector<1000x1xf32> to vector<1000x128xf32>
    %mul3A_111 = vector.broadcast %select_n3A_83 : vector<1x128xf32> to vector<1000x128xf32>
    %mul3A_112 = arith.mulf %mul3A_110, %mul3A_111 : vector<1000x128xf32>
    %add3A_113 = arith.addf %mul3A_106, %mul3A_112 : vector<1000x128xf32>
    %mul3A_114 = arith.constant 2.000000e+00 : f32
    %mul3A_115 = vector.broadcast %mul3A_114 : f32 to vector<1000x1xf32>
    %mul3A_116 = arith.mulf %mul3A_115, %broadcast_in_dim3A_96 : vector<1000x1xf32>
    %add3A_117 = arith.constant 1.000000e+00 : f32
    %add3A_118 = vector.broadcast %add3A_117 : f32 to vector<1000x1xf32>
    %add3A_119 = arith.addf %add3A_118, %mul3A_116 : vector<1000x1xf32>
    %mul3A_120 = vector.broadcast %broadcast_in_dim3A_91 : vector<1x1xf32> to vector<1000x1xf32>
    %mul3A_121 = arith.mulf %broadcast_in_dim3A_87, %mul3A_120 : vector<1000x1xf32>
    %add3A_122 = arith.addf %add3A_119, %mul3A_121 : vector<1000x1xf32>
    %max3A_123 = arith.constant 1.000000e-15 : f32
    %max3A_124 = vector.broadcast %max3A_123 : f32 to vector<1000x1xf32>
    %max3A_125 = arith.maximumf %add3A_122, %max3A_124 : vector<1000x1xf32>
    %div3A_126 = vector.broadcast %max3A_125 : vector<1000x1xf32> to vector<1000x128xf32>
    %div3A_127 = arith.divf %add3A_113, %div3A_126 : vector<1000x128xf32>
    %mul3A_128 = arith.mulf %div3A_127, %div3A_127 : vector<1000x128xf32>
    %reduce_sum3A_129 = arith.constant dense<0.000000e+00> : vector<1000xf32>
    %reduce_sum3A_130 = vector.multi_reduction <add>, %mul3A_128, %reduce_sum3A_129 [1] : vector<1000x128xf32> to vector<1000xf32>
    %broadcast_in_dim3A_131 = vector.shape_cast %reduce_sum3A_130 : vector<1000xf32> to vector<1000x1xf32>
    %sqrt3A_132 = math.sqrt %broadcast_in_dim3A_131 : vector<1000x1xf32>
    %max3A_133 = arith.constant 1.000000e-15 : f32
    %max3A_134 = vector.broadcast %max3A_133 : f32 to vector<1000x1xf32>
    %max3A_135 = arith.maximumf %sqrt3A_132, %max3A_134 : vector<1000x1xf32>
    %gt3A_136 = arith.constant 0.995999991 : f32
    %gt3A_137 = vector.broadcast %gt3A_136 : f32 to vector<1000x1xf32>
    %gt3A_138 = arith.cmpf ogt, %max3A_135, %gt3A_137 : vector<1000x1xf32>
    %div3A_139 = vector.broadcast %max3A_135 : vector<1000x1xf32> to vector<1000x128xf32>
    %div3A_140 = arith.divf %div3A_127, %div3A_139 : vector<1000x128xf32>
    %mul3A_141 = arith.constant 0.995999991 : f32
    %mul3A_142 = vector.broadcast %mul3A_141 : f32 to vector<1000x128xf32>
    %mul3A_143 = arith.mulf %div3A_140, %mul3A_142 : vector<1000x128xf32>
    %broadcast_in_dim3A_144 = vector.shape_cast %gt3A_138 : vector<1000x1xi1> to vector<1000x1xi1>
    %broadcast_in_dim3A_145 = vector.broadcast %broadcast_in_dim3A_144 : vector<1000x1xi1> to vector<1000x128xi1>
    %select_n3A_146 = arith.select %broadcast_in_dim3A_145, %mul3A_143, %div3A_127 : vector<1000x128xi1>, vector<1000x128xf32>
    %mul3A_147 = arith.mulf %select_n3A_146, %select_n3A_146 : vector<1000x128xf32>
    %reduce_sum3A_148 = arith.constant dense<0.000000e+00> : vector<1000xf32>
    %reduce_sum3A_149 = vector.multi_reduction <add>, %mul3A_147, %reduce_sum3A_148 [1] : vector<1000x128xf32> to vector<1000xf32>
    %broadcast_in_dim3A_150 = vector.shape_cast %reduce_sum3A_149 : vector<1000xf32> to vector<1000x1xf32>
    %sqrt3A_151 = math.sqrt %broadcast_in_dim3A_150 : vector<1000x1xf32>
    %max3A_152 = arith.constant 1.000000e-15 : f32
    %max3A_153 = vector.broadcast %max3A_152 : f32 to vector<1000x1xf32>
    %max3A_154 = arith.maximumf %sqrt3A_151, %max3A_153 : vector<1000x1xf32>
    %jit3A_155 = arith.constant -0.99999988 : f32
    %jit3A_156 = arith.constant 0.99999988 : f32
    %max3A_157 = vector.broadcast %jit3A_155 : f32 to vector<1000x1xf32>
    %max3A_158 = arith.maximumf %max3A_157, %max3A_154 : vector<1000x1xf32>
    %min3A_159 = vector.broadcast %jit3A_156 : f32 to vector<1000x1xf32>
    %min3A_160 = arith.minimumf %min3A_159, %max3A_158 : vector<1000x1xf32>
    %add3A_161 = arith.constant 1.000000e+00 : f32
    %add3A_162 = vector.broadcast %add3A_161 : f32 to vector<1000x1xf32>
    %add3A_163 = arith.addf %add3A_162, %min3A_160 : vector<1000x1xf32>
    %sub3A_164 = arith.constant 1.000000e+00 : f32
    %sub3A_165 = vector.broadcast %sub3A_164 : f32 to vector<1000x1xf32>
    %sub3A_166 = arith.subf %sub3A_165, %min3A_160 : vector<1000x1xf32>
    %div3A_167 = arith.divf %add3A_163, %sub3A_166 : vector<1000x1xf32>
    %log3A_168 = math.log %div3A_167 : vector<1000x1xf32>
    %mul3A_169 = arith.constant 5.000000e-01 : f32
    %mul3A_170 = vector.broadcast %mul3A_169 : f32 to vector<1000x1xf32>
    %mul3A_171 = arith.mulf %mul3A_170, %log3A_168 : vector<1000x1xf32>
    %div3A_172 = arith.divf %mul3A_171, %max3A_154 : vector<1000x1xf32>
    %mul3A_173 = vector.broadcast %div3A_172 : vector<1000x1xf32> to vector<1000x128xf32>
    %mul3A_174 = arith.mulf %mul3A_173, %select_n3A_146 : vector<1000x128xf32>
    %swap3A = arith.constant 0 : index
    %swap3A_175 = arith.constant 0 : index
    %swap3A_176 = vector.load %arg4[%swap3A, %swap3A_175] : memref<1000x128xf32, #tpu.memory_space<vmem>>, vector<1000x128xf32>
    tpu.vector_store %arg4[%swap3A, %swap3A_175], %mul3A_174 {strides = array<i32>} : memref<1000x128xf32, #tpu.memory_space<vmem>>, vector<1000x128xf32>,
    return
  }
  func.func @transform_0(%arg0: i32) -> (i32, i32) {
    %c0_i32 = arith.constant 0 : i32
    %c0_i32_0 = arith.constant 0 : i32
    return %arg0, %c0_i32 : i32, i32
  }
  func.func @transform_1(%arg0: i32) -> (i32, i32) {
    %c0_i32 = arith.constant 0 : i32
    %c0_i32_0 = arith.constant 0 : i32
    %c0_i32_1 = arith.constant 0 : i32
    return %c0_i32, %c0_i32_0 : i32, i32
  }
  func.func @transform_2(%arg0: i32) -> (i32, i32) {
    %c0_i32 = arith.constant 0 : i32
    %c0_i32_0 = arith.constant 0 : i32
    %c0_i32_1 = arith.constant 0 : i32
    return %c0_i32, %c0_i32_0 : i32, i32
  }
  func.func @transform_3(%arg0: i32) -> (i32, i32) {
    %c0_i32 = arith.constant 0 : i32
    %c0_i32_0 = arith.constant 0 : i32
    return %arg0, %c0_i32 : i32, i32
  }
}

module attributes {stable_mosaic.version = 14 : i64} {
  func.func @_add_relu_body(%arg0: i32, %arg1: memref<2x1000x128xf32, #tpu.memory_space<vmem>>, %arg2: memref<1000x128xf32, #tpu.memory_space<vmem>>) attributes {dimension_semantics = [#tpu.dimension_semantics<arbitrary>], iteration_bounds = array<i64: 10>, scalar_prefetch = 0 : i64, scratch_operands = 0 : i64, tpu.core_type = #tpu.core_type<tc>, window_params = [{transform_indices = @transform_0, window_bounds = array<i64: 2, 1000, 128>}, {transform_indices = @transform_1, window_bounds = array<i64: 1000, 128>}]} {
    %get3A = arith.constant 0 : index
    %get3A_0 = arith.constant 0 : index
    %get3A_1 = arith.constant 0 : index
    %get3A_2 = vector.load %arg1[%get3A, %get3A_0, %get3A_1] : memref<2x1000x128xf32, #tpu.memory_space<vmem>>, vector<1x1000x128xf32>
    %get3A_3 = vector.shape_cast %get3A_2 : vector<1x1000x128xf32> to vector<1000x128xf32>
    %get3A_4 = arith.constant 1 : index
    %get3A_5 = arith.constant 0 : index
    %get3A_6 = arith.constant 0 : index
    %get3A_7 = vector.load %arg1[%get3A_4, %get3A_5, %get3A_6] : memref<2x1000x128xf32, #tpu.memory_space<vmem>>, vector<1x1000x128xf32>
    %get3A_8 = vector.shape_cast %get3A_7 : vector<1x1000x128xf32> to vector<1000x128xf32>
    %add3A = arith.addf %get3A_3, %get3A_8 : vector<1000x128xf32>
    %max3A = arith.constant 0.000000e+00 : f32
    %max3A_9 = vector.broadcast %max3A : f32 to vector<1000x128xf32>
    %max3A_10 = arith.maximumf %add3A, %max3A_9 : vector<1000x128xf32>
    %swap3A = arith.constant 0 : index
    %swap3A_11 = arith.constant 0 : index
    %swap3A_12 = vector.load %arg2[%swap3A, %swap3A_11] : memref<1000x128xf32, #tpu.memory_space<vmem>>, vector<1000x128xf32>
    tpu.vector_store %arg2[%swap3A, %swap3A_11], %max3A_10 {strides = array<i32>} : memref<1000x128xf32, #tpu.memory_space<vmem>>, vector<1000x128xf32>,
    return
  }
  func.func @transform_0(%arg0: i32) -> (i32, i32, i32) {
    %c0_i32 = arith.constant 0 : i32
    %c0_i32_0 = arith.constant 0 : i32
    %c0_i32_1 = arith.constant 0 : i32
    return %c0_i32, %arg0, %c0_i32_0 : i32, i32, i32
  }
  func.func @transform_1(%arg0: i32) -> (i32, i32) {
    %c0_i32 = arith.constant 0 : i32
    %c0_i32_0 = arith.constant 0 : i32
    return %arg0, %c0_i32 : i32, i32
  }
}

</mosaic_0001>

<sc_bundles>
// kernel: kernel.5.cloned.1.call-start
scs
__scs_entry_jumppad:
0x0: {  	(pc) =	sbr.rel $0x88, $3  }
0x1: {  	(tag) =	ssettag $0x0;
	lr =	simm.s32 $0x1  }
0x2: {  	[smem:$0x3F9D] =	sst lr;
	_ =	strace $0xD0000000  }
0x3: {  	_ = 	snop  }
0x4: {  	_ = 	snop  }
0x5: {  	_ = 	snop  }
0x6: {  	_ = 	snop  }
0x7: {  	_ = 	snop  }
__scs_overlays_trampoline_lowered:
0x8: {  	[smem:$0x3FAC] =	sst s0  }
0x9: {  	[smem:$0x3FAD] =	sst s1  }
0xa: {  	[smem:$0x3FAE] =	sst s2  }
0xb: {  	[smem:$0x3FAF] =	sst s3  }
0xc: {  	[smem:$0x3FB0] =	sst s4  }
0xd: {  	[smem:$0x3FB1] =	sst s5  }
0xe: {  	[smem:$0x3FB2] =	sst s6  }
0xf: {  	[smem:$0x3FB3] =	sst s7  }
0x10: {  	[smem:$0x3FB4] =	sst s8  }
0x11: {  	[smem:$0x3FB5] =	sst s9;
	s0 =	simm.s32 @!p0 $0x0  }
0x12: {  	s1 =	sld [smem:$0x3F9B];
	s0 =	simm.s32 @p0 $0x1  }
0x13: {  	[smem:$0x3FB6] =	sst s0;
	s0 =	simm.s32 @!p1 $0x0  }
0x14: {  	s2 =	sld [smem:$0x3F9A];
	s0 =	simm.s32 @p1 $0x1  }
0x15: {  	[smem:$0x3FB7] =	sst s0;
	s0 =	simm.s32 @!p2 $0x0  }
0x16: {  	s3 =	sld [smem:$0x3FDB];
	s0 =	simm.s32 @p2 $0x1  }
0x17: {  	s4 =	simm.s32 $0x1BF5;
	[smem:$0x3FB9] =	sst s0  }
0x18: {  	s0 =	sld [smem:$0x3F9C];
	_ =	swait.ge [sflag:s4], $0x0  }
0x19: {  	s7 =	sld [smem:$0x3F9D]  }
0x1a: {  	s8 =	sadd.s32 $0xFFFFE003, lr  }
0x1b: {  	s9 =	sadd.s32 $0xFFFFFEF7, lr;
	s5 =	simm.s32 $0xFFFFFFFF;
	p2 =	slt.u32 s8, $0xFFFFF086  }
0x1c: {  	p1 =	slt.u32 s9, $0xF7A;
	s5 =	simm.s32 @!p2 $0x0  }
0x1d: {  	s5 =	simm.s32 @p1 $0x1;
	p0 =	seq.s32 s7, s2  }
0x1e: {  	s7 =	smul.u32 @!p0 $0xF7A, s2;
	p2 =	seq.s32 @!p0 s5, $0x0  }
0x1f: {  	s9 =	smul.u32 $0xF7A, s1;
	s8 =	simm.s32 @!p0 $0x1BF5;
	p2 =	por !p2, p0  }
0x20: {  	[sflag:s8] =	ssyncset.s32 @!p0 $0xFFFFF086;
	s6 =	sadd.s32 @!p0 s3, s7;
	s7 =	simm.s32 @!p0 $0x108  }
0x21: {  	s3 =	sadd.s32 s3, s9;
	s6 =	sadd.s32 @!p0 $0x88, s6;
	s7 =	simm.s32 @p2 $0x1082  }
0x22: {  	[simem:s7], [sflag:s8] =	dma.local @!p0 [hbm:s6], $0xF7A  }
0x23: {  	s9 =	sor.u32 $0xD0000000, s2;
	s6 =	simm.s32 $0x108;
	_ =	swait.ge @!p0 [sflag:s8], $0x0  }
0x24: {  	s3 =	sadd.s32 $0x88, s3;
	s6 =	simm.s32 @!p1 $0x1082;
	[sflag:s4] =	ssyncset.s32 $0xFFFFF086  }
0x25: {  	[simem:s6], [sflag:s4] =	dma.local [hbm:s3], $0xF7A  }
0x26: {  	[smem:$0x3F9D] =	sst s1;
	(tag) =	ssettag s2;
	_ =	strace s9  }
0x27: {  	s1 =	sld [smem:$0x3FAD]  }
0x28: {  	s2 =	sld [smem:$0x3FAE]  }
0x29: {  	s4 =	sld [smem:$0x3FB0]  }
0x2a: {  	p0 =	seq.s32 s5, $0x0;
	s5 =	sld [smem:$0x3FB1]  }
0x2b: {  	s6 =	sld [smem:$0x3FB2]  }
0x2c: {  	s7 =	sld [smem:$0x3FB3]  }
0x2d: {  	s3 =	simm.s32 $0x108;
	s8 =	sld [smem:$0x3FB4]  }
0x2e: {  	s3 =	simm.s32 @!p0 $0x1082;
	s9 =	sld [smem:$0x3FB5]  }
0x2f: {  	lr =	sadd.s32 s0, s3;
	s0 =	sld [smem:$0x3FAC]  }
0x30: {  	s3 =	sld [smem:$0x3FAF]  }
0x31: {  	[smem:$0x3FB8] =	sst s10  }
0x32: {  	s10 =	sld [smem:$0x3FB6];
	_ =	sdelay $0x3  }
0x33: {  	p0 =	seq.s32 s10, $0x1;
	s10 =	sld [smem:$0x3FB8];
	_ =	sdelay $0x3  }
0x34: {  	[smem:$0x3FB8] =	sst s10  }
0x35: {  	s10 =	sld [smem:$0x3FB7];
	_ =	sdelay $0x3  }
0x36: {  	p1 =	seq.s32 s10, $0x1;
	s10 =	sld [smem:$0x3FB8];
	_ =	sdelay $0x3  }
0x37: {  	[smem:$0x3FB8] =	sst s10  }
0x38: {  	s10 =	sld [smem:$0x3FB9]  }
0x39: {  	_ = 	snop;
	(pc) =	sbr.ind lr, $3  }
0x3a: {  	_ = 	snop  }
0x3b: {  	_ = 	snop  }
0x3c: {  	p2 =	seq.s32 s10, $0x1;
	s10 =	sld [smem:$0x3FB8]  }
0x3d: {  	_ =	shalt  }
0x3e: {  	_ =	shalt  }
0x3f: {  	_ =	shalt  }
0x40: {  	_ =	shalt  }
0x41: {  	_ =	shalt  }
0x42: {  	_ =	shalt  }
0x43: {  	_ =	shalt  }
0x44: {  	_ =	shalt  }
0x45: {  	_ =	shalt  }
0x46: {  	_ =	shalt  }
0x47: {  	_ =	shalt  }
0x48: {  	_ =	shalt  }
0x49: {  	_ =	shalt  }
0x4a: {  	_ =	shalt  }
0x4b: {  	_ =	shalt  }
0x4c: {  	_ =	shalt  }
0x4d: {  	_ =	shalt  }
0x4e: {  	_ =	shalt  }
0x4f: {  	_ =	shalt  }
0x50: {  	_ =	shalt  }
0x51: {  	_ =	shalt  }
0x52: {  	_ =	shalt  }
0x53: {  	_ =	shalt  }
0x54: {  	_ =	shalt  }
0x55: {  	_ =	shalt  }
0x56: {  	_ =	shalt  }
0x57: {  	_ =	shalt  }
0x58: {  	_ =	shalt  }
0x59: {  	_ =	shalt  }
0x5a: {  	_ =	shalt  }
0x5b: {  	_ =	shalt  }
0x5c: {  	_ =	shalt  }
0x5d: {  	_ =	shalt  }
0x5e: {  	_ =	shalt  }
0x5f: {  	_ =	shalt  }
0x60: {  	_ =	shalt  }
0x61: {  	_ =	shalt  }
0x62: {  	_ =	shalt  }
0x63: {  	_ =	shalt  }
0x64: {  	_ =	shalt  }
0x65: {  	_ =	shalt  }
0x66: {  	_ =	shalt  }
0x67: {  	_ =	shalt  }
0x68: {  	_ =	shalt  }
0x69: {  	_ =	shalt  }
0x6a: {  	_ =	shalt  }
0x6b: {  	_ =	shalt  }
0x6c: {  	_ =	shalt  }
0x6d: {  	_ =	shalt  }
0x6e: {  	_ =	shalt  }
0x6f: {  	_ =	shalt  }
0x70: {  	_ =	shalt  }
0x71: {  	_ =	shalt  }
0x72: {  	_ =	shalt  }
0x73: {  	_ =	shalt  }
0x74: {  	_ =	shalt  }
0x75: {  	_ =	shalt  }
0x76: {  	_ =	shalt  }
0x77: {  	_ =	shalt  }
0x78: {  	_ =	shalt  }
0x79: {  	_ =	shalt  }
0x7a: {  	_ =	shalt  }
0x7b: {  	_ =	shalt  }
0x7c: {  	_ =	shalt  }
0x7d: {  	_ =	shalt  }
0x7e: {  	_ =	shalt  }
0x7f: {  	_ =	shalt  }
0x80: {  	_ =	shalt  }
0x81: {  	_ =	shalt  }
0x82: {  	_ =	shalt  }
0x83: {  	_ =	shalt  }
0x84: {  	_ =	shalt  }
0x85: {  	_ =	shalt  }
0x86: {  	_ =	shalt  }
0x87: {  	_ =	shalt  }
.Lfunc_end0:
.L_simem_size_0:
called_computation_lowered:
.L_overlay_start_0:
0x88: {  	s2 =	sld [smem:$0x3FD9]  }
0x89: {  	s3 =	sld [smem:$0x3FFE];
	_ =	sdelay $0x1  }
0x8a: {  	s1 =	srdreg.scid  }
0x8b: {  	s0 =	sand.u32 $0x1, s1  }
0x8c: {  	s17 =	sshll.u32 s0, $0xA;
	s2 =	sadd.s32 s3, s2  }
0x8d: {  	s2 =	sadd.s32 s2, s17  }
0x8e: {  	[smem:$0x3FC4] =	sst s2  }
0x8f: {  	_ = 	snop  }
0x90: {  	s2 =	sld [smem:$0x3FD0];
	(tm) =	ssettm $0x1  }
0x91: {  	s18 =	sld [smem:$0x3FFB];
	_ =	sdelay $0x3  }
0x92: {  	_ =	strace s18  }
0x93: {  	s3 =	sld [smem:$0x3FFC];
	_ =	sdelay $0x3  }
0x94: {  	_ =	strace s3  }
0x95: {  	s3 =	sld [smem:$0x3FFD];
	_ =	sdelay $0x3  }
0x96: {  	_ =	strace s3  }
0x97: {  	_ =	strace $0x8FFFFFFF  }
0x98: {  	s19 =	sld [smem:$0x3FDB];
	_ =	sdelay $0x1  }
0x99: {  	s4 =	simm.s32 $_scs_section_size  }
0x9a: {  	s5 =	simm.s32 $_size__tile_overlayer_lowered;
	s6 =	simm.s32 $_tile_overlayer_lowered  }
0x9b: {  	s22 =	simm.s32 $0x1BFF;
	s21 =	sshll.u32 s6, $0x1;
	s3 =	sadd.s32 s4, s19  }
0x9c: {  	s7 =	simm.s32 $0x0;
	s20 =	sshll.u32 s5, $0x1;
	s5 =	sadd.s32 s21, s3  }
0x9d: {  	[timem:s7], [sflag:s22] =	dma.local [hbm:s5], s20  }
0x9e: {  	_ =	swait.ge [sflag:s22], s20  }
0x9f: {  	s4 =	ssub.s32 $0x0, s20;
	[sflag:s22] =	ssyncset.done $0x0  }
0xa0: {  	[sflag:s22] =	ssyncadd.s32 s4;
	_ =	sdelay $0x1  }
0xa1: {  	s23 =	simm.s32 $0x1B8B  }
0xa2: {  	_ =	swait.ge [sflag:s23], $0x1  }
0xa3: {  	[sflag:s23] =	ssyncset.done $0x0  }
0xa4: {  	s25 =	simm.s32 $0x1B8E;
	s24 =	sld [smem:$0x3FFE];
	[sflag:s23] =	ssyncadd.s32 $0xFFFFFFFF  }
0xa5: {  	s26 =	simm.s32 $execute0_lowered;
	[smem:$0x3FD2] =	sst s25  }
0xa6: {  	s5 =	sshll.u32 s26, $0x1;
	_ =	strace $0x80000046;
	[dreg:$0x1] =	wrdreg $0xFFFFFFFF  }
0xa7: {  	s28 =	simm.s32 $_size_execute0_lowered;
	s3 =	sadd.s32 s3, s5;
	[dreg:$0x0] =	wrdreg $0x0  }
0xa8: {  	s5 =	sshll.u32 s28, $0x1;
	[dreg:$0x2] =	wrdreg s3  }
0xa9: {  	[dreg:$0x3] =	wrdreg s5  }
0xaa: {  	[dreg:$0x4] =	wrdreg $0xC0  }
0xab: {  	_ =	task [dreg:s7], $0x5FFFF  }
0xac: {  	[dreg:$0x1] =	wrdreg $0xFFFFFFFF  }
0xad: {  	[dreg:$0x0] =	wrdreg $0x60  }
0xae: {  	[dreg:$0x2] =	wrdreg s2  }
0xaf: {  	[dreg:$0x3] =	wrdreg s24  }
0xb0: {  	[dreg:$0x4] =	wrdreg $0xA8000  }
0xb1: {  	[dreg:$0x5] =	wrdreg $0x9  }
0xb2: {  	_ =	task.clear_ibuf [dreg:s7], $0x6FFFF;
	_ =	strace $0x90000046  }
0xb3: {  	s29 =	simm.s32 $0x9;
	_ =	strace $0x80000048  }
0xb4: {  	_ =	swait.ge [sflag:s29], $0x1  }
0xb5: {  	[sflag:s29] =	ssyncadd.s32 $0xFFFFFFFF  }
0xb6: {  	_ =	strace $0x90000048  }
0xb7: {  	_ =	sfence  }
0xb8: {  	s30 =	sld [smem:$0x0];
	_ =	sdelay $0x2  }
0xb9: {  	s31 =	sshll.u32 s1, $0xD;
	s1 =	sshrl.u32 s1, $0x2  }
0xba: {  	s3 =	sand.u32 $0x4000, s31;
	s1 =	sadd.s32 s1, s30  }
0xbb: {  	s0 =	sor.u32 s3, s0;
	s1 =	sshll.u32 s1, $0x11  }
0xbc: {  	s0 =	sor.u32 s1, s0  }
0xbd: {  	s0 =	sadd.s32 $0x8F2B, s0  }
0xbe: {  	[sflag:s0] =	ssyncadd.remote.s32 $0x1  }
0xbf: {  	_ =	sfence.sel $0xFFFF  }
0xc0: {  	[dreg:$0x0] =	wrdreg $0xFFFFFFFF;
	(pc) =	sbr.abs _section_cstart, $3  }
0xc1: {  	[dreg:$0x1] =	wrdreg $0xFFFFFFFF  }
0xc2: {  	_ =	task.clear_ibuf [dreg:s7], $0x2FFFF;
	_ =	strace $0x9FFFFFFF  }
0xc3: {  	(tm) =	ssettm $0x7FFFFFFF  }
tec
execute0_lowered:
.L_overlay_start_1:
0x0: {  	(tag) =	ssettag $0x1  }
0x1: {  	s1 =	rddreg [dreg:$0x0]  }
0x2: {  	s0 =	rddreg [dreg:$0x1]  }
0x3: {  	s2 =	rddreg [dreg:$0x2]  }
0x4: {  	s4 =	simm.s32 $0x0;
	s3 =	srdreg.scid;
	s12 =	stileid.u32  }
0x5: {  	s28 =	simm.s32 $0x2;
	s29 =	simm.s32 $0x1480;
	s30 =	simm.s32 $0x180  }
0x6: {  	s31 =	simm.s32 $0x8800;
	[smem:$0x7FF] =	sst s4;
	s6 =	smul.u32 $0x14000, s12  }
0x7: {  	s3 =	sand.u32 $0x1, s3;
	s7 =	sadd.s32 $0xC00, s0;
	s9 =	smul.u32 $0x50000, s12  }
0x8: {  	s8 =	sadd.s32 $0x14C00, s0;
	s11 =	smul.u32 $0x5000, s12;
	s13 =	sadd.s32 $0x28C00, s0  }
0x9: {  	s19 =	sshll.u32 s12, $0x6;
	s12 =	simm.s32 $0x0;
	s5 =	smul.u32 $0x140000, s3  }
0xa: {  	_ =	strace $0x80000047;
	s16 =	ssub.s32 $0x2, s3;
	s3 =	smul.u32 $0x50000, s3  }
0xb: {  	[dreg:$0x4] =	wrdreg s13;
	s10 =	sshrl.u32 s16, $0x1;
	s18 =	sshrl.u32 s9, $0x2  }
0xc: {  	s5 =	sadd.s32 s6, s5;
	s17 =	ssub.s32 s16, s10;
	s3 =	sadd.s32 s11, s3  }
0xd: {  	s20 =	sadd.s32 s18, s2;
	s6 =	sor.u32 $0x1C09, s19;
	s18 =	simm.s32 $0x9  }
0xe: {  	s19 =	simm.s32 $0x1400;
	s10 =	simm.s32 $0x2700;
	s11 =	simm.s32 $0x2780  }
0xf: {  	s5 =	sshrl.u32 s5, $0x3;
	s3 =	sshrl.u32 s3, $0x3;
	s16 =	smax.u32 s17, $0x1  }
0x10: {  	s17 =	sshrl.u32 s20, $0x3;
	s20 =	simm.s32 $0x40;
	s21 =	sadd.s32 s7, s3  }
0x11: {  	s22 =	sadd.s32 s8, s3;
	s23 =	sadd.s32 $0x280, s3;
	[dreg:$0x5] =	wrdreg s21  }
0x12: {  	s0 =	sadd.s32 s5, s0;
	[dreg:$0x6] =	wrdreg s22;
	s24 =	sadd.s32 s7, s23  }
0x13: {  	s25 =	sadd.s32 $0x500, s3;
	s9 =	sadd.s32 s8, s23;
	[dreg:$0x7] =	wrdreg s24  }
0x14: {  	s3 =	sadd.s32 $0x780, s3;
	s26 =	sadd.s32 s7, s25;
	[dreg:$0x8] =	wrdreg s9  }
0x15: {  	s5 =	simm.s32 $0x4;
	s7 =	sadd.s32 s7, s3;
	[dreg:$0x9] =	wrdreg s26  }
0x16: {  	s3 =	sadd.s32 s8, s3;
	s0 =	sadd.s32 $0x2B400, s0;
	[dreg:$0xb] =	wrdreg s7  }
0x17: {  	s21 =	simm.s32 $0x2800;
	s22 =	simm.s32 $0x80;
	[dreg:$0xc] =	wrdreg s3  }
0x18: {  	s23 =	simm.s32 $0x4800;
	s9 =	sadd.s32 s8, s25;
	[dreg:$0xd] =	wrdreg s0  }
0x19: {  	s24 =	simm.s32 $0x1;
	s25 =	simm.s32 $0x100;
	s26 =	simm.s32 $0x6800  }
0x1a: {  	s0 =	simm.s32 $0x3;
	s3 =	simm.s32 $0x5;
	s7 =	simm.s32 $0x6  }
0x1b: {  	s8 =	simm.s32 $0x7;
	[dreg:$0xa] =	wrdreg s9;
	s9 =	simm.s32 $0x8  }
.LBB2_1:
0x1c: {  	s13 =	rddreg [dreg:$0x4]  }
0x1d: {  	[spmem:s17], [sflag:s6] =	dma.local [hbm:s13], $0x2800  }
0x1e: {  	_ =	swait.ge [sflag:s18], $0x2800  }
0x1f: {  	[sflag:s18] =	ssyncset.done $0x0  }
0x20: {  	[sflag:s18] =	ssyncadd.s32 $0xFFFFD800  }
0x21: {  	[bflag:$0x0] =	sbarrier.arrive $0xFFFF  }
0x22: {  	s15 =	rddreg [dreg:$0x5]  }
0x23: {  	[tilespmem:s4], [sflag:$0x9] =	stream.linear.gather [hbm4b:s15+s4], $0x1400, $0x38;
	[tilespmem:$0x1E800] =	vst v63  }
0x24: {  	_ =	swait.ge [sflag:s18], $0x1400  }
0x25: {  	[sflag:s18] =	ssyncset.done $0x0  }
0x26: {  	s14 =	rddreg [dreg:$0x6];
	[sflag:s18] =	ssyncadd.s32 $0xFFFFEC00  }
0x27: {  	[tilespmem:s19], [sflag:$0x9] =	stream.linear.gather [hbm4b:s14+s4], $0x1400, $0x38;
	[tilespmem:$0x1E800] =	vst v63  }
0x28: {  	_ =	swait.ge [sflag:s18], $0x1400  }
0x29: {  	[sflag:s18] =	ssyncset.done $0x0  }
0x2a: {  	[sflag:s18] =	ssyncadd.s32 $0xFFFFEC00  }
0x2b: {  	[tilespmem:s21], [sflag:$0x1] =	stream.indirect.gather [hbm4b:s1+s20], $0x80, s4, s20, $0xb8;
	[tilespmem:$0x1E800] =	vst v63  }
0x2c: {  	_ = 	snop  }
0x2d: {  	[tilespmem:s23], [sflag:$0x2] =	stream.indirect.gather [hbm4b:s1+s20], $0x80, s22, s20, $0xb8;
	[tilespmem:$0x1E800] =	vst v63  }
0x2e: {  	_ =	swait.ge [sflag:s24], $0x2000  }
0x2f: {  	[sflag:s24] =	ssyncset.done $0x0  }
0x30: {  	[sflag:s24] =	ssyncadd.s32 $0xFFFFE000  }
0x31: {  	[spmem:s2] =	stream.indirect.scatter.add.f32 [tilespmem:s21], [sflag:$0x5], $0x80, s19, s20, $0xb8;
	[tilespmem:$0x1E800] =	vst v63  }
0x32: {  	_ = 	snop  }
0x33: {  	[tilespmem:s26], [sflag:$0x3] =	stream.indirect.gather [hbm4b:s1+s20], $0x80, s25, s20, $0xb8;
	[tilespmem:$0x1E800] =	vst v63  }
0x34: {  	_ =	swait.ge [sflag:s28], $0x2000  }
0x35: {  	[sflag:s28] =	ssyncset.done $0x0  }
0x36: {  	[sflag:s28] =	ssyncadd.s32 $0xFFFFE000  }
0x37: {  	[spmem:s2] =	stream.indirect.scatter.add.f32 [tilespmem:s23], [sflag:$0x6], $0x80, s29, s20, $0xb8;
	[tilespmem:$0x1E800] =	vst v63  }
0x38: {  	_ = 	snop  }
0x39: {  	[tilespmem:s31], [sflag:$0x4] =	stream.indirect.gather [hbm4b:s1+s20], $0x80, s30, s20, $0xb8;
	[tilespmem:$0x1E800] =	vst v63  }
0x3a: {  	_ =	swait.ge [sflag:s0], $0x2000  }
0x3b: {  	[sflag:s0] =	ssyncset.done $0x0  }
0x3c: {  	s15 =	simm.s32 $0x1500;
	[sflag:s0] =	ssyncadd.s32 $0xFFFFE000  }
0x3d: {  	[spmem:s2] =	stream.indirect.scatter.add.f32 [tilespmem:s26], [sflag:$0x7], $0x80, s15, s20, $0xb8;
	[tilespmem:$0x1E800] =	vst v63  }
0x3e: {  	_ =	swait.ge [sflag:s3], $0x2000  }
0x3f: {  	[sflag:s3] =	ssyncset.done $0x0  }
0x40: {  	s14 =	simm.s32 $0x200;
	[sflag:s3] =	ssyncadd.s32 $0xFFFFE000  }
0x41: {  	[tilespmem:s21], [sflag:$0x1] =	stream.indirect.gather [hbm4b:s1+s20], $0x80, s14, s20, $0xb8;
	[tilespmem:$0x1E800] =	vst v63  }
0x42: {  	_ =	swait.ge [sflag:s5], $0x2000  }
0x43: {  	[sflag:s5] =	ssyncset.done $0x0  }
0x44: {  	s15 =	simm.s32 $0x1580;
	[sflag:s5] =	ssyncadd.s32 $0xFFFFE000  }
0x45: {  	[spmem:s2] =	stream.indirect.scatter.add.f32 [tilespmem:s31], [sflag:$0x8], $0x80, s15, s20, $0xb8;
	[tilespmem:$0x1E800] =	vst v63  }
0x46: {  	_ =	swait.ge [sflag:s7], $0x2000  }
0x47: {  	[sflag:s7] =	ssyncset.done $0x0  }
0x48: {  	s14 =	simm.s32 $0x280;
	[sflag:s7] =	ssyncadd.s32 $0xFFFFE000  }
0x49: {  	[tilespmem:s23], [sflag:$0x2] =	stream.indirect.gather [hbm4b:s1+s20], $0x80, s14, s20, $0xb8;
	[tilespmem:$0x1E800] =	vst v63  }
0x4a: {  	_ =	swait.ge [sflag:s24], $0x2000  }
0x4b: {  	[sflag:s24] =	ssyncset.done $0x0  }
0x4c: {  	s15 =	simm.s32 $0x1600;
	[sflag:s24] =	ssyncadd.s32 $0xFFFFE000  }
0x4d: {  	[spmem:s2] =	stream.indirect.scatter.add.f32 [tilespmem:s21], [sflag:$0x5], $0x80, s15, s20, $0xb8;
	[tilespmem:$0x1E800] =	vst v63  }
0x4e: {  	_ =	swait.ge [sflag:s8], $0x2000  }
0x4f: {  	[sflag:s8] =	ssyncset.done $0x0  }
0x50: {  	s14 =	simm.s32 $0x300;
	[sflag:s8] =	ssyncadd.s32 $0xFFFFE000  }
0x51: {  	[tilespmem:s26], [sflag:$0x3] =	stream.indirect.gather [hbm4b:s1+s20], $0x80, s14, s20, $0xb8;
	[tilespmem:$0x1E800] =	vst v63  }
0x52: {  	_ =	swait.ge [sflag:s28], $0x2000  }
0x53: {  	[sflag:s28] =	ssyncset.done $0x0  }
0x54: {  	s15 =	simm.s32 $0x1680;
	[sflag:s28] =	ssyncadd.s32 $0xFFFFE000  }
0x55: {  	[spmem:s2] =	stream.indirect.scatter.add.f32 [tilespmem:s23], [sflag:$0x6], $0x80, s15, s20, $0xb8;
	[tilespmem:$0x1E800] =	vst v63  }
0x56: {  	_ =	swait.ge [sflag:s9], $0x2000  }
0x57: {  	[sflag:s9] =	ssyncset.done $0x0  }
0x58: {  	s13 =	simm.s32 $0x800;
	s14 =	simm.s32 $0x380;
	[sflag:s9] =	ssyncadd.s32 $0xFFFFE000  }
.LBB2_2:
0x59: {  	[tilespmem:s31], [sflag:$0x4] =	stream.indirect.gather [hbm4b:s1+s20], $0x80, s14, s20, $0xb8;
	[tilespmem:$0x1E800] =	vst v63  }
0x5a: {  	s14 =	smov.u32 s13  }
0x5b: {  	p0 =	sne.s32 s13, $0x4000;
	s13 =	sadd.s32 $0x800, s13;
	_ =	swait.ge [sflag:s0], $0x2000  }
0x5c: {  	s14 =	sshra.s32 s14, $0x2;
	[sflag:s0] =	ssyncset.done $0x0  }
0x5d: {  	s15 =	sadd.s32 $0x1500, s14;
	[sflag:s0] =	ssyncadd.s32 $0xFFFFE000  }
0x5e: {  	[spmem:s2] =	stream.indirect.scatter.add.f32 [tilespmem:s26], [sflag:$0x7], $0x80, s15, s20, $0xb8;
	[tilespmem:$0x1E800] =	vst v63  }
0x5f: {  	_ =	swait.ge [sflag:s3], $0x2000  }
0x60: {  	[sflag:s3] =	ssyncset.done $0x0  }
0x61: {  	s15 =	sadd.s32 $0x200, s14;
	[sflag:s3] =	ssyncadd.s32 $0xFFFFE000  }
0x62: {  	[tilespmem:s21], [sflag:$0x1] =	stream.indirect.gather [hbm4b:s1+s20], $0x80, s15, s20, $0xb8;
	[tilespmem:$0x1E800] =	vst v63  }
0x63: {  	_ =	swait.ge [sflag:s5], $0x2000  }
0x64: {  	[sflag:s5] =	ssyncset.done $0x0  }
0x65: {  	s15 =	sadd.s32 $0x1580, s14;
	[sflag:s5] =	ssyncadd.s32 $0xFFFFE000  }
0x66: {  	[spmem:s2] =	stream.indirect.scatter.add.f32 [tilespmem:s31], [sflag:$0x8], $0x80, s15, s20, $0xb8;
	[tilespmem:$0x1E800] =	vst v63  }
0x67: {  	_ =	swait.ge [sflag:s7], $0x2000  }
0x68: {  	[sflag:s7] =	ssyncset.done $0x0  }
0x69: {  	s15 =	sadd.s32 $0x280, s14;
	[sflag:s7] =	ssyncadd.s32 $0xFFFFE000  }
0x6a: {  	[tilespmem:s23], [sflag:$0x2] =	stream.indirect.gather [hbm4b:s1+s20], $0x80, s15, s20, $0xb8;
	[tilespmem:$0x1E800] =	vst v63  }
0x6b: {  	_ =	swait.ge [sflag:s24], $0x2000  }
0x6c: {  	[sflag:s24] =	ssyncset.done $0x0  }
0x6d: {  	s15 =	sadd.s32 $0x1600, s14;
	[sflag:s24] =	ssyncadd.s32 $0xFFFFE000  }
0x6e: {  	[spmem:s2] =	stream.indirect.scatter.add.f32 [tilespmem:s21], [sflag:$0x5], $0x80, s15, s20, $0xb8;
	[tilespmem:$0x1E800] =	vst v63  }
0x6f: {  	_ =	swait.ge [sflag:s8], $0x2000  }
0x70: {  	[sflag:s8] =	ssyncset.done $0x0  }
0x71: {  	s15 =	sadd.s32 $0x300, s14;
	[sflag:s8] =	ssyncadd.s32 $0xFFFFE000  }
0x72: {  	[tilespmem:s26], [sflag:$0x3] =	stream.indirect.gather [hbm4b:s1+s20], $0x80, s15, s20, $0xb8;
	[tilespmem:$0x1E800] =	vst v63  }
0x73: {  	_ =	swait.ge [sflag:s28], $0x2000  }
0x74: {  	[sflag:s28] =	ssyncset.done $0x0  }
.Ltmp0:
0x75: {  	s15 =	sadd.s32 $0x1680, s14;
	[sflag:s28] =	ssyncadd.s32 $0xFFFFE000;
	(pc) =	sbr.rel @p0 .LBB2_2-.Ltmp0, $4  }
0x76: {  	[spmem:s2] =	stream.indirect.scatter.add.f32 [tilespmem:s23], [sflag:$0x6], $0x80, s15, s20, $0xb8;
	[tilespmem:$0x1E800] =	vst v63  }
0x77: {  	_ =	swait.ge [sflag:s9], $0x2000  }
0x78: {  	[sflag:s9] =	ssyncset.done $0x0  }
0x79: {  	s14 =	sadd.s32 $0x380, s14;
	[sflag:s9] =	ssyncadd.s32 $0xFFFFE000  }
0x7a: {  	[tilespmem:s31], [sflag:$0x4] =	stream.indirect.gather [hbm4b:s1+s20], $0x80, s14, s20, $0xb8;
	[tilespmem:$0x1E800] =	vst v63  }
0x7b: {  	_ =	swait.ge [sflag:s0], $0x2000  }
0x7c: {  	[sflag:s0] =	ssyncset.done $0x0  }
0x7d: {  	[sflag:s0] =	ssyncadd.s32 $0xFFFFE000  }
0x7e: {  	[spmem:s2] =	stream.indirect.scatter.add.f32 [tilespmem:s26], [sflag:$0x7], $0x80, s10, s20, $0xb8;
	[tilespmem:$0x1E800] =	vst v63  }
0x7f: {  	_ =	swait.ge [sflag:s3], $0x2000  }
0x80: {  	[sflag:s3] =	ssyncset.done $0x0  }
0x81: {  	[sflag:s3] =	ssyncadd.s32 $0xFFFFE000  }
0x82: {  	_ =	swait.ge [sflag:s5], $0x2000  }
0x83: {  	[sflag:s5] =	ssyncset.done $0x0  }
0x84: {  	[sflag:s5] =	ssyncadd.s32 $0xFFFFE000  }
0x85: {  	[spmem:s2] =	stream.indirect.scatter.add.f32 [tilespmem:s31], [sflag:$0x8], $0x80, s11, s20, $0xb8;
	[tilespmem:$0x1E800] =	vst v63  }
0x86: {  	_ =	swait.ge [sflag:s7], $0x2000  }
0x87: {  	[sflag:s7] =	ssyncset.done $0x0  }
0x88: {  	[sflag:s7] =	ssyncadd.s32 $0xFFFFE000  }
0x89: {  	_ =	swait.ge [sflag:s8], $0x2000  }
0x8a: {  	[sflag:s8] =	ssyncset.done $0x0  }
0x8b: {  	[sflag:s8] =	ssyncadd.s32 $0xFFFFE000  }
0x8c: {  	_ =	swait.ge [sflag:s9], $0x2000  }
0x8d: {  	[sflag:s9] =	ssyncset.done $0x0  }
0x8e: {  	s13 =	simm.s32 $0x0;
	s15 =	rddreg [dreg:$0x7];
	[sflag:s9] =	ssyncadd.s32 $0xFFFFE000  }
0x8f: {  	[tilespmem:s13], [sflag:$0x9] =	stream.linear.gather [hbm4b:s15+s13], $0x1400, $0x38;
	[tilespmem:$0x1E800] =	vst v63  }
0x90: {  	_ =	swait.ge [sflag:s18], $0x1400  }
0x91: {  	[sflag:s18] =	ssyncset.done $0x0  }
0x92: {  	s15 =	rddreg [dreg:$0x8];
	[sflag:s18] =	ssyncadd.s32 $0xFFFFEC00  }
0x93: {  	[tilespmem:s19], [sflag:$0x9] =	stream.linear.gather [hbm4b:s15+s13], $0x1400, $0x38;
	[tilespmem:$0x1E800] =	vst v63  }
0x94: {  	_ =	swait.ge [sflag:s18], $0x1400  }
0x95: {  	[sflag:s18] =	ssyncset.done $0x0  }
0x96: {  	[sflag:s18] =	ssyncadd.s32 $0xFFFFEC00  }
0x97: {  	[tilespmem:s21], [sflag:$0x1] =	stream.indirect.gather [hbm4b:s1+s20], $0x80, s13, s20, $0xb8;
	[tilespmem:$0x1E800] =	vst v63  }
0x98: {  	_ = 	snop  }
0x99: {  	[tilespmem:s23], [sflag:$0x2] =	stream.indirect.gather [hbm4b:s1+s20], $0x80, s22, s20, $0xb8;
	[tilespmem:$0x1E800] =	vst v63  }
0x9a: {  	_ =	swait.ge [sflag:s24], $0x2000  }
0x9b: {  	[sflag:s24] =	ssyncset.done $0x0  }
0x9c: {  	[sflag:s24] =	ssyncadd.s32 $0xFFFFE000  }
0x9d: {  	[spmem:s2] =	stream.indirect.scatter.add.f32 [tilespmem:s21], [sflag:$0x5], $0x80, s19, s20, $0xb8;
	[tilespmem:$0x1E800] =	vst v63  }
0x9e: {  	_ = 	snop  }
0x9f: {  	[tilespmem:s26], [sflag:$0x3] =	stream.indirect.gather [hbm4b:s1+s20], $0x80, s25, s20, $0xb8;
	[tilespmem:$0x1E800] =	vst v63  }
0xa0: {  	_ =	swait.ge [sflag:s28], $0x2000  }
0xa1: {  	[sflag:s28] =	ssyncset.done $0x0  }
0xa2: {  	[sflag:s28] =	ssyncadd.s32 $0xFFFFE000  }
0xa3: {  	[spmem:s2] =	stream.indirect.scatter.add.f32 [tilespmem:s23], [sflag:$0x6], $0x80, s29, s20, $0xb8;
	[tilespmem:$0x1E800] =	vst v63  }
0xa4: {  	_ = 	snop  }
0xa5: {  	[tilespmem:s31], [sflag:$0x4] =	stream.indirect.gather [hbm4b:s1+s20], $0x80, s30, s20, $0xb8;
	[tilespmem:$0x1E800] =	vst v63  }
0xa6: {  	_ =	swait.ge [sflag:s0], $0x2000  }
0xa7: {  	[sflag:s0] =	ssyncset.done $0x0  }
0xa8: {  	s15 =	simm.s32 $0x1500;
	[sflag:s0] =	ssyncadd.s32 $0xFFFFE000  }
0xa9: {  	[spmem:s2] =	stream.indirect.scatter.add.f32 [tilespmem:s26], [sflag:$0x7], $0x80, s15, s20, $0xb8;
	[tilespmem:$0x1E800] =	vst v63  }
0xaa: {  	_ =	swait.ge [sflag:s3], $0x2000  }
0xab: {  	[sflag:s3] =	ssyncset.done $0x0  }
0xac: {  	s14 =	simm.s32 $0x200;
	[sflag:s3] =	ssyncadd.s32 $0xFFFFE000  }
0xad: {  	[tilespmem:s21], [sflag:$0x1] =	stream.indirect.gather [hbm4b:s1+s20], $0x80, s14, s20, $0xb8;
	[tilespmem:$0x1E800] =	vst v63  }
0xae: {  	_ =	swait.ge [sflag:s5], $0x2000  }
0xaf: {  	[sflag:s5] =	ssyncset.done $0x0  }
0xb0: {  	s15 =	simm.s32 $0x1580;
	[sflag:s5] =	ssyncadd.s32 $0xFFFFE000  }
0xb1: {  	[spmem:s2] =	stream.indirect.scatter.add.f32 [tilespmem:s31], [sflag:$0x8], $0x80, s15, s20, $0xb8;
	[tilespmem:$0x1E800] =	vst v63  }
0xb2: {  	_ =	swait.ge [sflag:s7], $0x2000  }
0xb3: {  	[sflag:s7] =	ssyncset.done $0x0  }
0xb4: {  	s14 =	simm.s32 $0x280;
	[sflag:s7] =	ssyncadd.s32 $0xFFFFE000  }
0xb5: {  	[tilespmem:s23], [sflag:$0x2] =	stream.indirect.gather [hbm4b:s1+s20], $0x80, s14, s20, $0xb8;
	[tilespmem:$0x1E800] =	vst v63  }
0xb6: {  	_ =	swait.ge [sflag:s24], $0x2000  }
0xb7: {  	[sflag:s24] =	ssyncset.done $0x0  }
0xb8: {  	s15 =	simm.s32 $0x1600;
	[sflag:s24] =	ssyncadd.s32 $0xFFFFE000  }
0xb9: {  	[spmem:s2] =	stream.indirect.scatter.add.f32 [tilespmem:s21], [sflag:$0x5], $0x80, s15, s20, $0xb8;
	[tilespmem:$0x1E800] =	vst v63  }
0xba: {  	_ =	swait.ge [sflag:s8], $0x2000  }
0xbb: {  	[sflag:s8] =	ssyncset.done $0x0  }
0xbc: {  	s14 =	simm.s32 $0x300;
	[sflag:s8] =	ssyncadd.s32 $0xFFFFE000  }
0xbd: {  	[tilespmem:s26], [sflag:$0x3] =	stream.indirect.gather [hbm4b:s1+s20], $0x80, s14, s20, $0xb8;
	[tilespmem:$0x1E800] =	vst v63  }
0xbe: {  	_ =	swait.ge [sflag:s28], $0x2000  }
0xbf: {  	[sflag:s28] =	ssyncset.done $0x0  }
0xc0: {  	s15 =	simm.s32 $0x1680;
	[sflag:s28] =	ssyncadd.s32 $0xFFFFE000  }
0xc1: {  	[spmem:s2] =	stream.indirect.scatter.add.f32 [tilespmem:s23], [sflag:$0x6], $0x80, s15, s20, $0xb8;
	[tilespmem:$0x1E800] =	vst v63  }
0xc2: {  	_ =	swait.ge [sflag:s9], $0x2000  }
0xc3: {  	[sflag:s9] =	ssyncset.done $0x0  }
0xc4: {  	s13 =	simm.s32 $0x800;
	s14 =	simm.s32 $0x380;
	[sflag:s9] =	ssyncadd.s32 $0xFFFFE000  }
.LBB2_4:
0xc5: {  	[tilespmem:s31], [sflag:$0x4] =	stream.indirect.gather [hbm4b:s1+s20], $0x80, s14, s20, $0xb8;
	[tilespmem:$0x1E800] =	vst v63  }
0xc6: {  	s14 =	smov.u32 s13  }
0xc7: {  	p0 =	sne.s32 s13, $0x4000;
	s13 =	sadd.s32 $0x800, s13;
	_ =	swait.ge [sflag:s0], $0x2000  }
0xc8: {  	s14 =	sshra.s32 s14, $0x2;
	[sflag:s0] =	ssyncset.done $0x0  }
0xc9: {  	s15 =	sadd.s32 $0x1500, s14;
	[sflag:s0] =	ssyncadd.s32 $0xFFFFE000  }
0xca: {  	[spmem:s2] =	stream.indirect.scatter.add.f32 [tilespmem:s26], [sflag:$0x7], $0x80, s15, s20, $0xb8;
	[tilespmem:$0x1E800] =	vst v63  }
0xcb: {  	_ =	swait.ge [sflag:s3], $0x2000  }
0xcc: {  	[sflag:s3] =	ssyncset.done $0x0  }
0xcd: {  	s15 =	sadd.s32 $0x200, s14;
	[sflag:s3] =	ssyncadd.s32 $0xFFFFE000  }
0xce: {  	[tilespmem:s21], [sflag:$0x1] =	stream.indirect.gather [hbm4b:s1+s20], $0x80, s15, s20, $0xb8;
	[tilespmem:$0x1E800] =	vst v63  }
0xcf: {  	_ =	swait.ge [sflag:s5], $0x2000  }
0xd0: {  	[sflag:s5] =	ssyncset.done $0x0  }
0xd1: {  	s15 =	sadd.s32 $0x1580, s14;
	[sflag:s5] =	ssyncadd.s32 $0xFFFFE000  }
0xd2: {  	[spmem:s2] =	stream.indirect.scatter.add.f32 [tilespmem:s31], [sflag:$0x8], $0x80, s15, s20, $0xb8;
	[tilespmem:$0x1E800] =	vst v63  }
0xd3: {  	_ =	swait.ge [sflag:s7], $0x2000  }
0xd4: {  	[sflag:s7] =	ssyncset.done $0x0  }
0xd5: {  	s15 =	sadd.s32 $0x280, s14;
	[sflag:s7] =	ssyncadd.s32 $0xFFFFE000  }
0xd6: {  	[tilespmem:s23], [sflag:$0x2] =	stream.indirect.gather [hbm4b:s1+s20], $0x80, s15, s20, $0xb8;
	[tilespmem:$0x1E800] =	vst v63  }
0xd7: {  	_ =	swait.ge [sflag:s24], $0x2000  }
0xd8: {  	[sflag:s24] =	ssyncset.done $0x0  }
0xd9: {  	s15 =	sadd.s32 $0x1600, s14;
	[sflag:s24] =	ssyncadd.s32 $0xFFFFE000  }
0xda: {  	[spmem:s2] =	stream.indirect.scatter.add.f32 [tilespmem:s21], [sflag:$0x5], $0x80, s15, s20, $0xb8;
	[tilespmem:$0x1E800] =	vst v63  }
0xdb: {  	_ =	swait.ge [sflag:s8], $0x2000  }
0xdc: {  	[sflag:s8] =	ssyncset.done $0x0  }
0xdd: {  	s15 =	sadd.s32 $0x300, s14;
	[sflag:s8] =	ssyncadd.s32 $0xFFFFE000  }
0xde: {  	[tilespmem:s26], [sflag:$0x3] =	stream.indirect.gather [hbm4b:s1+s20], $0x80, s15, s20, $0xb8;
	[tilespmem:$0x1E800] =	vst v63  }
0xdf: {  	_ =	swait.ge [sflag:s28], $0x2000  }
0xe0: {  	[sflag:s28] =	ssyncset.done $0x0  }
.Ltmp1:
0xe1: {  	s15 =	sadd.s32 $0x1680, s14;
	[sflag:s28] =	ssyncadd.s32 $0xFFFFE000;
	(pc) =	sbr.rel @p0 .LBB2_4-.Ltmp1, $4  }
0xe2: {  	[spmem:s2] =	stream.indirect.scatter.add.f32 [tilespmem:s23], [sflag:$0x6], $0x80, s15, s20, $0xb8;
	[tilespmem:$0x1E800] =	vst v63  }
0xe3: {  	_ =	swait.ge [sflag:s9], $0x2000  }
0xe4: {  	[sflag:s9] =	ssyncset.done $0x0  }
0xe5: {  	s14 =	sadd.s32 $0x380, s14;
	[sflag:s9] =	ssyncadd.s32 $0xFFFFE000  }
0xe6: {  	[tilespmem:s31], [sflag:$0x4] =	stream.indirect.gather [hbm4b:s1+s20], $0x80, s14, s20, $0xb8;
	[tilespmem:$0x1E800] =	vst v63  }
0xe7: {  	_ =	swait.ge [sflag:s0], $0x2000  }
0xe8: {  	[sflag:s0] =	ssyncset.done $0x0  }
0xe9: {  	[sflag:s0] =	ssyncadd.s32 $0xFFFFE000  }
0xea: {  	[spmem:s2] =	stream.indirect.scatter.add.f32 [tilespmem:s26], [sflag:$0x7], $0x80, s10, s20, $0xb8;
	[tilespmem:$0x1E800] =	vst v63  }
0xeb: {  	_ =	swait.ge [sflag:s3], $0x2000  }
0xec: {  	[sflag:s3] =	ssyncset.done $0x0  }
0xed: {  	[sflag:s3] =	ssyncadd.s32 $0xFFFFE000  }
0xee: {  	_ =	swait.ge [sflag:s5], $0x2000  }
0xef: {  	[sflag:s5] =	ssyncset.done $0x0  }
0xf0: {  	[sflag:s5] =	ssyncadd.s32 $0xFFFFE000  }
0xf1: {  	[spmem:s2] =	stream.indirect.scatter.add.f32 [tilespmem:s31], [sflag:$0x8], $0x80, s11, s20, $0xb8;
	[tilespmem:$0x1E800] =	vst v63  }
0xf2: {  	_ =	swait.ge [sflag:s7], $0x2000  }
0xf3: {  	[sflag:s7] =	ssyncset.done $0x0  }
0xf4: {  	[sflag:s7] =	ssyncadd.s32 $0xFFFFE000  }
0xf5: {  	_ =	swait.ge [sflag:s8], $0x2000  }
0xf6: {  	[sflag:s8] =	ssyncset.done $0x0  }
0xf7: {  	[sflag:s8] =	ssyncadd.s32 $0xFFFFE000  }
0xf8: {  	_ =	swait.ge [sflag:s9], $0x2000  }
0xf9: {  	[sflag:s9] =	ssyncset.done $0x0  }
0xfa: {  	s13 =	simm.s32 $0x0;
	s15 =	rddreg [dreg:$0x9];
	[sflag:s9] =	ssyncadd.s32 $0xFFFFE000  }
0xfb: {  	[tilespmem:s13], [sflag:$0x9] =	stream.linear.gather [hbm4b:s15+s13], $0x1400, $0x38;
	[tilespmem:$0x1E800] =	vst v63  }
0xfc: {  	_ =	swait.ge [sflag:s18], $0x1400  }
0xfd: {  	[sflag:s18] =	ssyncset.done $0x0  }
0xfe: {  	s15 =	rddreg [dreg:$0xa];
	[sflag:s18] =	ssyncadd.s32 $0xFFFFEC00  }
0xff: {  	[tilespmem:s19], [sflag:$0x9] =	stream.linear.gather [hbm4b:s15+s13], $0x1400, $0x38;
	[tilespmem:$0x1E800] =	vst v63  }
0x100: {  	_ =	swait.ge [sflag:s18], $0x1400  }
0x101: {  	[sflag:s18] =	ssyncset.done $0x0  }
0x102: {  	[sflag:s18] =	ssyncadd.s32 $0xFFFFEC00  }
0x103: {  	[tilespmem:s21], [sflag:$0x1] =	stream.indirect.gather [hbm4b:s1+s20], $0x80, s13, s20, $0xb8;
	[tilespmem:$0x1E800] =	vst v63  }
0x104: {  	_ = 	snop  }
0x105: {  	[tilespmem:s23], [sflag:$0x2] =	stream.indirect.gather [hbm4b:s1+s20], $0x80, s22, s20, $0xb8;
	[tilespmem:$0x1E800] =	vst v63  }
0x106: {  	_ =	swait.ge [sflag:s24], $0x2000  }
0x107: {  	[sflag:s24] =	ssyncset.done $0x0  }
0x108: {  	[sflag:s24] =	ssyncadd.s32 $0xFFFFE000  }
0x109: {  	[spmem:s2] =	stream.indirect.scatter.add.f32 [tilespmem:s21], [sflag:$0x5], $0x80, s19, s20, $0xb8;
	[tilespmem:$0x1E800] =	vst v63  }
0x10a: {  	_ = 	snop  }
0x10b: {  	[tilespmem:s26], [sflag:$0x3] =	stream.indirect.gather [hbm4b:s1+s20], $0x80, s25, s20, $0xb8;
	[tilespmem:$0x1E800] =	vst v63  }
0x10c: {  	_ =	swait.ge [sflag:s28], $0x2000  }
0x10d: {  	[sflag:s28] =	ssyncset.done $0x0  }
0x10e: {  	[sflag:s28] =	ssyncadd.s32 $0xFFFFE000  }
0x10f: {  	[spmem:s2] =	stream.indirect.scatter.add.f32 [tilespmem:s23], [sflag:$0x6], $0x80, s29, s20, $0xb8;
	[tilespmem:$0x1E800] =	vst v63  }
0x110: {  	_ = 	snop  }
0x111: {  	[tilespmem:s31], [sflag:$0x4] =	stream.indirect.gather [hbm4b:s1+s20], $0x80, s30, s20, $0xb8;
	[tilespmem:$0x1E800] =	vst v63  }
0x112: {  	_ =	swait.ge [sflag:s0], $0x2000  }
0x113: {  	[sflag:s0] =	ssyncset.done $0x0  }
0x114: {  	s15 =	simm.s32 $0x1500;
	[sflag:s0] =	ssyncadd.s32 $0xFFFFE000  }
0x115: {  	[spmem:s2] =	stream.indirect.scatter.add.f32 [tilespmem:s26], [sflag:$0x7], $0x80, s15, s20, $0xb8;
	[tilespmem:$0x1E800] =	vst v63  }
0x116: {  	_ =	swait.ge [sflag:s3], $0x2000  }
0x117: {  	[sflag:s3] =	ssyncset.done $0x0  }
0x118: {  	s14 =	simm.s32 $0x200;
	[sflag:s3] =	ssyncadd.s32 $0xFFFFE000  }
0x119: {  	[tilespmem:s21], [sflag:$0x1] =	stream.indirect.gather [hbm4b:s1+s20], $0x80, s14, s20, $0xb8;
	[tilespmem:$0x1E800] =	vst v63  }
0x11a: {  	_ =	swait.ge [sflag:s5], $0x2000  }
0x11b: {  	[sflag:s5] =	ssyncset.done $0x0  }
0x11c: {  	s15 =	simm.s32 $0x1580;
	[sflag:s5] =	ssyncadd.s32 $0xFFFFE000  }
0x11d: {  	[spmem:s2] =	stream.indirect.scatter.add.f32 [tilespmem:s31], [sflag:$0x8], $0x80, s15, s20, $0xb8;
	[tilespmem:$0x1E800] =	vst v63  }
0x11e: {  	_ =	swait.ge [sflag:s7], $0x2000  }
0x11f: {  	[sflag:s7] =	ssyncset.done $0x0  }
0x120: {  	s14 =	simm.s32 $0x280;
	[sflag:s7] =	ssyncadd.s32 $0xFFFFE000  }
0x121: {  	[tilespmem:s23], [sflag:$0x2] =	stream.indirect.gather [hbm4b:s1+s20], $0x80, s14, s20, $0xb8;
	[tilespmem:$0x1E800] =	vst v63  }
0x122: {  	_ =	swait.ge [sflag:s24], $0x2000  }
0x123: {  	[sflag:s24] =	ssyncset.done $0x0  }
0x124: {  	s15 =	simm.s32 $0x1600;
	[sflag:s24] =	ssyncadd.s32 $0xFFFFE000  }
0x125: {  	[spmem:s2] =	stream.indirect.scatter.add.f32 [tilespmem:s21], [sflag:$0x5], $0x80, s15, s20, $0xb8;
	[tilespmem:$0x1E800] =	vst v63  }
0x126: {  	_ =	swait.ge [sflag:s8], $0x2000  }
0x127: {  	[sflag:s8] =	ssyncset.done $0x0  }
0x128: {  	s14 =	simm.s32 $0x300;
	[sflag:s8] =	ssyncadd.s32 $0xFFFFE000  }
0x129: {  	[tilespmem:s26], [sflag:$0x3] =	stream.indirect.gather [hbm4b:s1+s20], $0x80, s14, s20, $0xb8;
	[tilespmem:$0x1E800] =	vst v63  }
0x12a: {  	_ =	swait.ge [sflag:s28], $0x2000  }
0x12b: {  	[sflag:s28] =	ssyncset.done $0x0  }
0x12c: {  	s15 =	simm.s32 $0x1680;
	[sflag:s28] =	ssyncadd.s32 $0xFFFFE000  }
0x12d: {  	[spmem:s2] =	stream.indirect.scatter.add.f32 [tilespmem:s23], [sflag:$0x6], $0x80, s15, s20, $0xb8;
	[tilespmem:$0x1E800] =	vst v63  }
0x12e: {  	_ =	swait.ge [sflag:s9], $0x2000  }
0x12f: {  	[sflag:s9] =	ssyncset.done $0x0  }
0x130: {  	s13 =	simm.s32 $0x800;
	s14 =	simm.s32 $0x380;
	[sflag:s9] =	ssyncadd.s32 $0xFFFFE000  }
.LBB2_6:
0x131: {  	[tilespmem:s31], [sflag:$0x4] =	stream.indirect.gather [hbm4b:s1+s20], $0x80, s14, s20, $0xb8;
	[tilespmem:$0x1E800] =	vst v63  }
0x132: {  	s14 =	smov.u32 s13  }
0x133: {  	p0 =	sne.s32 s13, $0x4000;
	s13 =	sadd.s32 $0x800, s13;
	_ =	swait.ge [sflag:s0], $0x2000  }
0x134: {  	s14 =	sshra.s32 s14, $0x2;
	[sflag:s0] =	ssyncset.done $0x0  }
0x135: {  	s15 =	sadd.s32 $0x1500, s14;
	[sflag:s0] =	ssyncadd.s32 $0xFFFFE000  }
0x136: {  	[spmem:s2] =	stream.indirect.scatter.add.f32 [tilespmem:s26], [sflag:$0x7], $0x80, s15, s20, $0xb8;
	[tilespmem:$0x1E800] =	vst v63  }
0x137: {  	_ =	swait.ge [sflag:s3], $0x2000  }
0x138: {  	[sflag:s3] =	ssyncset.done $0x0  }
0x139: {  	s15 =	sadd.s32 $0x200, s14;
	[sflag:s3] =	ssyncadd.s32 $0xFFFFE000  }
0x13a: {  	[tilespmem:s21], [sflag:$0x1] =	stream.indirect.gather [hbm4b:s1+s20], $0x80, s15, s20, $0xb8;
	[tilespmem:$0x1E800] =	vst v63  }
0x13b: {  	_ =	swait.ge [sflag:s5], $0x2000  }
0x13c: {  	[sflag:s5] =	ssyncset.done $0x0  }
0x13d: {  	s15 =	sadd.s32 $0x1580, s14;
	[sflag:s5] =	ssyncadd.s32 $0xFFFFE000  }
0x13e: {  	[spmem:s2] =	stream.indirect.scatter.add.f32 [tilespmem:s31], [sflag:$0x8], $0x80, s15, s20, $0xb8;
	[tilespmem:$0x1E800] =	vst v63  }
0x13f: {  	_ =	swait.ge [sflag:s7], $0x2000  }
0x140: {  	[sflag:s7] =	ssyncset.done $0x0  }
0x141: {  	s15 =	sadd.s32 $0x280, s14;
	[sflag:s7] =	ssyncadd.s32 $0xFFFFE000  }
0x142: {  	[tilespmem:s23], [sflag:$0x2] =	stream.indirect.gather [hbm4b:s1+s20], $0x80, s15, s20, $0xb8;
	[tilespmem:$0x1E800] =	vst v63  }
0x143: {  	_ =	swait.ge [sflag:s24], $0x2000  }
0x144: {  	[sflag:s24] =	ssyncset.done $0x0  }
0x145: {  	s15 =	sadd.s32 $0x1600, s14;
	[sflag:s24] =	ssyncadd.s32 $0xFFFFE000  }
0x146: {  	[spmem:s2] =	stream.indirect.scatter.add.f32 [tilespmem:s21], [sflag:$0x5], $0x80, s15, s20, $0xb8;
	[tilespmem:$0x1E800] =	vst v63  }
0x147: {  	_ =	swait.ge [sflag:s8], $0x2000  }
0x148: {  	[sflag:s8] =	ssyncset.done $0x0  }
0x149: {  	s15 =	sadd.s32 $0x300, s14;
	[sflag:s8] =	ssyncadd.s32 $0xFFFFE000  }
0x14a: {  	[tilespmem:s26], [sflag:$0x3] =	stream.indirect.gather [hbm4b:s1+s20], $0x80, s15, s20, $0xb8;
	[tilespmem:$0x1E800] =	vst v63  }
0x14b: {  	_ =	swait.ge [sflag:s28], $0x2000  }
0x14c: {  	[sflag:s28] =	ssyncset.done $0x0  }
.Ltmp2:
0x14d: {  	s15 =	sadd.s32 $0x1680, s14;
	[sflag:s28] =	ssyncadd.s32 $0xFFFFE000;
	(pc) =	sbr.rel @p0 .LBB2_6-.Ltmp2, $4  }
0x14e: {  	[spmem:s2] =	stream.indirect.scatter.add.f32 [tilespmem:s23], [sflag:$0x6], $0x80, s15, s20, $0xb8;
	[tilespmem:$0x1E800] =	vst v63  }
0x14f: {  	_ =	swait.ge [sflag:s9], $0x2000  }
0x150: {  	[sflag:s9] =	ssyncset.done $0x0  }
0x151: {  	s14 =	sadd.s32 $0x380, s14;
	[sflag:s9] =	ssyncadd.s32 $0xFFFFE000  }
0x152: {  	[tilespmem:s31], [sflag:$0x4] =	stream.indirect.gather [hbm4b:s1+s20], $0x80, s14, s20, $0xb8;
	[tilespmem:$0x1E800] =	vst v63  }
0x153: {  	_ =	swait.ge [sflag:s0], $0x2000  }
0x154: {  	[sflag:s0] =	ssyncset.done $0x0  }
0x155: {  	[sflag:s0] =	ssyncadd.s32 $0xFFFFE000  }
0x156: {  	[spmem:s2] =	stream.indirect.scatter.add.f32 [tilespmem:s26], [sflag:$0x7], $0x80, s10, s20, $0xb8;
	[tilespmem:$0x1E800] =	vst v63  }
0x157: {  	_ =	swait.ge [sflag:s3], $0x2000  }
0x158: {  	[sflag:s3] =	ssyncset.done $0x0  }
0x159: {  	[sflag:s3] =	ssyncadd.s32 $0xFFFFE000  }
0x15a: {  	_ =	swait.ge [sflag:s5], $0x2000  }
0x15b: {  	[sflag:s5] =	ssyncset.done $0x0  }
0x15c: {  	[sflag:s5] =	ssyncadd.s32 $0xFFFFE000  }
0x15d: {  	[spmem:s2] =	stream.indirect.scatter.add.f32 [tilespmem:s31], [sflag:$0x8], $0x80, s11, s20, $0xb8;
	[tilespmem:$0x1E800] =	vst v63  }
0x15e: {  	_ =	swait.ge [sflag:s7], $0x2000  }
0x15f: {  	[sflag:s7] =	ssyncset.done $0x0  }
0x160: {  	[sflag:s7] =	ssyncadd.s32 $0xFFFFE000  }
0x161: {  	_ =	swait.ge [sflag:s8], $0x2000  }
0x162: {  	[sflag:s8] =	ssyncset.done $0x0  }
0x163: {  	[sflag:s8] =	ssyncadd.s32 $0xFFFFE000  }
0x164: {  	_ =	swait.ge [sflag:s9], $0x2000  }
0x165: {  	[sflag:s9] =	ssyncset.done $0x0  }
0x166: {  	s13 =	simm.s32 $0x0;
	s15 =	rddreg [dreg:$0xb];
	[sflag:s9] =	ssyncadd.s32 $0xFFFFE000  }
0x167: {  	[tilespmem:s13], [sflag:$0x9] =	stream.linear.gather [hbm4b:s15+s13], $0x1400, $0x38;
	[tilespmem:$0x1E800] =	vst v63  }
0x168: {  	_ =	swait.ge [sflag:s18], $0x1400  }
0x169: {  	[sflag:s18] =	ssyncset.done $0x0  }
0x16a: {  	s15 =	rddreg [dreg:$0xc];
	[sflag:s18] =	ssyncadd.s32 $0xFFFFEC00  }
0x16b: {  	[tilespmem:s19], [sflag:$0x9] =	stream.linear.gather [hbm4b:s15+s13], $0x1400, $0x38;
	[tilespmem:$0x1E800] =	vst v63  }
0x16c: {  	_ =	swait.ge [sflag:s18], $0x1400  }
0x16d: {  	[sflag:s18] =	ssyncset.done $0x0  }
0x16e: {  	[sflag:s18] =	ssyncadd.s32 $0xFFFFEC00  }
0x16f: {  	[tilespmem:s21], [sflag:$0x1] =	stream.indirect.gather [hbm4b:s1+s20], $0x80, s13, s20, $0xb8;
	[tilespmem:$0x1E800] =	vst v63  }
0x170: {  	_ = 	snop  }
0x171: {  	[tilespmem:s23], [sflag:$0x2] =	stream.indirect.gather [hbm4b:s1+s20], $0x80, s22, s20, $0xb8;
	[tilespmem:$0x1E800] =	vst v63  }
0x172: {  	_ =	swait.ge [sflag:s24], $0x2000  }
0x173: {  	[sflag:s24] =	ssyncset.done $0x0  }
0x174: {  	[sflag:s24] =	ssyncadd.s32 $0xFFFFE000  }
0x175: {  	[spmem:s2] =	stream.indirect.scatter.add.f32 [tilespmem:s21], [sflag:$0x5], $0x80, s19, s20, $0xb8;
	[tilespmem:$0x1E800] =	vst v63  }
0x176: {  	_ = 	snop  }
0x177: {  	[tilespmem:s26], [sflag:$0x3] =	stream.indirect.gather [hbm4b:s1+s20], $0x80, s25, s20, $0xb8;
	[tilespmem:$0x1E800] =	vst v63  }
0x178: {  	_ =	swait.ge [sflag:s28], $0x2000  }
0x179: {  	[sflag:s28] =	ssyncset.done $0x0  }
0x17a: {  	[sflag:s28] =	ssyncadd.s32 $0xFFFFE000  }
0x17b: {  	[spmem:s2] =	stream.indirect.scatter.add.f32 [tilespmem:s23], [sflag:$0x6], $0x80, s29, s20, $0xb8;
	[tilespmem:$0x1E800] =	vst v63  }
0x17c: {  	_ = 	snop  }
0x17d: {  	[tilespmem:s31], [sflag:$0x4] =	stream.indirect.gather [hbm4b:s1+s20], $0x80, s30, s20, $0xb8;
	[tilespmem:$0x1E800] =	vst v63  }
0x17e: {  	_ =	swait.ge [sflag:s0], $0x2000  }
0x17f: {  	[sflag:s0] =	ssyncset.done $0x0  }
0x180: {  	s15 =	simm.s32 $0x1500;
	[sflag:s0] =	ssyncadd.s32 $0xFFFFE000  }
0x181: {  	[spmem:s2] =	stream.indirect.scatter.add.f32 [tilespmem:s26], [sflag:$0x7], $0x80, s15, s20, $0xb8;
	[tilespmem:$0x1E800] =	vst v63  }
0x182: {  	_ =	swait.ge [sflag:s3], $0x2000  }
0x183: {  	[sflag:s3] =	ssyncset.done $0x0  }
0x184: {  	s14 =	simm.s32 $0x200;
	[sflag:s3] =	ssyncadd.s32 $0xFFFFE000  }
0x185: {  	[tilespmem:s21], [sflag:$0x1] =	stream.indirect.gather [hbm4b:s1+s20], $0x80, s14, s20, $0xb8;
	[tilespmem:$0x1E800] =	vst v63  }
0x186: {  	_ =	swait.ge [sflag:s5], $0x2000  }
0x187: {  	[sflag:s5] =	ssyncset.done $0x0  }
0x188: {  	s15 =	simm.s32 $0x1580;
	[sflag:s5] =	ssyncadd.s32 $0xFFFFE000  }
0x189: {  	[spmem:s2] =	stream.indirect.scatter.add.f32 [tilespmem:s31], [sflag:$0x8], $0x80, s15, s20, $0xb8;
	[tilespmem:$0x1E800] =	vst v63  }
0x18a: {  	_ =	swait.ge [sflag:s7], $0x2000  }
0x18b: {  	[sflag:s7] =	ssyncset.done $0x0  }
0x18c: {  	s14 =	simm.s32 $0x280;
	[sflag:s7] =	ssyncadd.s32 $0xFFFFE000  }
0x18d: {  	[tilespmem:s23], [sflag:$0x2] =	stream.indirect.gather [hbm4b:s1+s20], $0x80, s14, s20, $0xb8;
	[tilespmem:$0x1E800] =	vst v63  }
0x18e: {  	_ =	swait.ge [sflag:s24], $0x2000  }
0x18f: {  	[sflag:s24] =	ssyncset.done $0x0  }
0x190: {  	s15 =	simm.s32 $0x1600;
	[sflag:s24] =	ssyncadd.s32 $0xFFFFE000  }
0x191: {  	[spmem:s2] =	stream.indirect.scatter.add.f32 [tilespmem:s21], [sflag:$0x5], $0x80, s15, s20, $0xb8;
	[tilespmem:$0x1E800] =	vst v63  }
0x192: {  	_ =	swait.ge [sflag:s8], $0x2000  }
0x193: {  	[sflag:s8] =	ssyncset.done $0x0  }
0x194: {  	s14 =	simm.s32 $0x300;
	[sflag:s8] =	ssyncadd.s32 $0xFFFFE000  }
0x195: {  	[tilespmem:s26], [sflag:$0x3] =	stream.indirect.gather [hbm4b:s1+s20], $0x80, s14, s20, $0xb8;
	[tilespmem:$0x1E800] =	vst v63  }
0x196: {  	_ =	swait.ge [sflag:s28], $0x2000  }
0x197: {  	[sflag:s28] =	ssyncset.done $0x0  }
0x198: {  	s15 =	simm.s32 $0x1680;
	[sflag:s28] =	ssyncadd.s32 $0xFFFFE000  }
0x199: {  	[spmem:s2] =	stream.indirect.scatter.add.f32 [tilespmem:s23], [sflag:$0x6], $0x80, s15, s20, $0xb8;
	[tilespmem:$0x1E800] =	vst v63  }
0x19a: {  	_ =	swait.ge [sflag:s9], $0x2000  }
0x19b: {  	[sflag:s9] =	ssyncset.done $0x0  }
0x19c: {  	s13 =	simm.s32 $0x800;
	s14 =	simm.s32 $0x380;
	[sflag:s9] =	ssyncadd.s32 $0xFFFFE000  }
.LBB2_8:
0x19d: {  	[tilespmem:s31], [sflag:$0x4] =	stream.indirect.gather [hbm4b:s1+s20], $0x80, s14, s20, $0xb8;
	[tilespmem:$0x1E800] =	vst v63  }
0x19e: {  	s14 =	smov.u32 s13  }
0x19f: {  	p0 =	sne.s32 s13, $0x4000;
	s13 =	sadd.s32 $0x800, s13;
	_ =	swait.ge [sflag:s0], $0x2000  }
0x1a0: {  	s14 =	sshra.s32 s14, $0x2;
	[sflag:s0] =	ssyncset.done $0x0  }
0x1a1: {  	s15 =	sadd.s32 $0x1500, s14;
	[sflag:s0] =	ssyncadd.s32 $0xFFFFE000  }
0x1a2: {  	[spmem:s2] =	stream.indirect.scatter.add.f32 [tilespmem:s26], [sflag:$0x7], $0x80, s15, s20, $0xb8;
	[tilespmem:$0x1E800] =	vst v63  }
0x1a3: {  	_ =	swait.ge [sflag:s3], $0x2000  }
0x1a4: {  	[sflag:s3] =	ssyncset.done $0x0  }
0x1a5: {  	s15 =	sadd.s32 $0x200, s14;
	[sflag:s3] =	ssyncadd.s32 $0xFFFFE000  }
0x1a6: {  	[tilespmem:s21], [sflag:$0x1] =	stream.indirect.gather [hbm4b:s1+s20], $0x80, s15, s20, $0xb8;
	[tilespmem:$0x1E800] =	vst v63  }
0x1a7: {  	_ =	swait.ge [sflag:s5], $0x2000  }
0x1a8: {  	[sflag:s5] =	ssyncset.done $0x0  }
0x1a9: {  	s15 =	sadd.s32 $0x1580, s14;
	[sflag:s5] =	ssyncadd.s32 $0xFFFFE000  }
0x1aa: {  	[spmem:s2] =	stream.indirect.scatter.add.f32 [tilespmem:s31], [sflag:$0x8], $0x80, s15, s20, $0xb8;
	[tilespmem:$0x1E800] =	vst v63  }
0x1ab: {  	_ =	swait.ge [sflag:s7], $0x2000  }
0x1ac: {  	[sflag:s7] =	ssyncset.done $0x0  }
0x1ad: {  	s15 =	sadd.s32 $0x280, s14;
	[sflag:s7] =	ssyncadd.s32 $0xFFFFE000  }
0x1ae: {  	[tilespmem:s23], [sflag:$0x2] =	stream.indirect.gather [hbm4b:s1+s20], $0x80, s15, s20, $0xb8;
	[tilespmem:$0x1E800] =	vst v63  }
0x1af: {  	_ =	swait.ge [sflag:s24], $0x2000  }
0x1b0: {  	[sflag:s24] =	ssyncset.done $0x0  }
0x1b1: {  	s15 =	sadd.s32 $0x1600, s14;
	[sflag:s24] =	ssyncadd.s32 $0xFFFFE000  }
0x1b2: {  	[spmem:s2] =	stream.indirect.scatter.add.f32 [tilespmem:s21], [sflag:$0x5], $0x80, s15, s20, $0xb8;
	[tilespmem:$0x1E800] =	vst v63  }
0x1b3: {  	_ =	swait.ge [sflag:s8], $0x2000  }
0x1b4: {  	[sflag:s8] =	ssyncset.done $0x0  }
0x1b5: {  	s15 =	sadd.s32 $0x300, s14;
	[sflag:s8] =	ssyncadd.s32 $0xFFFFE000  }
0x1b6: {  	[tilespmem:s26], [sflag:$0x3] =	stream.indirect.gather [hbm4b:s1+s20], $0x80, s15, s20, $0xb8;
	[tilespmem:$0x1E800] =	vst v63  }
0x1b7: {  	_ =	swait.ge [sflag:s28], $0x2000  }
0x1b8: {  	[sflag:s28] =	ssyncset.done $0x0  }
.Ltmp3:
0x1b9: {  	s15 =	sadd.s32 $0x1680, s14;
	[sflag:s28] =	ssyncadd.s32 $0xFFFFE000;
	(pc) =	sbr.rel @p0 .LBB2_8-.Ltmp3, $4  }
0x1ba: {  	[spmem:s2] =	stream.indirect.scatter.add.f32 [tilespmem:s23], [sflag:$0x6], $0x80, s15, s20, $0xb8;
	[tilespmem:$0x1E800] =	vst v63  }
0x1bb: {  	_ =	swait.ge [sflag:s9], $0x2000  }
0x1bc: {  	[sflag:s9] =	ssyncset.done $0x0  }
0x1bd: {  	s14 =	sadd.s32 $0x380, s14;
	[sflag:s9] =	ssyncadd.s32 $0xFFFFE000  }
0x1be: {  	[tilespmem:s31], [sflag:$0x4] =	stream.indirect.gather [hbm4b:s1+s20], $0x80, s14, s20, $0xb8;
	[tilespmem:$0x1E800] =	vst v63  }
0x1bf: {  	_ =	swait.ge [sflag:s0], $0x2000  }
0x1c0: {  	[sflag:s0] =	ssyncset.done $0x0  }
0x1c1: {  	[sflag:s0] =	ssyncadd.s32 $0xFFFFE000  }
0x1c2: {  	[spmem:s2] =	stream.indirect.scatter.add.f32 [tilespmem:s26], [sflag:$0x7], $0x80, s10, s20, $0xb8;
	[tilespmem:$0x1E800] =	vst v63  }
0x1c3: {  	_ =	swait.ge [sflag:s3], $0x2000  }
0x1c4: {  	[sflag:s3] =	ssyncset.done $0x0  }
0x1c5: {  	[sflag:s3] =	ssyncadd.s32 $0xFFFFE000  }
0x1c6: {  	_ =	swait.ge [sflag:s5], $0x2000  }
0x1c7: {  	[sflag:s5] =	ssyncset.done $0x0  }
0x1c8: {  	[sflag:s5] =	ssyncadd.s32 $0xFFFFE000  }
0x1c9: {  	[spmem:s2] =	stream.indirect.scatter.add.f32 [tilespmem:s31], [sflag:$0x8], $0x80, s11, s20, $0xb8;
	[tilespmem:$0x1E800] =	vst v63  }
0x1ca: {  	_ =	swait.ge [sflag:s7], $0x2000  }
0x1cb: {  	[sflag:s7] =	ssyncset.done $0x0  }
0x1cc: {  	[sflag:s7] =	ssyncadd.s32 $0xFFFFE000  }
0x1cd: {  	_ =	swait.ge [sflag:s8], $0x2000  }
0x1ce: {  	[sflag:s8] =	ssyncset.done $0x0  }
0x1cf: {  	[sflag:s8] =	ssyncadd.s32 $0xFFFFE000  }
0x1d0: {  	_ =	swait.ge [sflag:s9], $0x2000  }
0x1d1: {  	[sflag:s9] =	ssyncset.done $0x0  }
0x1d2: {  	s12 =	sadd.s32 $0x1, s12;
	[sflag:s9] =	ssyncadd.s32 $0xFFFFE000  }
0x1d3: {  	p0 =	sne.s32 s12, s16;
	[bflag:$0x0] =	sbarrier.arrive $0xFFFF  }
.Ltmp4:
0x1d4: {  	s13 =	rddreg [dreg:$0xd];
	(pc) =	sbr.rel @p0 .LBB2_1-.Ltmp4, $4  }
0x1d5: {  	[hbm:s13], [sflag:s6] =	dma.local [spmem:s17], $0x2800  }
0x1d6: {  	_ =	swait.ge [sflag:s18], $0x2800  }
0x1d7: {  	[sflag:s18] =	ssyncset.done $0x0  }
0x1d8: {  	[sflag:s18] =	ssyncadd.s32 $0xFFFFD800  }
0x1d9: {  	_ =	sfence.sel $0x180000  }
0x1da: {  	[bflag:$0x0] =	sbarrier.arrive $0xFFFF  }
0x1db: {  	_ =	strace $0x90000047  }
0x1dc: {  	s0 =	stileid.u32;
	[bflag:$0x2] =	sbarrier.arrive $0xFFFF  }
0x1dd: {  	p0 =	sne.s32 s0, $0x0;
	s0 =	rddreg [dreg:$0x3]  }
0x1de: {  	s0 =	sadd.s32 @!p0 $0x100000, s0  }
0x1df: {  	[sflag:s0] =	ssyncadd.tile.s32 @!p0 $0x1;
	_ =	shalt  }
.Lfunc_end2:
_tile_overlayer_lowered:
.L_overlay_start_2:
0x1e0: {  	(tag) =	ssettag $0x2  }
0x1e1: {  	s0 =	rddreg [dreg:$0x0];
	s2 =	stileid.u32  }
0x1e2: {  	s1 =	rddreg [dreg:$0x1];
	p0 =	sne.s32 s2, $0x0  }
0x1e3: {  	s3 =	rddreg [dreg:$0x2];
	[bflag:$0x3] =	sbarrier.arrive $0xFFFF;
	s2 =	simm.s32 @!p0 $0x1C09  }
0x1e4: {  	[timem:s3], [sflag:s2] =	dma.local @!p0 [hbm:s0], s1  }
0x1e5: {  	s0 =	simm.s32 @!p0 $0x9  }
0x1e6: {  	_ =	swait.ge @!p0 [sflag:s0], s1  }
0x1e7: {  	s1 =	ssub.s32 @!p0 $0x0, s1;
	[sflag:s0] =	ssyncset.done @!p0 $0x0  }
0x1e8: {  	[sflag:s0] =	ssyncadd.s32 @!p0 s1  }
0x1e9: {  	[bflag:$0x3] =	sbarrier.arrive $0xFFFF  }
0x1ea: {  	_ =	shalt  }

</sc_bundles>
